<compile_context>
chip_gen: v7x
topology: tpu7x:2x2x1
jax: 0.10.2.dev20260603
libtpu: 0.0.44.dev20260713+nightly
codegen_flags: <defaults>
</compile_context>

<pallas_src>
import functools

import jax
import jax.numpy as jnp
from jax import lax
from jax.experimental import pallas as pl
from jax.experimental.pallas import tpu as pltpu
from jax.experimental.pallas import tpu_sc as plsc

VOCAB_ROWS = 1002
D = 50
DP = 64
B, L = 4096, 256
N = B * L

NUM_CORES = 2
NUM_SUBCORES = 16
NW = NUM_CORES * NUM_SUBCORES
BPW = N // NW

GROUP = 128
CHUNK = 512
G = CHUNK // GROUP
NCHUNK = BPW // CHUNK
NBLK = CHUNK // 8

_mesh = plsc.VectorSubcoreMesh(core_axis_name="c", subcore_axis_name="s")


@functools.partial(
    pl.kernel,
    mesh=_mesh,
    compiler_params=pltpu.CompilerParams(
        use_tc_tiling_on_sc=False, needs_layout_passes=False
    ),
    out_type=jax.ShapeDtypeStruct((N, D), jnp.float32),
    scratch_types=[
        pltpu.VMEM_SHARED((VOCAB_ROWS, DP), jnp.float32),
        pltpu.VMEM((2 * G, GROUP), jnp.int32),
        pltpu.VMEM((2 * G, GROUP), jnp.int32),
        pltpu.VMEM((CHUNK, DP), jnp.float32),
        pltpu.VMEM((CHUNK, DP), jnp.float32),
        pltpu.VMEM((CHUNK, D), jnp.float32),
        pltpu.VMEM((CHUNK, D), jnp.float32),
        pltpu.SemaphoreType.DMA,
        pltpu.SemaphoreType.DMA,
        pltpu.SemaphoreType.DMA,
        pltpu.SemaphoreType.DMA,
    ],
)
def _embed_lookup(idx_hbm, table_hbm, out_hbm, table_sp, idx0, idx1,
                  rows0, rows1, packed0, packed1,
                  gsem0, gsem1, osem0, osem1):
    wid = lax.axis_index("s") * NUM_CORES + lax.axis_index("c")
    base = wid * BPW

    @pl.when(lax.axis_index("s") == 0)
    def _stage_table():
        pltpu.sync_copy(table_hbm, table_sp)

    plsc.subcore_barrier()
    idxb = (idx0, idx1)
    rows = (rows0, rows1)
    packed = (packed0, packed1)
    gsems = (gsem0, gsem1)
    osems = (osem0, osem1)

    def _stage_idx(co, buf):
        irow = pl.multiple_of((base + co * 2 * CHUNK) // GROUP, 2 * G)
        pltpu.sync_copy(idx_hbm.at[pl.ds(irow, 2 * G)], buf)

    def _fire_gathers(p, ib, slot):
        table = table_sp if p == 0 else table_hbm
        for j in range(G):
            pltpu.async_copy(
                table.at[ib.at[slot * G + j]],
                rows[p].at[pl.ds(j * GROUP, GROUP)],
                gsems[p],
            )

    def _drain_gathers(p):
        table = table_sp if p == 0 else table_hbm
        pltpu.make_async_copy(
            table.at[pl.ds(0, CHUNK)], rows[p], gsems[p]
        ).wait()

    _stage_idx(0, idxb[0])


    def outer(cq, carry):
        for hb in range(2):
            co = cq * 2 + hb

            @pl.when(co + 1 < NCHUNK // 2)
            def _():
                _stage_idx(co + 1, idxb[(hb + 1) % 2])

            for b in range(2):
                ci = co * 2 + b
                off = pl.multiple_of(base + ci * CHUNK, CHUNK)
                rbuf = rows[b]
                pbuf = packed[b]
                osem = osems[b]



                @plsc.parallel_loop(0, NBLK, unroll=2)
                def _blk(blk):
                    rbase = blk * 8
                    for rr in range(8):
                        for c in (0, 16, 32, 34):
                            pbuf[rbase + rr, pl.ds(c, 16)] = (
                                rbuf[rbase + rr, pl.ds(c, 16)]
                            )


                pltpu.sync_copy(pbuf, out_hbm.at[pl.ds(off, CHUNK)])
        return carry

    lax.fori_loop(0, NCHUNK // 4, outer, 0)



def kernel(seqs, att_mask, word_embedding):
    del att_mask
    idx2d = seqs.reshape(N // GROUP, GROUP).astype(jnp.int32)
    table_p = jnp.pad(word_embedding, ((0, 0), (0, DP - D)))
    out = _embed_lookup(idx2d, table_p)
    return out.reshape(B, L, D)

# --- scband reference (transcript-rebuilt; emitter-appended) ---
"""Pipeline reference for scband-base-encoder-64304250355851 (READ-ONLY COPY).

The authoritative reference and input builder live on the scoring server;
editing this copy changes nothing except your own understanding.
"""

import jax, jax.numpy as jnp
import numpy as np

VOCAB = 1000
NUM_TOKEN = VOCAB + 2  # vocab + [UNK] + [PAD]
WORD_SIZE = 50
B, L = 4096, 256

def setup_inputs(seed: int = 0) -> dict:
    key = jax.random.key(seed)
    k1, k2 = jax.random.split(key)
    seqs = jax.random.randint(k1, (B, L), 0, VOCAB)
    att_mask = jnp.ones((B, L), dtype=jnp.int32)
    # learned parameter: nn.Embedding(num_token, word_size) weight
    word_embedding = jax.random.normal(k2, (NUM_TOKEN, WORD_SIZE), dtype=jnp.float32) / np.sqrt(WORD_SIZE)
    return {"seqs": seqs, "att_mask": att_mask, "word_embedding": word_embedding}

def reference(seqs, att_mask, word_embedding):
    # BaseEncoder.forward: inputs_embed = self.word_embedding(seqs); return inputs_embed
    # (att_mask is accepted but unused by the original forward)
    inputs_embed = jnp.take(word_embedding, seqs, axis=0)  # (B, L, word_size)
    return inputs_embed

if __name__ == "__main__":
    import jax
    _d = setup_inputs()
    print(jax.jit(kernel)(*tuple(_d.values())))

</pallas_src>

<mosaic_0001>
#map = affine_map<(d0, d1) -> (0, 0)>
module attributes {stable_mosaic.version = 14 : i64} {
  func.func @_embed_lookup(%arg0: i32, %arg1: i32, %arg2: memref<8192x128xi32, #tpu.memory_space<hbm>>, %arg3: memref<1002x64xf32, #tpu.memory_space<hbm>>, %arg4: memref<1048576x50xf32, #tpu.memory_space<hbm>>, %arg5: memref<1002x64xf32, #tpu.memory_space<vmem_shared>>, %arg6: memref<8x128xi32, #tpu.memory_space<vmem>>, %arg7: memref<8x128xi32, #tpu.memory_space<vmem>>, %arg8: memref<512x64xf32, #tpu.memory_space<vmem>>, %arg9: memref<512x64xf32, #tpu.memory_space<vmem>>, %arg10: memref<512x50xf32, #tpu.memory_space<vmem>>, %arg11: memref<512x50xf32, #tpu.memory_space<vmem>>, %arg12: memref<!tpu.dma_semaphore, #tpu.memory_space<semaphore_mem>>, %arg13: memref<!tpu.dma_semaphore, #tpu.memory_space<semaphore_mem>>, %arg14: memref<!tpu.dma_semaphore, #tpu.memory_space<semaphore_mem>>, %arg15: memref<!tpu.dma_semaphore, #tpu.memory_space<semaphore_mem>>) attributes {dimension_semantics = [#tpu.dimension_semantics<core_parallel>, #tpu.dimension_semantics<subcore_parallel>], iteration_bounds = array<i64: 2, 16>, scalar_prefetch = 0 : i64, scratch_operands = 11 : i64, tpu.core_type = #tpu.core_type<sc_vector_subcore>, window_params = [{transform_indices = #map}, {transform_indices = #map}, {transform_indices = #map}]} {
    %mul3A = arith.constant 2 : i32
    %mul3A_0 = arith.muli %arg1, %mul3A : i32
    %add3A = arith.addi %mul3A_0, %arg0 : i32
    %mul3A_1 = arith.constant 32768 : i32
    %mul3A_2 = arith.muli %add3A, %mul3A_1 : i32
    %eq3A = arith.constant 0 : i32
    %eq3A_3 = arith.cmpi eq, %arg1, %eq3A : i32
    %convert_element_type3A = arith.extui %eq3A_3 : i1 to i32
    %cond3A = arith.constant 0 : i32
    %cond3A_4 = arith.cmpi ne, %convert_element_type3A, %cond3A : i32
    scf.if %cond3A_4 {
      "tpu.region"() ({
        %run_scoped3A = tpu.sem_alloc : memref<!tpu.dma_semaphore, #tpu.memory_space<semaphore_mem>>
        tpu.enqueue_dma source(%arg3 : memref<1002x64xf32, #tpu.memory_space<hbm>>) target(%arg5 : memref<1002x64xf32, #tpu.memory_space<vmem_shared>>) target_semaphore(%run_scoped3A : memref<!tpu.dma_semaphore, #tpu.memory_space<semaphore_mem>>)
        tpu.wait_dma2 semaphore(%run_scoped3A : memref<!tpu.dma_semaphore, #tpu.memory_space<semaphore_mem>>) src(%arg3 : memref<1002x64xf32, #tpu.memory_space<hbm>>) dst(%arg5 : memref<1002x64xf32, #tpu.memory_space<vmem_shared>>)
        tpu.yield
      }) : () -> ()
    } else {
    }
    %barrier3A = arith.constant 0 : index
    tpu.barrier barrier_id(%barrier3A)
    %add3A_5 = arith.constant 0 : i32
    %add3A_6 = arith.addi %mul3A_2, %add3A_5 : i32
    %jit3A = arith.constant 128 : i32
    %div3A = arith.divsi %add3A_6, %jit3A : i32
    %sign3A = arith.constant 0 : i32
    %sign3A_7 = arith.cmpi sgt, %add3A_6, %sign3A : i32
    %sign3A_8 = arith.extui %sign3A_7 : i1 to i32
    %sign3A_9 = arith.constant 0 : i32
    %sign3A_10 = arith.cmpi slt, %add3A_6, %sign3A_9 : i32
    %sign3A_11 = arith.extui %sign3A_10 : i1 to i32
    %sign3A_12 = arith.subi %sign3A_8, %sign3A_11 : i32
    %sign3A_13 = arith.constant 0 : i32
    %sign3A_14 = arith.cmpi sgt, %jit3A, %sign3A_13 : i32
    %sign3A_15 = arith.extui %sign3A_14 : i1 to i32
    %sign3A_16 = arith.constant 0 : i32
    %sign3A_17 = arith.cmpi slt, %jit3A, %sign3A_16 : i32
    %sign3A_18 = arith.extui %sign3A_17 : i1 to i32
    %sign3A_19 = arith.subi %sign3A_15, %sign3A_18 : i32
    %ne3A = arith.cmpi ne, %sign3A_12, %sign3A_19 : i32
    %rem3A = arith.remsi %add3A_6, %jit3A : i32
    %ne3A_20 = arith.constant 0 : i32
    %ne3A_21 = arith.cmpi ne, %rem3A, %ne3A_20 : i32
    %and3A = arith.andi %ne3A, %ne3A_21 : i1
    %sub3A = arith.constant 1 : i32
    %sub3A_22 = arith.subi %div3A, %sub3A : i32
    %select_n3A = arith.select %and3A, %sub3A_22, %div3A : i32
    %multiple_of3A = tpu.assume_multiple %select_n3A, 8 : i32
    "tpu.region"() ({
      %run_scoped3A = tpu.sem_alloc : memref<!tpu.dma_semaphore, #tpu.memory_space<semaphore_mem>>
      %dma_start3A = arith.constant 0 : i32
      %dma_start3A_28 = tpu.memref_slice %arg2[%multiple_of3A, %dma_start3A] : memref<8192x128xi32, #tpu.memory_space<hbm>> -> memref<8x128xi32, #tpu.memory_space<hbm>>
      %dma_start3A_29 = arith.constant 0 : i32
      %dma_start3A_30 = tpu.memref_slice %arg2[%multiple_of3A, %dma_start3A_29] : memref<8192x128xi32, #tpu.memory_space<hbm>> -> memref<8x128xi32, #tpu.memory_space<hbm>>
      tpu.enqueue_dma source(%dma_start3A_30 : memref<8x128xi32, #tpu.memory_space<hbm>>) target(%arg6 : memref<8x128xi32, #tpu.memory_space<vmem>>) target_semaphore(%run_scoped3A : memref<!tpu.dma_semaphore, #tpu.memory_space<semaphore_mem>>)
      %dma_wait3A = arith.constant 0 : i32
      %dma_wait3A_31 = tpu.memref_slice %arg2[%multiple_of3A, %dma_wait3A] : memref<8192x128xi32, #tpu.memory_space<hbm>> -> memref<8x128xi32, #tpu.memory_space<hbm>>
      %dma_wait3A_32 = arith.constant 0 : i32
      %dma_wait3A_33 = tpu.memref_slice %arg2[%multiple_of3A, %dma_wait3A_32] : memref<8192x128xi32, #tpu.memory_space<hbm>> -> memref<8x128xi32, #tpu.memory_space<hbm>>
      tpu.wait_dma2 semaphore(%run_scoped3A : memref<!tpu.dma_semaphore, #tpu.memory_space<semaphore_mem>>) src(%dma_wait3A_33 : memref<8x128xi32, #tpu.memory_space<hbm>>) dst(%arg6 : memref<8x128xi32, #tpu.memory_space<vmem>>)
      tpu.yield
    }) : () -> ()
    %scan3A = arith.constant 0 : i32
    %scan3A_23 = arith.constant 0 : i32
    %scan3A_24 = arith.constant 16 : i32
    %scan3A_25 = arith.addi %scan3A_23, %scan3A_24 : i32
    %scan3A_26 = arith.constant 1 : i32
    scf.for %scan3A_28 = %scan3A_23 to %scan3A_25 step %scan3A_26  : i32 {
      %mul3A_29 = arith.constant 2 : i32
      %mul3A_30 = arith.muli %scan3A_28, %mul3A_29 : i32
      %add3A_31 = arith.constant 0 : i32
      %add3A_32 = arith.addi %mul3A_30, %add3A_31 : i32
      %add3A_33 = arith.constant 1 : i32
      %add3A_34 = arith.addi %add3A_32, %add3A_33 : i32
      %lt3A = arith.constant 32 : i32
      %lt3A_35 = arith.cmpi slt, %add3A_34, %lt3A : i32
      %convert_element_type3A_36 = arith.extui %lt3A_35 : i1 to i32
      %cond3A_37 = arith.constant 0 : i32
      %cond3A_38 = arith.cmpi ne, %convert_element_type3A_36, %cond3A_37 : i32
      scf.if %cond3A_38 {
        %add3A_93 = arith.constant 1 : i32
        %add3A_94 = arith.addi %add3A_32, %add3A_93 : i32
        %mul3A_95 = arith.constant 2 : i32
        %mul3A_96 = arith.muli %add3A_94, %mul3A_95 : i32
        %mul3A_97 = arith.constant 512 : i32
        %mul3A_98 = arith.muli %mul3A_96, %mul3A_97 : i32
        %add3A_99 = arith.addi %mul3A_2, %mul3A_98 : i32
        %jit3A_100 = arith.constant 128 : i32
        %div3A_101 = arith.divsi %add3A_99, %jit3A_100 : i32
        %sign3A_102 = arith.constant 0 : i32
        %sign3A_103 = arith.cmpi sgt, %add3A_99, %sign3A_102 : i32
        %sign3A_104 = arith.extui %sign3A_103 : i1 to i32
        %sign3A_105 = arith.constant 0 : i32
        %sign3A_106 = arith.cmpi slt, %add3A_99, %sign3A_105 : i32
        %sign3A_107 = arith.extui %sign3A_106 : i1 to i32
        %sign3A_108 = arith.subi %sign3A_104, %sign3A_107 : i32
        %sign3A_109 = arith.constant 0 : i32
        %sign3A_110 = arith.cmpi sgt, %jit3A_100, %sign3A_109 : i32
        %sign3A_111 = arith.extui %sign3A_110 : i1 to i32
        %sign3A_112 = arith.constant 0 : i32
        %sign3A_113 = arith.cmpi slt, %jit3A_100, %sign3A_112 : i32
        %sign3A_114 = arith.extui %sign3A_113 : i1 to i32
        %sign3A_115 = arith.subi %sign3A_111, %sign3A_114 : i32
        %ne3A_116 = arith.cmpi ne, %sign3A_108, %sign3A_115 : i32
        %rem3A_117 = arith.remsi %add3A_99, %jit3A_100 : i32
        %ne3A_118 = arith.constant 0 : i32
        %ne3A_119 = arith.cmpi ne, %rem3A_117, %ne3A_118 : i32
        %and3A_120 = arith.andi %ne3A_116, %ne3A_119 : i1
        %sub3A_121 = arith.constant 1 : i32
        %sub3A_122 = arith.subi %div3A_101, %sub3A_121 : i32
        %select_n3A_123 = arith.select %and3A_120, %sub3A_122, %div3A_101 : i32
        %multiple_of3A_124 = tpu.assume_multiple %select_n3A_123, 8 : i32
        "tpu.region"() ({
          %run_scoped3A = tpu.sem_alloc : memref<!tpu.dma_semaphore, #tpu.memory_space<semaphore_mem>>
          %dma_start3A = arith.constant 0 : i32
          %dma_start3A_125 = tpu.memref_slice %arg2[%multiple_of3A_124, %dma_start3A] : memref<8192x128xi32, #tpu.memory_space<hbm>> -> memref<8x128xi32, #tpu.memory_space<hbm>>
          %dma_start3A_126 = arith.constant 0 : i32
          %dma_start3A_127 = tpu.memref_slice %arg2[%multiple_of3A_124, %dma_start3A_126] : memref<8192x128xi32, #tpu.memory_space<hbm>> -> memref<8x128xi32, #tpu.memory_space<hbm>>
          tpu.enqueue_dma source(%dma_start3A_127 : memref<8x128xi32, #tpu.memory_space<hbm>>) target(%arg7 : memref<8x128xi32, #tpu.memory_space<vmem>>) target_semaphore(%run_scoped3A : memref<!tpu.dma_semaphore, #tpu.memory_space<semaphore_mem>>)
          %dma_wait3A = arith.constant 0 : i32
          %dma_wait3A_128 = tpu.memref_slice %arg2[%multiple_of3A_124, %dma_wait3A] : memref<8192x128xi32, #tpu.memory_space<hbm>> -> memref<8x128xi32, #tpu.memory_space<hbm>>
          %dma_wait3A_129 = arith.constant 0 : i32
          %dma_wait3A_130 = tpu.memref_slice %arg2[%multiple_of3A_124, %dma_wait3A_129] : memref<8192x128xi32, #tpu.memory_space<hbm>> -> memref<8x128xi32, #tpu.memory_space<hbm>>
          tpu.wait_dma2 semaphore(%run_scoped3A : memref<!tpu.dma_semaphore, #tpu.memory_space<semaphore_mem>>) src(%dma_wait3A_130 : memref<8x128xi32, #tpu.memory_space<hbm>>) dst(%arg7 : memref<8x128xi32, #tpu.memory_space<vmem>>)
          tpu.yield
        }) : () -> ()
      } else {
      }
      %mul3A_39 = arith.constant 2 : i32
      %mul3A_40 = arith.muli %add3A_32, %mul3A_39 : i32
      %add3A_41 = arith.constant 0 : i32
      %add3A_42 = arith.addi %mul3A_40, %add3A_41 : i32
      %mul3A_43 = arith.constant 512 : i32
      %mul3A_44 = arith.muli %add3A_42, %mul3A_43 : i32
      %add3A_45 = arith.addi %mul3A_2, %mul3A_44 : i32
      %multiple_of3A_46 = tpu.assume_multiple %add3A_45, 512 : i32
      %parallel_loop3A = arith.constant 0 : i32
      %parallel_loop3A_47 = arith.constant 64 : i32
      %parallel_loop3A_48 = arith.constant 1 : i32
      scf.for %parallel_loop3A_93 = %parallel_loop3A to %parallel_loop3A_47 step %parallel_loop3A_48  : i32 {
        %parallel_loop3A_94 = arith.constant 8 : i32
        %parallel_loop3A_95 = arith.muli %parallel_loop3A_93, %parallel_loop3A_94 : i32
        %parallel_loop3A_96 = arith.constant 0 : i32
        %parallel_loop3A_97 = arith.addi %parallel_loop3A_95, %parallel_loop3A_96 : i32
        %parallel_loop3A_98 = arith.index_cast %parallel_loop3A_97 : i32 to index
        %parallel_loop3A_99 = arith.constant 0 : index
        %parallel_loop3A_100 = tpu.vector_load %arg8[%parallel_loop3A_98, %parallel_loop3A_99] {strides = array<i32>} : memref<512x64xf32, #tpu.memory_space<vmem>>, vector<16xf32>,
        %parallel_loop3A_101 = arith.constant 0 : i32
        %parallel_loop3A_102 = arith.addi %parallel_loop3A_95, %parallel_loop3A_101 : i32
        %parallel_loop3A_103 = arith.index_cast %parallel_loop3A_102 : i32 to index
        %parallel_loop3A_104 = arith.constant 0 : index
        %parallel_loop3A_105 = tpu.vector_load %arg10[%parallel_loop3A_103, %parallel_loop3A_104] {strides = array<i32>} : memref<512x50xf32, #tpu.memory_space<vmem>>, vector<16xf32>,
        tpu.vector_store %arg10[%parallel_loop3A_103, %parallel_loop3A_104], %parallel_loop3A_100 {strides = array<i32>} : memref<512x50xf32, #tpu.memory_space<vmem>>, vector<16xf32>,
        %parallel_loop3A_106 = arith.constant 0 : i32
        %parallel_loop3A_107 = arith.addi %parallel_loop3A_95, %parallel_loop3A_106 : i32
        %parallel_loop3A_108 = arith.index_cast %parallel_loop3A_107 : i32 to index
        %parallel_loop3A_109 = arith.constant 16 : index
        %parallel_loop3A_110 = tpu.vector_load %arg8[%parallel_loop3A_108, %parallel_loop3A_109] {strides = array<i32>} : memref<512x64xf32, #tpu.memory_space<vmem>>, vector<16xf32>,
        %parallel_loop3A_111 = arith.constant 0 : i32
        %parallel_loop3A_112 = arith.addi %parallel_loop3A_95, %parallel_loop3A_111 : i32
        %parallel_loop3A_113 = arith.index_cast %parallel_loop3A_112 : i32 to index
        %parallel_loop3A_114 = arith.constant 16 : index
        %parallel_loop3A_115 = tpu.vector_load %arg10[%parallel_loop3A_113, %parallel_loop3A_114] {strides = array<i32>} : memref<512x50xf32, #tpu.memory_space<vmem>>, vector<16xf32>,
        tpu.vector_store %arg10[%parallel_loop3A_113, %parallel_loop3A_114], %parallel_loop3A_110 {strides = array<i32>} : memref<512x50xf32, #tpu.memory_space<vmem>>, vector<16xf32>,
        %parallel_loop3A_116 = arith.constant 0 : i32
        %parallel_loop3A_117 = arith.addi %parallel_loop3A_95, %parallel_loop3A_116 : i32
        %parallel_loop3A_118 = arith.index_cast %parallel_loop3A_117 : i32 to index
        %parallel_loop3A_119 = arith.constant 32 : index
        %parallel_loop3A_120 = tpu.vector_load %arg8[%parallel_loop3A_118, %parallel_loop3A_119] {strides = array<i32>} : memref<512x64xf32, #tpu.memory_space<vmem>>, vector<16xf32>,
        %parallel_loop3A_121 = arith.constant 0 : i32
        %parallel_loop3A_122 = arith.addi %parallel_loop3A_95, %parallel_loop3A_121 : i32
        %parallel_loop3A_123 = arith.index_cast %parallel_loop3A_122 : i32 to index
        %parallel_loop3A_124 = arith.constant 32 : index
        %parallel_loop3A_125 = tpu.vector_load %arg10[%parallel_loop3A_123, %parallel_loop3A_124] {strides = array<i32>} : memref<512x50xf32, #tpu.memory_space<vmem>>, vector<16xf32>,
        tpu.vector_store %arg10[%parallel_loop3A_123, %parallel_loop3A_124], %parallel_loop3A_120 {strides = array<i32>} : memref<512x50xf32, #tpu.memory_space<vmem>>, vector<16xf32>,
        %parallel_loop3A_126 = arith.constant 0 : i32
        %parallel_loop3A_127 = arith.addi %parallel_loop3A_95, %parallel_loop3A_126 : i32
        %parallel_loop3A_128 = arith.index_cast %parallel_loop3A_127 : i32 to index
        %parallel_loop3A_129 = arith.constant 34 : index
        %parallel_loop3A_130 = tpu.vector_load %arg8[%parallel_loop3A_128, %parallel_loop3A_129] {strides = array<i32>} : memref<512x64xf32, #tpu.memory_space<vmem>>, vector<16xf32>,
        %parallel_loop3A_131 = arith.constant 0 : i32
        %parallel_loop3A_132 = arith.addi %parallel_loop3A_95, %parallel_loop3A_131 : i32
        %parallel_loop3A_133 = arith.index_cast %parallel_loop3A_132 : i32 to index
        %parallel_loop3A_134 = arith.constant 34 : index
        %parallel_loop3A_135 = tpu.vector_load %arg10[%parallel_loop3A_133, %parallel_loop3A_134] {strides = array<i32>} : memref<512x50xf32, #tpu.memory_space<vmem>>, vector<16xf32>,
        tpu.vector_store %arg10[%parallel_loop3A_133, %parallel_loop3A_134], %parallel_loop3A_130 {strides = array<i32>} : memref<512x50xf32, #tpu.memory_space<vmem>>, vector<16xf32>,
        %parallel_loop3A_136 = arith.constant 1 : i32
        %parallel_loop3A_137 = arith.addi %parallel_loop3A_95, %parallel_loop3A_136 : i32
        %parallel_loop3A_138 = arith.index_cast %parallel_loop3A_137 : i32 to index
        %parallel_loop3A_139 = arith.constant 0 : index
        %parallel_loop3A_140 = tpu.vector_load %arg8[%parallel_loop3A_138, %parallel_loop3A_139] {strides = array<i32>} : memref<512x64xf32, #tpu.memory_space<vmem>>, vector<16xf32>,
        %parallel_loop3A_141 = arith.constant 1 : i32
        %parallel_loop3A_142 = arith.addi %parallel_loop3A_95, %parallel_loop3A_141 : i32
        %parallel_loop3A_143 = arith.index_cast %parallel_loop3A_142 : i32 to index
        %parallel_loop3A_144 = arith.constant 0 : index
        %parallel_loop3A_145 = tpu.vector_load %arg10[%parallel_loop3A_143, %parallel_loop3A_144] {strides = array<i32>} : memref<512x50xf32, #tpu.memory_space<vmem>>, vector<16xf32>,
        tpu.vector_store %arg10[%parallel_loop3A_143, %parallel_loop3A_144], %parallel_loop3A_140 {strides = array<i32>} : memref<512x50xf32, #tpu.memory_space<vmem>>, vector<16xf32>,
        %parallel_loop3A_146 = arith.constant 1 : i32
        %parallel_loop3A_147 = arith.addi %parallel_loop3A_95, %parallel_loop3A_146 : i32
        %parallel_loop3A_148 = arith.index_cast %parallel_loop3A_147 : i32 to index
        %parallel_loop3A_149 = arith.constant 16 : index
        %parallel_loop3A_150 = tpu.vector_load %arg8[%parallel_loop3A_148, %parallel_loop3A_149] {strides = array<i32>} : memref<512x64xf32, #tpu.memory_space<vmem>>, vector<16xf32>,
        %parallel_loop3A_151 = arith.constant 1 : i32
        %parallel_loop3A_152 = arith.addi %parallel_loop3A_95, %parallel_loop3A_151 : i32
        %parallel_loop3A_153 = arith.index_cast %parallel_loop3A_152 : i32 to index
        %parallel_loop3A_154 = arith.constant 16 : index
        %parallel_loop3A_155 = tpu.vector_load %arg10[%parallel_loop3A_153, %parallel_loop3A_154] {strides = array<i32>} : memref<512x50xf32, #tpu.memory_space<vmem>>, vector<16xf32>,
        tpu.vector_store %arg10[%parallel_loop3A_153, %parallel_loop3A_154], %parallel_loop3A_150 {strides = array<i32>} : memref<512x50xf32, #tpu.memory_space<vmem>>, vector<16xf32>,
        %parallel_loop3A_156 = arith.constant 1 : i32
        %parallel_loop3A_157 = arith.addi %parallel_loop3A_95, %parallel_loop3A_156 : i32
        %parallel_loop3A_158 = arith.index_cast %parallel_loop3A_157 : i32 to index
        %parallel_loop3A_159 = arith.constant 32 : index
        %parallel_loop3A_160 = tpu.vector_load %arg8[%parallel_loop3A_158, %parallel_loop3A_159] {strides = array<i32>} : memref<512x64xf32, #tpu.memory_space<vmem>>, vector<16xf32>,
        %parallel_loop3A_161 = arith.constant 1 : i32
        %parallel_loop3A_162 = arith.addi %parallel_loop3A_95, %parallel_loop3A_161 : i32
        %parallel_loop3A_163 = arith.index_cast %parallel_loop3A_162 : i32 to index
        %parallel_loop3A_164 = arith.constant 32 : index
        %parallel_loop3A_165 = tpu.vector_load %arg10[%parallel_loop3A_163, %parallel_loop3A_164] {strides = array<i32>} : memref<512x50xf32, #tpu.memory_space<vmem>>, vector<16xf32>,
        tpu.vector_store %arg10[%parallel_loop3A_163, %parallel_loop3A_164], %parallel_loop3A_160 {strides = array<i32>} : memref<512x50xf32, #tpu.memory_space<vmem>>, vector<16xf32>,
        %parallel_loop3A_166 = arith.constant 1 : i32
        %parallel_loop3A_167 = arith.addi %parallel_loop3A_95, %parallel_loop3A_166 : i32
        %parallel_loop3A_168 = arith.index_cast %parallel_loop3A_167 : i32 to index
        %parallel_loop3A_169 = arith.constant 34 : index
        %parallel_loop3A_170 = tpu.vector_load %arg8[%parallel_loop3A_168, %parallel_loop3A_169] {strides = array<i32>} : memref<512x64xf32, #tpu.memory_space<vmem>>, vector<16xf32>,
        %parallel_loop3A_171 = arith.constant 1 : i32
        %parallel_loop3A_172 = arith.addi %parallel_loop3A_95, %parallel_loop3A_171 : i32
        %parallel_loop3A_173 = arith.index_cast %parallel_loop3A_172 : i32 to index
        %parallel_loop3A_174 = arith.constant 34 : index
        %parallel_loop3A_175 = tpu.vector_load %arg10[%parallel_loop3A_173, %parallel_loop3A_174] {strides = array<i32>} : memref<512x50xf32, #tpu.memory_space<vmem>>, vector<16xf32>,
        tpu.vector_store %arg10[%parallel_loop3A_173, %parallel_loop3A_174], %parallel_loop3A_170 {strides = array<i32>} : memref<512x50xf32, #tpu.memory_space<vmem>>, vector<16xf32>,
        %parallel_loop3A_176 = arith.constant 2 : i32
        %parallel_loop3A_177 = arith.addi %parallel_loop3A_95, %parallel_loop3A_176 : i32
        %parallel_loop3A_178 = arith.index_cast %parallel_loop3A_177 : i32 to index
        %parallel_loop3A_179 = arith.constant 0 : index
        %parallel_loop3A_180 = tpu.vector_load %arg8[%parallel_loop3A_178, %parallel_loop3A_179] {strides = array<i32>} : memref<512x64xf32, #tpu.memory_space<vmem>>, vector<16xf32>,
        %parallel_loop3A_181 = arith.constant 2 : i32
        %parallel_loop3A_182 = arith.addi %parallel_loop3A_95, %parallel_loop3A_181 : i32
        %parallel_loop3A_183 = arith.index_cast %parallel_loop3A_182 : i32 to index
        %parallel_loop3A_184 = arith.constant 0 : index
        %parallel_loop3A_185 = tpu.vector_load %arg10[%parallel_loop3A_183, %parallel_loop3A_184] {strides = array<i32>} : memref<512x50xf32, #tpu.memory_space<vmem>>, vector<16xf32>,
        tpu.vector_store %arg10[%parallel_loop3A_183, %parallel_loop3A_184], %parallel_loop3A_180 {strides = array<i32>} : memref<512x50xf32, #tpu.memory_space<vmem>>, vector<16xf32>,
        %parallel_loop3A_186 = arith.constant 2 : i32
        %parallel_loop3A_187 = arith.addi %parallel_loop3A_95, %parallel_loop3A_186 : i32
        %parallel_loop3A_188 = arith.index_cast %parallel_loop3A_187 : i32 to index
        %parallel_loop3A_189 = arith.constant 16 : index
        %parallel_loop3A_190 = tpu.vector_load %arg8[%parallel_loop3A_188, %parallel_loop3A_189] {strides = array<i32>} : memref<512x64xf32, #tpu.memory_space<vmem>>, vector<16xf32>,
        %parallel_loop3A_191 = arith.constant 2 : i32
        %parallel_loop3A_192 = arith.addi %parallel_loop3A_95, %parallel_loop3A_191 : i32
        %parallel_loop3A_193 = arith.index_cast %parallel_loop3A_192 : i32 to index
        %parallel_loop3A_194 = arith.constant 16 : index
        %parallel_loop3A_195 = tpu.vector_load %arg10[%parallel_loop3A_193, %parallel_loop3A_194] {strides = array<i32>} : memref<512x50xf32, #tpu.memory_space<vmem>>, vector<16xf32>,
        tpu.vector_store %arg10[%parallel_loop3A_193, %parallel_loop3A_194], %parallel_loop3A_190 {strides = array<i32>} : memref<512x50xf32, #tpu.memory_space<vmem>>, vector<16xf32>,
        %parallel_loop3A_196 = arith.constant 2 : i32
        %parallel_loop3A_197 = arith.addi %parallel_loop3A_95, %parallel_loop3A_196 : i32
        %parallel_loop3A_198 = arith.index_cast %parallel_loop3A_197 : i32 to index
        %parallel_loop3A_199 = arith.constant 32 : index
        %parallel_loop3A_200 = tpu.vector_load %arg8[%parallel_loop3A_198, %parallel_loop3A_199] {strides = array<i32>} : memref<512x64xf32, #tpu.memory_space<vmem>>, vector<16xf32>,
        %parallel_loop3A_201 = arith.constant 2 : i32
        %parallel_loop3A_202 = arith.addi %parallel_loop3A_95, %parallel_loop3A_201 : i32
        %parallel_loop3A_203 = arith.index_cast %parallel_loop3A_202 : i32 to index
        %parallel_loop3A_204 = arith.constant 32 : index
        %parallel_loop3A_205 = tpu.vector_load %arg10[%parallel_loop3A_203, %parallel_loop3A_204] {strides = array<i32>} : memref<512x50xf32, #tpu.memory_space<vmem>>, vector<16xf32>,
        tpu.vector_store %arg10[%parallel_loop3A_203, %parallel_loop3A_204], %parallel_loop3A_200 {strides = array<i32>} : memref<512x50xf32, #tpu.memory_space<vmem>>, vector<16xf32>,
        %parallel_loop3A_206 = arith.constant 2 : i32
        %parallel_loop3A_207 = arith.addi %parallel_loop3A_95, %parallel_loop3A_206 : i32
        %parallel_loop3A_208 = arith.index_cast %parallel_loop3A_207 : i32 to index
        %parallel_loop3A_209 = arith.constant 34 : index
        %parallel_loop3A_210 = tpu.vector_load %arg8[%parallel_loop3A_208, %parallel_loop3A_209] {strides = array<i32>} : memref<512x64xf32, #tpu.memory_space<vmem>>, vector<16xf32>,
        %parallel_loop3A_211 = arith.constant 2 : i32
        %parallel_loop3A_212 = arith.addi %parallel_loop3A_95, %parallel_loop3A_211 : i32
        %parallel_loop3A_213 = arith.index_cast %parallel_loop3A_212 : i32 to index
        %parallel_loop3A_214 = arith.constant 34 : index
        %parallel_loop3A_215 = tpu.vector_load %arg10[%parallel_loop3A_213, %parallel_loop3A_214] {strides = array<i32>} : memref<512x50xf32, #tpu.memory_space<vmem>>, vector<16xf32>,
        tpu.vector_store %arg10[%parallel_loop3A_213, %parallel_loop3A_214], %parallel_loop3A_210 {strides = array<i32>} : memref<512x50xf32, #tpu.memory_space<vmem>>, vector<16xf32>,
        %parallel_loop3A_216 = arith.constant 3 : i32
        %parallel_loop3A_217 = arith.addi %parallel_loop3A_95, %parallel_loop3A_216 : i32
        %parallel_loop3A_218 = arith.index_cast %parallel_loop3A_217 : i32 to index
        %parallel_loop3A_219 = arith.constant 0 : index
        %parallel_loop3A_220 = tpu.vector_load %arg8[%parallel_loop3A_218, %parallel_loop3A_219] {strides = array<i32>} : memref<512x64xf32, #tpu.memory_space<vmem>>, vector<16xf32>,
        %parallel_loop3A_221 = arith.constant 3 : i32
        %parallel_loop3A_222 = arith.addi %parallel_loop3A_95, %parallel_loop3A_221 : i32
        %parallel_loop3A_223 = arith.index_cast %parallel_loop3A_222 : i32 to index
        %parallel_loop3A_224 = arith.constant 0 : index
        %parallel_loop3A_225 = tpu.vector_load %arg10[%parallel_loop3A_223, %parallel_loop3A_224] {strides = array<i32>} : memref<512x50xf32, #tpu.memory_space<vmem>>, vector<16xf32>,
        tpu.vector_store %arg10[%parallel_loop3A_223, %parallel_loop3A_224], %parallel_loop3A_220 {strides = array<i32>} : memref<512x50xf32, #tpu.memory_space<vmem>>, vector<16xf32>,
        %parallel_loop3A_226 = arith.constant 3 : i32
        %parallel_loop3A_227 = arith.addi %parallel_loop3A_95, %parallel_loop3A_226 : i32
        %parallel_loop3A_228 = arith.index_cast %parallel_loop3A_227 : i32 to index
        %parallel_loop3A_229 = arith.constant 16 : index
        %parallel_loop3A_230 = tpu.vector_load %arg8[%parallel_loop3A_228, %parallel_loop3A_229] {strides = array<i32>} : memref<512x64xf32, #tpu.memory_space<vmem>>, vector<16xf32>,
        %parallel_loop3A_231 = arith.constant 3 : i32
        %parallel_loop3A_232 = arith.addi %parallel_loop3A_95, %parallel_loop3A_231 : i32
        %parallel_loop3A_233 = arith.index_cast %parallel_loop3A_232 : i32 to index
        %parallel_loop3A_234 = arith.constant 16 : index
        %parallel_loop3A_235 = tpu.vector_load %arg10[%parallel_loop3A_233, %parallel_loop3A_234] {strides = array<i32>} : memref<512x50xf32, #tpu.memory_space<vmem>>, vector<16xf32>,
        tpu.vector_store %arg10[%parallel_loop3A_233, %parallel_loop3A_234], %parallel_loop3A_230 {strides = array<i32>} : memref<512x50xf32, #tpu.memory_space<vmem>>, vector<16xf32>,
        %parallel_loop3A_236 = arith.constant 3 : i32
        %parallel_loop3A_237 = arith.addi %parallel_loop3A_95, %parallel_loop3A_236 : i32
        %parallel_loop3A_238 = arith.index_cast %parallel_loop3A_237 : i32 to index
        %parallel_loop3A_239 = arith.constant 32 : index
        %parallel_loop3A_240 = tpu.vector_load %arg8[%parallel_loop3A_238, %parallel_loop3A_239] {strides = array<i32>} : memref<512x64xf32, #tpu.memory_space<vmem>>, vector<16xf32>,
        %parallel_loop3A_241 = arith.constant 3 : i32
        %parallel_loop3A_242 = arith.addi %parallel_loop3A_95, %parallel_loop3A_241 : i32
        %parallel_loop3A_243 = arith.index_cast %parallel_loop3A_242 : i32 to index
        %parallel_loop3A_244 = arith.constant 32 : index
        %parallel_loop3A_245 = tpu.vector_load %arg10[%parallel_loop3A_243, %parallel_loop3A_244] {strides = array<i32>} : memref<512x50xf32, #tpu.memory_space<vmem>>, vector<16xf32>,
        tpu.vector_store %arg10[%parallel_loop3A_243, %parallel_loop3A_244], %parallel_loop3A_240 {strides = array<i32>} : memref<512x50xf32, #tpu.memory_space<vmem>>, vector<16xf32>,
        %parallel_loop3A_246 = arith.constant 3 : i32
        %parallel_loop3A_247 = arith.addi %parallel_loop3A_95, %parallel_loop3A_246 : i32
        %parallel_loop3A_248 = arith.index_cast %parallel_loop3A_247 : i32 to index
        %parallel_loop3A_249 = arith.constant 34 : index
        %parallel_loop3A_250 = tpu.vector_load %arg8[%parallel_loop3A_248, %parallel_loop3A_249] {strides = array<i32>} : memref<512x64xf32, #tpu.memory_space<vmem>>, vector<16xf32>,
        %parallel_loop3A_251 = arith.constant 3 : i32
        %parallel_loop3A_252 = arith.addi %parallel_loop3A_95, %parallel_loop3A_251 : i32
        %parallel_loop3A_253 = arith.index_cast %parallel_loop3A_252 : i32 to index
        %parallel_loop3A_254 = arith.constant 34 : index
        %parallel_loop3A_255 = tpu.vector_load %arg10[%parallel_loop3A_253, %parallel_loop3A_254] {strides = array<i32>} : memref<512x50xf32, #tpu.memory_space<vmem>>, vector<16xf32>,
        tpu.vector_store %arg10[%parallel_loop3A_253, %parallel_loop3A_254], %parallel_loop3A_250 {strides = array<i32>} : memref<512x50xf32, #tpu.memory_space<vmem>>, vector<16xf32>,
        %parallel_loop3A_256 = arith.constant 4 : i32
        %parallel_loop3A_257 = arith.addi %parallel_loop3A_95, %parallel_loop3A_256 : i32
        %parallel_loop3A_258 = arith.index_cast %parallel_loop3A_257 : i32 to index
        %parallel_loop3A_259 = arith.constant 0 : index
        %parallel_loop3A_260 = tpu.vector_load %arg8[%parallel_loop3A_258, %parallel_loop3A_259] {strides = array<i32>} : memref<512x64xf32, #tpu.memory_space<vmem>>, vector<16xf32>,
        %parallel_loop3A_261 = arith.constant 4 : i32
        %parallel_loop3A_262 = arith.addi %parallel_loop3A_95, %parallel_loop3A_261 : i32
        %parallel_loop3A_263 = arith.index_cast %parallel_loop3A_262 : i32 to index
        %parallel_loop3A_264 = arith.constant 0 : index
        %parallel_loop3A_265 = tpu.vector_load %arg10[%parallel_loop3A_263, %parallel_loop3A_264] {strides = array<i32>} : memref<512x50xf32, #tpu.memory_space<vmem>>, vector<16xf32>,
        tpu.vector_store %arg10[%parallel_loop3A_263, %parallel_loop3A_264], %parallel_loop3A_260 {strides = array<i32>} : memref<512x50xf32, #tpu.memory_space<vmem>>, vector<16xf32>,
        %parallel_loop3A_266 = arith.constant 4 : i32
        %parallel_loop3A_267 = arith.addi %parallel_loop3A_95, %parallel_loop3A_266 : i32
        %parallel_loop3A_268 = arith.index_cast %parallel_loop3A_267 : i32 to index
        %parallel_loop3A_269 = arith.constant 16 : index
        %parallel_loop3A_270 = tpu.vector_load %arg8[%parallel_loop3A_268, %parallel_loop3A_269] {strides = array<i32>} : memref<512x64xf32, #tpu.memory_space<vmem>>, vector<16xf32>,
        %parallel_loop3A_271 = arith.constant 4 : i32
        %parallel_loop3A_272 = arith.addi %parallel_loop3A_95, %parallel_loop3A_271 : i32
        %parallel_loop3A_273 = arith.index_cast %parallel_loop3A_272 : i32 to index
        %parallel_loop3A_274 = arith.constant 16 : index
        %parallel_loop3A_275 = tpu.vector_load %arg10[%parallel_loop3A_273, %parallel_loop3A_274] {strides = array<i32>} : memref<512x50xf32, #tpu.memory_space<vmem>>, vector<16xf32>,
        tpu.vector_store %arg10[%parallel_loop3A_273, %parallel_loop3A_274], %parallel_loop3A_270 {strides = array<i32>} : memref<512x50xf32, #tpu.memory_space<vmem>>, vector<16xf32>,
        %parallel_loop3A_276 = arith.constant 4 : i32
        %parallel_loop3A_277 = arith.addi %parallel_loop3A_95, %parallel_loop3A_276 : i32
        %parallel_loop3A_278 = arith.index_cast %parallel_loop3A_277 : i32 to index
        %parallel_loop3A_279 = arith.constant 32 : index
        %parallel_loop3A_280 = tpu.vector_load %arg8[%parallel_loop3A_278, %parallel_loop3A_279] {strides = array<i32>} : memref<512x64xf32, #tpu.memory_space<vmem>>, vector<16xf32>,
        %parallel_loop3A_281 = arith.constant 4 : i32
        %parallel_loop3A_282 = arith.addi %parallel_loop3A_95, %parallel_loop3A_281 : i32
        %parallel_loop3A_283 = arith.index_cast %parallel_loop3A_282 : i32 to index
        %parallel_loop3A_284 = arith.constant 32 : index
        %parallel_loop3A_285 = tpu.vector_load %arg10[%parallel_loop3A_283, %parallel_loop3A_284] {strides = array<i32>} : memref<512x50xf32, #tpu.memory_space<vmem>>, vector<16xf32>,
        tpu.vector_store %arg10[%parallel_loop3A_283, %parallel_loop3A_284], %parallel_loop3A_280 {strides = array<i32>} : memref<512x50xf32, #tpu.memory_space<vmem>>, vector<16xf32>,
        %parallel_loop3A_286 = arith.constant 4 : i32
        %parallel_loop3A_287 = arith.addi %parallel_loop3A_95, %parallel_loop3A_286 : i32
        %parallel_loop3A_288 = arith.index_cast %parallel_loop3A_287 : i32 to index
        %parallel_loop3A_289 = arith.constant 34 : index
        %parallel_loop3A_290 = tpu.vector_load %arg8[%parallel_loop3A_288, %parallel_loop3A_289] {strides = array<i32>} : memref<512x64xf32, #tpu.memory_space<vmem>>, vector<16xf32>,
        %parallel_loop3A_291 = arith.constant 4 : i32
        %parallel_loop3A_292 = arith.addi %parallel_loop3A_95, %parallel_loop3A_291 : i32
        %parallel_loop3A_293 = arith.index_cast %parallel_loop3A_292 : i32 to index
        %parallel_loop3A_294 = arith.constant 34 : index
        %parallel_loop3A_295 = tpu.vector_load %arg10[%parallel_loop3A_293, %parallel_loop3A_294] {strides = array<i32>} : memref<512x50xf32, #tpu.memory_space<vmem>>, vector<16xf32>,
        tpu.vector_store %arg10[%parallel_loop3A_293, %parallel_loop3A_294], %parallel_loop3A_290 {strides = array<i32>} : memref<512x50xf32, #tpu.memory_space<vmem>>, vector<16xf32>,
        %parallel_loop3A_296 = arith.constant 5 : i32
        %parallel_loop3A_297 = arith.addi %parallel_loop3A_95, %parallel_loop3A_296 : i32
        %parallel_loop3A_298 = arith.index_cast %parallel_loop3A_297 : i32 to index
        %parallel_loop3A_299 = arith.constant 0 : index
        %parallel_loop3A_300 = tpu.vector_load %arg8[%parallel_loop3A_298, %parallel_loop3A_299] {strides = array<i32>} : memref<512x64xf32, #tpu.memory_space<vmem>>, vector<16xf32>,
        %parallel_loop3A_301 = arith.constant 5 : i32
        %parallel_loop3A_302 = arith.addi %parallel_loop3A_95, %parallel_loop3A_301 : i32
        %parallel_loop3A_303 = arith.index_cast %parallel_loop3A_302 : i32 to index
        %parallel_loop3A_304 = arith.constant 0 : index
        %parallel_loop3A_305 = tpu.vector_load %arg10[%parallel_loop3A_303, %parallel_loop3A_304] {strides = array<i32>} : memref<512x50xf32, #tpu.memory_space<vmem>>, vector<16xf32>,
        tpu.vector_store %arg10[%parallel_loop3A_303, %parallel_loop3A_304], %parallel_loop3A_300 {strides = array<i32>} : memref<512x50xf32, #tpu.memory_space<vmem>>, vector<16xf32>,
        %parallel_loop3A_306 = arith.constant 5 : i32
        %parallel_loop3A_307 = arith.addi %parallel_loop3A_95, %parallel_loop3A_306 : i32
        %parallel_loop3A_308 = arith.index_cast %parallel_loop3A_307 : i32 to index
        %parallel_loop3A_309 = arith.constant 16 : index
        %parallel_loop3A_310 = tpu.vector_load %arg8[%parallel_loop3A_308, %parallel_loop3A_309] {strides = array<i32>} : memref<512x64xf32, #tpu.memory_space<vmem>>, vector<16xf32>,
        %parallel_loop3A_311 = arith.constant 5 : i32
        %parallel_loop3A_312 = arith.addi %parallel_loop3A_95, %parallel_loop3A_311 : i32
        %parallel_loop3A_313 = arith.index_cast %parallel_loop3A_312 : i32 to index
        %parallel_loop3A_314 = arith.constant 16 : index
        %parallel_loop3A_315 = tpu.vector_load %arg10[%parallel_loop3A_313, %parallel_loop3A_314] {strides = array<i32>} : memref<512x50xf32, #tpu.memory_space<vmem>>, vector<16xf32>,
        tpu.vector_store %arg10[%parallel_loop3A_313, %parallel_loop3A_314], %parallel_loop3A_310 {strides = array<i32>} : memref<512x50xf32, #tpu.memory_space<vmem>>, vector<16xf32>,
        %parallel_loop3A_316 = arith.constant 5 : i32
        %parallel_loop3A_317 = arith.addi %parallel_loop3A_95, %parallel_loop3A_316 : i32
        %parallel_loop3A_318 = arith.index_cast %parallel_loop3A_317 : i32 to index
        %parallel_loop3A_319 = arith.constant 32 : index
        %parallel_loop3A_320 = tpu.vector_load %arg8[%parallel_loop3A_318, %parallel_loop3A_319] {strides = array<i32>} : memref<512x64xf32, #tpu.memory_space<vmem>>, vector<16xf32>,
        %parallel_loop3A_321 = arith.constant 5 : i32
        %parallel_loop3A_322 = arith.addi %parallel_loop3A_95, %parallel_loop3A_321 : i32
        %parallel_loop3A_323 = arith.index_cast %parallel_loop3A_322 : i32 to index
        %parallel_loop3A_324 = arith.constant 32 : index
        %parallel_loop3A_325 = tpu.vector_load %arg10[%parallel_loop3A_323, %parallel_loop3A_324] {strides = array<i32>} : memref<512x50xf32, #tpu.memory_space<vmem>>, vector<16xf32>,
        tpu.vector_store %arg10[%parallel_loop3A_323, %parallel_loop3A_324], %parallel_loop3A_320 {strides = array<i32>} : memref<512x50xf32, #tpu.memory_space<vmem>>, vector<16xf32>,
        %parallel_loop3A_326 = arith.constant 5 : i32
        %parallel_loop3A_327 = arith.addi %parallel_loop3A_95, %parallel_loop3A_326 : i32
        %parallel_loop3A_328 = arith.index_cast %parallel_loop3A_327 : i32 to index
        %parallel_loop3A_329 = arith.constant 34 : index
        %parallel_loop3A_330 = tpu.vector_load %arg8[%parallel_loop3A_328, %parallel_loop3A_329] {strides = array<i32>} : memref<512x64xf32, #tpu.memory_space<vmem>>, vector<16xf32>,
        %parallel_loop3A_331 = arith.constant 5 : i32
        %parallel_loop3A_332 = arith.addi %parallel_loop3A_95, %parallel_loop3A_331 : i32
        %parallel_loop3A_333 = arith.index_cast %parallel_loop3A_332 : i32 to index
        %parallel_loop3A_334 = arith.constant 34 : index
        %parallel_loop3A_335 = tpu.vector_load %arg10[%parallel_loop3A_333, %parallel_loop3A_334] {strides = array<i32>} : memref<512x50xf32, #tpu.memory_space<vmem>>, vector<16xf32>,
        tpu.vector_store %arg10[%parallel_loop3A_333, %parallel_loop3A_334], %parallel_loop3A_330 {strides = array<i32>} : memref<512x50xf32, #tpu.memory_space<vmem>>, vector<16xf32>,
        %parallel_loop3A_336 = arith.constant 6 : i32
        %parallel_loop3A_337 = arith.addi %parallel_loop3A_95, %parallel_loop3A_336 : i32
        %parallel_loop3A_338 = arith.index_cast %parallel_loop3A_337 : i32 to index
        %parallel_loop3A_339 = arith.constant 0 : index
        %parallel_loop3A_340 = tpu.vector_load %arg8[%parallel_loop3A_338, %parallel_loop3A_339] {strides = array<i32>} : memref<512x64xf32, #tpu.memory_space<vmem>>, vector<16xf32>,
        %parallel_loop3A_341 = arith.constant 6 : i32
        %parallel_loop3A_342 = arith.addi %parallel_loop3A_95, %parallel_loop3A_341 : i32
        %parallel_loop3A_343 = arith.index_cast %parallel_loop3A_342 : i32 to index
        %parallel_loop3A_344 = arith.constant 0 : index
        %parallel_loop3A_345 = tpu.vector_load %arg10[%parallel_loop3A_343, %parallel_loop3A_344] {strides = array<i32>} : memref<512x50xf32, #tpu.memory_space<vmem>>, vector<16xf32>,
        tpu.vector_store %arg10[%parallel_loop3A_343, %parallel_loop3A_344], %parallel_loop3A_340 {strides = array<i32>} : memref<512x50xf32, #tpu.memory_space<vmem>>, vector<16xf32>,
        %parallel_loop3A_346 = arith.constant 6 : i32
        %parallel_loop3A_347 = arith.addi %parallel_loop3A_95, %parallel_loop3A_346 : i32
        %parallel_loop3A_348 = arith.index_cast %parallel_loop3A_347 : i32 to index
        %parallel_loop3A_349 = arith.constant 16 : index
        %parallel_loop3A_350 = tpu.vector_load %arg8[%parallel_loop3A_348, %parallel_loop3A_349] {strides = array<i32>} : memref<512x64xf32, #tpu.memory_space<vmem>>, vector<16xf32>,
        %parallel_loop3A_351 = arith.constant 6 : i32
        %parallel_loop3A_352 = arith.addi %parallel_loop3A_95, %parallel_loop3A_351 : i32
        %parallel_loop3A_353 = arith.index_cast %parallel_loop3A_352 : i32 to index
        %parallel_loop3A_354 = arith.constant 16 : index
        %parallel_loop3A_355 = tpu.vector_load %arg10[%parallel_loop3A_353, %parallel_loop3A_354] {strides = array<i32>} : memref<512x50xf32, #tpu.memory_space<vmem>>, vector<16xf32>,
        tpu.vector_store %arg10[%parallel_loop3A_353, %parallel_loop3A_354], %parallel_loop3A_350 {strides = array<i32>} : memref<512x50xf32, #tpu.memory_space<vmem>>, vector<16xf32>,
        %parallel_loop3A_356 = arith.constant 6 : i32
        %parallel_loop3A_357 = arith.addi %parallel_loop3A_95, %parallel_loop3A_356 : i32
        %parallel_loop3A_358 = arith.index_cast %parallel_loop3A_357 : i32 to index
        %parallel_loop3A_359 = arith.constant 32 : index
        %parallel_loop3A_360 = tpu.vector_load %arg8[%parallel_loop3A_358, %parallel_loop3A_359] {strides = array<i32>} : memref<512x64xf32, #tpu.memory_space<vmem>>, vector<16xf32>,
        %parallel_loop3A_361 = arith.constant 6 : i32
        %parallel_loop3A_362 = arith.addi %parallel_loop3A_95, %parallel_loop3A_361 : i32
        %parallel_loop3A_363 = arith.index_cast %parallel_loop3A_362 : i32 to index
        %parallel_loop3A_364 = arith.constant 32 : index
        %parallel_loop3A_365 = tpu.vector_load %arg10[%parallel_loop3A_363, %parallel_loop3A_364] {strides = array<i32>} : memref<512x50xf32, #tpu.memory_space<vmem>>, vector<16xf32>,
        tpu.vector_store %arg10[%parallel_loop3A_363, %parallel_loop3A_364], %parallel_loop3A_360 {strides = array<i32>} : memref<512x50xf32, #tpu.memory_space<vmem>>, vector<16xf32>,
        %parallel_loop3A_366 = arith.constant 6 : i32
        %parallel_loop3A_367 = arith.addi %parallel_loop3A_95, %parallel_loop3A_366 : i32
        %parallel_loop3A_368 = arith.index_cast %parallel_loop3A_367 : i32 to index
        %parallel_loop3A_369 = arith.constant 34 : index
        %parallel_loop3A_370 = tpu.vector_load %arg8[%parallel_loop3A_368, %parallel_loop3A_369] {strides = array<i32>} : memref<512x64xf32, #tpu.memory_space<vmem>>, vector<16xf32>,
        %parallel_loop3A_371 = arith.constant 6 : i32
        %parallel_loop3A_372 = arith.addi %parallel_loop3A_95, %parallel_loop3A_371 : i32
        %parallel_loop3A_373 = arith.index_cast %parallel_loop3A_372 : i32 to index
        %parallel_loop3A_374 = arith.constant 34 : index
        %parallel_loop3A_375 = tpu.vector_load %arg10[%parallel_loop3A_373, %parallel_loop3A_374] {strides = array<i32>} : memref<512x50xf32, #tpu.memory_space<vmem>>, vector<16xf32>,
        tpu.vector_store %arg10[%parallel_loop3A_373, %parallel_loop3A_374], %parallel_loop3A_370 {strides = array<i32>} : memref<512x50xf32, #tpu.memory_space<vmem>>, vector<16xf32>,
        %parallel_loop3A_376 = arith.constant 7 : i32
        %parallel_loop3A_377 = arith.addi %parallel_loop3A_95, %parallel_loop3A_376 : i32
        %parallel_loop3A_378 = arith.index_cast %parallel_loop3A_377 : i32 to index
        %parallel_loop3A_379 = arith.constant 0 : index
        %parallel_loop3A_380 = tpu.vector_load %arg8[%parallel_loop3A_378, %parallel_loop3A_379] {strides = array<i32>} : memref<512x64xf32, #tpu.memory_space<vmem>>, vector<16xf32>,
        %parallel_loop3A_381 = arith.constant 7 : i32
        %parallel_loop3A_382 = arith.addi %parallel_loop3A_95, %parallel_loop3A_381 : i32
        %parallel_loop3A_383 = arith.index_cast %parallel_loop3A_382 : i32 to index
        %parallel_loop3A_384 = arith.constant 0 : index
        %parallel_loop3A_385 = tpu.vector_load %arg10[%parallel_loop3A_383, %parallel_loop3A_384] {strides = array<i32>} : memref<512x50xf32, #tpu.memory_space<vmem>>, vector<16xf32>,
        tpu.vector_store %arg10[%parallel_loop3A_383, %parallel_loop3A_384], %parallel_loop3A_380 {strides = array<i32>} : memref<512x50xf32, #tpu.memory_space<vmem>>, vector<16xf32>,
        %parallel_loop3A_386 = arith.constant 7 : i32
        %parallel_loop3A_387 = arith.addi %parallel_loop3A_95, %parallel_loop3A_386 : i32
        %parallel_loop3A_388 = arith.index_cast %parallel_loop3A_387 : i32 to index
        %parallel_loop3A_389 = arith.constant 16 : index
        %parallel_loop3A_390 = tpu.vector_load %arg8[%parallel_loop3A_388, %parallel_loop3A_389] {strides = array<i32>} : memref<512x64xf32, #tpu.memory_space<vmem>>, vector<16xf32>,
        %parallel_loop3A_391 = arith.constant 7 : i32
        %parallel_loop3A_392 = arith.addi %parallel_loop3A_95, %parallel_loop3A_391 : i32
        %parallel_loop3A_393 = arith.index_cast %parallel_loop3A_392 : i32 to index
        %parallel_loop3A_394 = arith.constant 16 : index
        %parallel_loop3A_395 = tpu.vector_load %arg10[%parallel_loop3A_393, %parallel_loop3A_394] {strides = array<i32>} : memref<512x50xf32, #tpu.memory_space<vmem>>, vector<16xf32>,
        tpu.vector_store %arg10[%parallel_loop3A_393, %parallel_loop3A_394], %parallel_loop3A_390 {strides = array<i32>} : memref<512x50xf32, #tpu.memory_space<vmem>>, vector<16xf32>,
        %parallel_loop3A_396 = arith.constant 7 : i32
        %parallel_loop3A_397 = arith.addi %parallel_loop3A_95, %parallel_loop3A_396 : i32
        %parallel_loop3A_398 = arith.index_cast %parallel_loop3A_397 : i32 to index
        %parallel_loop3A_399 = arith.constant 32 : index
        %parallel_loop3A_400 = tpu.vector_load %arg8[%parallel_loop3A_398, %parallel_loop3A_399] {strides = array<i32>} : memref<512x64xf32, #tpu.memory_space<vmem>>, vector<16xf32>,
        %parallel_loop3A_401 = arith.constant 7 : i32
        %parallel_loop3A_402 = arith.addi %parallel_loop3A_95, %parallel_loop3A_401 : i32
        %parallel_loop3A_403 = arith.index_cast %parallel_loop3A_402 : i32 to index
        %parallel_loop3A_404 = arith.constant 32 : index
        %parallel_loop3A_405 = tpu.vector_load %arg10[%parallel_loop3A_403, %parallel_loop3A_404] {strides = array<i32>} : memref<512x50xf32, #tpu.memory_space<vmem>>, vector<16xf32>,
        tpu.vector_store %arg10[%parallel_loop3A_403, %parallel_loop3A_404], %parallel_loop3A_400 {strides = array<i32>} : memref<512x50xf32, #tpu.memory_space<vmem>>, vector<16xf32>,
        %parallel_loop3A_406 = arith.constant 7 : i32
        %parallel_loop3A_407 = arith.addi %parallel_loop3A_95, %parallel_loop3A_406 : i32
        %parallel_loop3A_408 = arith.index_cast %parallel_loop3A_407 : i32 to index
        %parallel_loop3A_409 = arith.constant 34 : index
        %parallel_loop3A_410 = tpu.vector_load %arg8[%parallel_loop3A_408, %parallel_loop3A_409] {strides = array<i32>} : memref<512x64xf32, #tpu.memory_space<vmem>>, vector<16xf32>,
        %parallel_loop3A_411 = arith.constant 7 : i32
        %parallel_loop3A_412 = arith.addi %parallel_loop3A_95, %parallel_loop3A_411 : i32
        %parallel_loop3A_413 = arith.index_cast %parallel_loop3A_412 : i32 to index
        %parallel_loop3A_414 = arith.constant 34 : index
        %parallel_loop3A_415 = tpu.vector_load %arg10[%parallel_loop3A_413, %parallel_loop3A_414] {strides = array<i32>} : memref<512x50xf32, #tpu.memory_space<vmem>>, vector<16xf32>,
        tpu.vector_store %arg10[%parallel_loop3A_413, %parallel_loop3A_414], %parallel_loop3A_410 {strides = array<i32>} : memref<512x50xf32, #tpu.memory_space<vmem>>, vector<16xf32>,
      } {sc.loop_unroll_factor = 2 : i64, sc.parallel_access}
      "tpu.region"() ({
        %run_scoped3A = tpu.sem_alloc : memref<!tpu.dma_semaphore, #tpu.memory_space<semaphore_mem>>
        %dma_start3A = arith.constant 0 : i32
        %dma_start3A_93 = tpu.memref_slice %arg4[%multiple_of3A_46, %dma_start3A] : memref<1048576x50xf32, #tpu.memory_space<hbm>> -> memref<512x50xf32, #tpu.memory_space<hbm>>
        %dma_start3A_94 = arith.constant 0 : i32
        %dma_start3A_95 = tpu.memref_slice %arg4[%multiple_of3A_46, %dma_start3A_94] : memref<1048576x50xf32, #tpu.memory_space<hbm>> -> memref<512x50xf32, #tpu.memory_space<hbm>>
        tpu.enqueue_dma source(%arg10 : memref<512x50xf32, #tpu.memory_space<vmem>>) target(%dma_start3A_95 : memref<512x50xf32, #tpu.memory_space<hbm>>) target_semaphore(%run_scoped3A : memref<!tpu.dma_semaphore, #tpu.memory_space<semaphore_mem>>)
        %dma_wait3A = arith.constant 0 : i32
        %dma_wait3A_96 = tpu.memref_slice %arg4[%multiple_of3A_46, %dma_wait3A] : memref<1048576x50xf32, #tpu.memory_space<hbm>> -> memref<512x50xf32, #tpu.memory_space<hbm>>
        %dma_wait3A_97 = arith.constant 0 : i32
        %dma_wait3A_98 = tpu.memref_slice %arg4[%multiple_of3A_46, %dma_wait3A_97] : memref<1048576x50xf32, #tpu.memory_space<hbm>> -> memref<512x50xf32, #tpu.memory_space<hbm>>
        tpu.wait_dma2 semaphore(%run_scoped3A : memref<!tpu.dma_semaphore, #tpu.memory_space<semaphore_mem>>) src(%arg10 : memref<512x50xf32, #tpu.memory_space<vmem>>) dst(%dma_wait3A_98 : memref<512x50xf32, #tpu.memory_space<hbm>>)
        tpu.yield
      }) : () -> ()
      %mul3A_49 = arith.constant 2 : i32
      %mul3A_50 = arith.muli %add3A_32, %mul3A_49 : i32
      %add3A_51 = arith.constant 1 : i32
      %add3A_52 = arith.addi %mul3A_50, %add3A_51 : i32
      %mul3A_53 = arith.constant 512 : i32
      %mul3A_54 = arith.muli %add3A_52, %mul3A_53 : i32
      %add3A_55 = arith.addi %mul3A_2, %mul3A_54 : i32
      %multiple_of3A_56 = tpu.assume_multiple %add3A_55, 512 : i32
      %parallel_loop3A_57 = arith.constant 0 : i32
      %parallel_loop3A_58 = arith.constant 64 : i32
      %parallel_loop3A_59 = arith.constant 1 : i32
      scf.for %parallel_loop3A_93 = %parallel_loop3A_57 to %parallel_loop3A_58 step %parallel_loop3A_59  : i32 {
        %parallel_loop3A_94 = arith.constant 8 : i32
        %parallel_loop3A_95 = arith.muli %parallel_loop3A_93, %parallel_loop3A_94 : i32
        %parallel_loop3A_96 = arith.constant 0 : i32
        %parallel_loop3A_97 = arith.addi %parallel_loop3A_95, %parallel_loop3A_96 : i32
        %parallel_loop3A_98 = arith.index_cast %parallel_loop3A_97 : i32 to index
        %parallel_loop3A_99 = arith.constant 0 : index
        %parallel_loop3A_100 = tpu.vector_load %arg9[%parallel_loop3A_98, %parallel_loop3A_99] {strides = array<i32>} : memref<512x64xf32, #tpu.memory_space<vmem>>, vector<16xf32>,
        %parallel_loop3A_101 = arith.constant 0 : i32
        %parallel_loop3A_102 = arith.addi %parallel_loop3A_95, %parallel_loop3A_101 : i32
        %parallel_loop3A_103 = arith.index_cast %parallel_loop3A_102 : i32 to index
        %parallel_loop3A_104 = arith.constant 0 : index
        %parallel_loop3A_105 = tpu.vector_load %arg11[%parallel_loop3A_103, %parallel_loop3A_104] {strides = array<i32>} : memref<512x50xf32, #tpu.memory_space<vmem>>, vector<16xf32>,
        tpu.vector_store %arg11[%parallel_loop3A_103, %parallel_loop3A_104], %parallel_loop3A_100 {strides = array<i32>} : memref<512x50xf32, #tpu.memory_space<vmem>>, vector<16xf32>,
        %parallel_loop3A_106 = arith.constant 0 : i32
        %parallel_loop3A_107 = arith.addi %parallel_loop3A_95, %parallel_loop3A_106 : i32
        %parallel_loop3A_108 = arith.index_cast %parallel_loop3A_107 : i32 to index
        %parallel_loop3A_109 = arith.constant 16 : index
        %parallel_loop3A_110 = tpu.vector_load %arg9[%parallel_loop3A_108, %parallel_loop3A_109] {strides = array<i32>} : memref<512x64xf32, #tpu.memory_space<vmem>>, vector<16xf32>,
        %parallel_loop3A_111 = arith.constant 0 : i32
        %parallel_loop3A_112 = arith.addi %parallel_loop3A_95, %parallel_loop3A_111 : i32
        %parallel_loop3A_113 = arith.index_cast %parallel_loop3A_112 : i32 to index
        %parallel_loop3A_114 = arith.constant 16 : index
        %parallel_loop3A_115 = tpu.vector_load %arg11[%parallel_loop3A_113, %parallel_loop3A_114] {strides = array<i32>} : memref<512x50xf32, #tpu.memory_space<vmem>>, vector<16xf32>,
        tpu.vector_store %arg11[%parallel_loop3A_113, %parallel_loop3A_114], %parallel_loop3A_110 {strides = array<i32>} : memref<512x50xf32, #tpu.memory_space<vmem>>, vector<16xf32>,
        %parallel_loop3A_116 = arith.constant 0 : i32
        %parallel_loop3A_117 = arith.addi %parallel_loop3A_95, %parallel_loop3A_116 : i32
        %parallel_loop3A_118 = arith.index_cast %parallel_loop3A_117 : i32 to index
        %parallel_loop3A_119 = arith.constant 32 : index
        %parallel_loop3A_120 = tpu.vector_load %arg9[%parallel_loop3A_118, %parallel_loop3A_119] {strides = array<i32>} : memref<512x64xf32, #tpu.memory_space<vmem>>, vector<16xf32>,
        %parallel_loop3A_121 = arith.constant 0 : i32
        %parallel_loop3A_122 = arith.addi %parallel_loop3A_95, %parallel_loop3A_121 : i32
        %parallel_loop3A_123 = arith.index_cast %parallel_loop3A_122 : i32 to index
        %parallel_loop3A_124 = arith.constant 32 : index
        %parallel_loop3A_125 = tpu.vector_load %arg11[%parallel_loop3A_123, %parallel_loop3A_124] {strides = array<i32>} : memref<512x50xf32, #tpu.memory_space<vmem>>, vector<16xf32>,
        tpu.vector_store %arg11[%parallel_loop3A_123, %parallel_loop3A_124], %parallel_loop3A_120 {strides = array<i32>} : memref<512x50xf32, #tpu.memory_space<vmem>>, vector<16xf32>,
        %parallel_loop3A_126 = arith.constant 0 : i32
        %parallel_loop3A_127 = arith.addi %parallel_loop3A_95, %parallel_loop3A_126 : i32
        %parallel_loop3A_128 = arith.index_cast %parallel_loop3A_127 : i32 to index
        %parallel_loop3A_129 = arith.constant 34 : index
        %parallel_loop3A_130 = tpu.vector_load %arg9[%parallel_loop3A_128, %parallel_loop3A_129] {strides = array<i32>} : memref<512x64xf32, #tpu.memory_space<vmem>>, vector<16xf32>,
        %parallel_loop3A_131 = arith.constant 0 : i32
        %parallel_loop3A_132 = arith.addi %parallel_loop3A_95, %parallel_loop3A_131 : i32
        %parallel_loop3A_133 = arith.index_cast %parallel_loop3A_132 : i32 to index
        %parallel_loop3A_134 = arith.constant 34 : index
        %parallel_loop3A_135 = tpu.vector_load %arg11[%parallel_loop3A_133, %parallel_loop3A_134] {strides = array<i32>} : memref<512x50xf32, #tpu.memory_space<vmem>>, vector<16xf32>,
        tpu.vector_store %arg11[%parallel_loop3A_133, %parallel_loop3A_134], %parallel_loop3A_130 {strides = array<i32>} : memref<512x50xf32, #tpu.memory_space<vmem>>, vector<16xf32>,
        %parallel_loop3A_136 = arith.constant 1 : i32
        %parallel_loop3A_137 = arith.addi %parallel_loop3A_95, %parallel_loop3A_136 : i32
        %parallel_loop3A_138 = arith.index_cast %parallel_loop3A_137 : i32 to index
        %parallel_loop3A_139 = arith.constant 0 : index
        %parallel_loop3A_140 = tpu.vector_load %arg9[%parallel_loop3A_138, %parallel_loop3A_139] {strides = array<i32>} : memref<512x64xf32, #tpu.memory_space<vmem>>, vector<16xf32>,
        %parallel_loop3A_141 = arith.constant 1 : i32
        %parallel_loop3A_142 = arith.addi %parallel_loop3A_95, %parallel_loop3A_141 : i32
        %parallel_loop3A_143 = arith.index_cast %parallel_loop3A_142 : i32 to index
        %parallel_loop3A_144 = arith.constant 0 : index
        %parallel_loop3A_145 = tpu.vector_load %arg11[%parallel_loop3A_143, %parallel_loop3A_144] {strides = array<i32>} : memref<512x50xf32, #tpu.memory_space<vmem>>, vector<16xf32>,
        tpu.vector_store %arg11[%parallel_loop3A_143, %parallel_loop3A_144], %parallel_loop3A_140 {strides = array<i32>} : memref<512x50xf32, #tpu.memory_space<vmem>>, vector<16xf32>,
        %parallel_loop3A_146 = arith.constant 1 : i32
        %parallel_loop3A_147 = arith.addi %parallel_loop3A_95, %parallel_loop3A_146 : i32
        %parallel_loop3A_148 = arith.index_cast %parallel_loop3A_147 : i32 to index
        %parallel_loop3A_149 = arith.constant 16 : index
        %parallel_loop3A_150 = tpu.vector_load %arg9[%parallel_loop3A_148, %parallel_loop3A_149] {strides = array<i32>} : memref<512x64xf32, #tpu.memory_space<vmem>>, vector<16xf32>,
        %parallel_loop3A_151 = arith.constant 1 : i32
        %parallel_loop3A_152 = arith.addi %parallel_loop3A_95, %parallel_loop3A_151 : i32
        %parallel_loop3A_153 = arith.index_cast %parallel_loop3A_152 : i32 to index
        %parallel_loop3A_154 = arith.constant 16 : index
        %parallel_loop3A_155 = tpu.vector_load %arg11[%parallel_loop3A_153, %parallel_loop3A_154] {strides = array<i32>} : memref<512x50xf32, #tpu.memory_space<vmem>>, vector<16xf32>,
        tpu.vector_store %arg11[%parallel_loop3A_153, %parallel_loop3A_154], %parallel_loop3A_150 {strides = array<i32>} : memref<512x50xf32, #tpu.memory_space<vmem>>, vector<16xf32>,
        %parallel_loop3A_156 = arith.constant 1 : i32
        %parallel_loop3A_157 = arith.addi %parallel_loop3A_95, %parallel_loop3A_156 : i32
        %parallel_loop3A_158 = arith.index_cast %parallel_loop3A_157 : i32 to index
        %parallel_loop3A_159 = arith.constant 32 : index
        %parallel_loop3A_160 = tpu.vector_load %arg9[%parallel_loop3A_158, %parallel_loop3A_159] {strides = array<i32>} : memref<512x64xf32, #tpu.memory_space<vmem>>, vector<16xf32>,
        %parallel_loop3A_161 = arith.constant 1 : i32
        %parallel_loop3A_162 = arith.addi %parallel_loop3A_95, %parallel_loop3A_161 : i32
        %parallel_loop3A_163 = arith.index_cast %parallel_loop3A_162 : i32 to index
        %parallel_loop3A_164 = arith.constant 32 : index
        %parallel_loop3A_165 = tpu.vector_load %arg11[%parallel_loop3A_163, %parallel_loop3A_164] {strides = array<i32>} : memref<512x50xf32, #tpu.memory_space<vmem>>, vector<16xf32>,
        tpu.vector_store %arg11[%parallel_loop3A_163, %parallel_loop3A_164], %parallel_loop3A_160 {strides = array<i32>} : memref<512x50xf32, #tpu.memory_space<vmem>>, vector<16xf32>,
        %parallel_loop3A_166 = arith.constant 1 : i32
        %parallel_loop3A_167 = arith.addi %parallel_loop3A_95, %parallel_loop3A_166 : i32
        %parallel_loop3A_168 = arith.index_cast %parallel_loop3A_167 : i32 to index
        %parallel_loop3A_169 = arith.constant 34 : index
        %parallel_loop3A_170 = tpu.vector_load %arg9[%parallel_loop3A_168, %parallel_loop3A_169] {strides = array<i32>} : memref<512x64xf32, #tpu.memory_space<vmem>>, vector<16xf32>,
        %parallel_loop3A_171 = arith.constant 1 : i32
        %parallel_loop3A_172 = arith.addi %parallel_loop3A_95, %parallel_loop3A_171 : i32
        %parallel_loop3A_173 = arith.index_cast %parallel_loop3A_172 : i32 to index
        %parallel_loop3A_174 = arith.constant 34 : index
        %parallel_loop3A_175 = tpu.vector_load %arg11[%parallel_loop3A_173, %parallel_loop3A_174] {strides = array<i32>} : memref<512x50xf32, #tpu.memory_space<vmem>>, vector<16xf32>,
        tpu.vector_store %arg11[%parallel_loop3A_173, %parallel_loop3A_174], %parallel_loop3A_170 {strides = array<i32>} : memref<512x50xf32, #tpu.memory_space<vmem>>, vector<16xf32>,
        %parallel_loop3A_176 = arith.constant 2 : i32
        %parallel_loop3A_177 = arith.addi %parallel_loop3A_95, %parallel_loop3A_176 : i32
        %parallel_loop3A_178 = arith.index_cast %parallel_loop3A_177 : i32 to index
        %parallel_loop3A_179 = arith.constant 0 : index
        %parallel_loop3A_180 = tpu.vector_load %arg9[%parallel_loop3A_178, %parallel_loop3A_179] {strides = array<i32>} : memref<512x64xf32, #tpu.memory_space<vmem>>, vector<16xf32>,
        %parallel_loop3A_181 = arith.constant 2 : i32
        %parallel_loop3A_182 = arith.addi %parallel_loop3A_95, %parallel_loop3A_181 : i32
        %parallel_loop3A_183 = arith.index_cast %parallel_loop3A_182 : i32 to index
        %parallel_loop3A_184 = arith.constant 0 : index
        %parallel_loop3A_185 = tpu.vector_load %arg11[%parallel_loop3A_183, %parallel_loop3A_184] {strides = array<i32>} : memref<512x50xf32, #tpu.memory_space<vmem>>, vector<16xf32>,
        tpu.vector_store %arg11[%parallel_loop3A_183, %parallel_loop3A_184], %parallel_loop3A_180 {strides = array<i32>} : memref<512x50xf32, #tpu.memory_space<vmem>>, vector<16xf32>,
        %parallel_loop3A_186 = arith.constant 2 : i32
        %parallel_loop3A_187 = arith.addi %parallel_loop3A_95, %parallel_loop3A_186 : i32
        %parallel_loop3A_188 = arith.index_cast %parallel_loop3A_187 : i32 to index
        %parallel_loop3A_189 = arith.constant 16 : index
        %parallel_loop3A_190 = tpu.vector_load %arg9[%parallel_loop3A_188, %parallel_loop3A_189] {strides = array<i32>} : memref<512x64xf32, #tpu.memory_space<vmem>>, vector<16xf32>,
        %parallel_loop3A_191 = arith.constant 2 : i32
        %parallel_loop3A_192 = arith.addi %parallel_loop3A_95, %parallel_loop3A_191 : i32
        %parallel_loop3A_193 = arith.index_cast %parallel_loop3A_192 : i32 to index
        %parallel_loop3A_194 = arith.constant 16 : index
        %parallel_loop3A_195 = tpu.vector_load %arg11[%parallel_loop3A_193, %parallel_loop3A_194] {strides = array<i32>} : memref<512x50xf32, #tpu.memory_space<vmem>>, vector<16xf32>,
        tpu.vector_store %arg11[%parallel_loop3A_193, %parallel_loop3A_194], %parallel_loop3A_190 {strides = array<i32>} : memref<512x50xf32, #tpu.memory_space<vmem>>, vector<16xf32>,
        %parallel_loop3A_196 = arith.constant 2 : i32
        %parallel_loop3A_197 = arith.addi %parallel_loop3A_95, %parallel_loop3A_196 : i32
        %parallel_loop3A_198 = arith.index_cast %parallel_loop3A_197 : i32 to index
        %parallel_loop3A_199 = arith.constant 32 : index
        %parallel_loop3A_200 = tpu.vector_load %arg9[%parallel_loop3A_198, %parallel_loop3A_199] {strides = array<i32>} : memref<512x64xf32, #tpu.memory_space<vmem>>, vector<16xf32>,
        %parallel_loop3A_201 = arith.constant 2 : i32
        %parallel_loop3A_202 = arith.addi %parallel_loop3A_95, %parallel_loop3A_201 : i32
        %parallel_loop3A_203 = arith.index_cast %parallel_loop3A_202 : i32 to index
        %parallel_loop3A_204 = arith.constant 32 : index
        %parallel_loop3A_205 = tpu.vector_load %arg11[%parallel_loop3A_203, %parallel_loop3A_204] {strides = array<i32>} : memref<512x50xf32, #tpu.memory_space<vmem>>, vector<16xf32>,
        tpu.vector_store %arg11[%parallel_loop3A_203, %parallel_loop3A_204], %parallel_loop3A_200 {strides = array<i32>} : memref<512x50xf32, #tpu.memory_space<vmem>>, vector<16xf32>,
        %parallel_loop3A_206 = arith.constant 2 : i32
        %parallel_loop3A_207 = arith.addi %parallel_loop3A_95, %parallel_loop3A_206 : i32
        %parallel_loop3A_208 = arith.index_cast %parallel_loop3A_207 : i32 to index
        %parallel_loop3A_209 = arith.constant 34 : index
        %parallel_loop3A_210 = tpu.vector_load %arg9[%parallel_loop3A_208, %parallel_loop3A_209] {strides = array<i32>} : memref<512x64xf32, #tpu.memory_space<vmem>>, vector<16xf32>,
        %parallel_loop3A_211 = arith.constant 2 : i32
        %parallel_loop3A_212 = arith.addi %parallel_loop3A_95, %parallel_loop3A_211 : i32
        %parallel_loop3A_213 = arith.index_cast %parallel_loop3A_212 : i32 to index
        %parallel_loop3A_214 = arith.constant 34 : index
        %parallel_loop3A_215 = tpu.vector_load %arg11[%parallel_loop3A_213, %parallel_loop3A_214] {strides = array<i32>} : memref<512x50xf32, #tpu.memory_space<vmem>>, vector<16xf32>,
        tpu.vector_store %arg11[%parallel_loop3A_213, %parallel_loop3A_214], %parallel_loop3A_210 {strides = array<i32>} : memref<512x50xf32, #tpu.memory_space<vmem>>, vector<16xf32>,
        %parallel_loop3A_216 = arith.constant 3 : i32
        %parallel_loop3A_217 = arith.addi %parallel_loop3A_95, %parallel_loop3A_216 : i32
        %parallel_loop3A_218 = arith.index_cast %parallel_loop3A_217 : i32 to index
        %parallel_loop3A_219 = arith.constant 0 : index
        %parallel_loop3A_220 = tpu.vector_load %arg9[%parallel_loop3A_218, %parallel_loop3A_219] {strides = array<i32>} : memref<512x64xf32, #tpu.memory_space<vmem>>, vector<16xf32>,
        %parallel_loop3A_221 = arith.constant 3 : i32
        %parallel_loop3A_222 = arith.addi %parallel_loop3A_95, %parallel_loop3A_221 : i32
        %parallel_loop3A_223 = arith.index_cast %parallel_loop3A_222 : i32 to index
        %parallel_loop3A_224 = arith.constant 0 : index
        %parallel_loop3A_225 = tpu.vector_load %arg11[%parallel_loop3A_223, %parallel_loop3A_224] {strides = array<i32>} : memref<512x50xf32, #tpu.memory_space<vmem>>, vector<16xf32>,
        tpu.vector_store %arg11[%parallel_loop3A_223, %parallel_loop3A_224], %parallel_loop3A_220 {strides = array<i32>} : memref<512x50xf32, #tpu.memory_space<vmem>>, vector<16xf32>,
        %parallel_loop3A_226 = arith.constant 3 : i32
        %parallel_loop3A_227 = arith.addi %parallel_loop3A_95, %parallel_loop3A_226 : i32
        %parallel_loop3A_228 = arith.index_cast %parallel_loop3A_227 : i32 to index
        %parallel_loop3A_229 = arith.constant 16 : index
        %parallel_loop3A_230 = tpu.vector_load %arg9[%parallel_loop3A_228, %parallel_loop3A_229] {strides = array<i32>} : memref<512x64xf32, #tpu.memory_space<vmem>>, vector<16xf32>,
        %parallel_loop3A_231 = arith.constant 3 : i32
        %parallel_loop3A_232 = arith.addi %parallel_loop3A_95, %parallel_loop3A_231 : i32
        %parallel_loop3A_233 = arith.index_cast %parallel_loop3A_232 : i32 to index
        %parallel_loop3A_234 = arith.constant 16 : index
        %parallel_loop3A_235 = tpu.vector_load %arg11[%parallel_loop3A_233, %parallel_loop3A_234] {strides = array<i32>} : memref<512x50xf32, #tpu.memory_space<vmem>>, vector<16xf32>,
        tpu.vector_store %arg11[%parallel_loop3A_233, %parallel_loop3A_234], %parallel_loop3A_230 {strides = array<i32>} : memref<512x50xf32, #tpu.memory_space<vmem>>, vector<16xf32>,
        %parallel_loop3A_236 = arith.constant 3 : i32
        %parallel_loop3A_237 = arith.addi %parallel_loop3A_95, %parallel_loop3A_236 : i32
        %parallel_loop3A_238 = arith.index_cast %parallel_loop3A_237 : i32 to index
        %parallel_loop3A_239 = arith.constant 32 : index
        %parallel_loop3A_240 = tpu.vector_load %arg9[%parallel_loop3A_238, %parallel_loop3A_239] {strides = array<i32>} : memref<512x64xf32, #tpu.memory_space<vmem>>, vector<16xf32>,
        %parallel_loop3A_241 = arith.constant 3 : i32
        %parallel_loop3A_242 = arith.addi %parallel_loop3A_95, %parallel_loop3A_241 : i32
        %parallel_loop3A_243 = arith.index_cast %parallel_loop3A_242 : i32 to index
        %parallel_loop3A_244 = arith.constant 32 : index
        %parallel_loop3A_245 = tpu.vector_load %arg11[%parallel_loop3A_243, %parallel_loop3A_244] {strides = array<i32>} : memref<512x50xf32, #tpu.memory_space<vmem>>, vector<16xf32>,
        tpu.vector_store %arg11[%parallel_loop3A_243, %parallel_loop3A_244], %parallel_loop3A_240 {strides = array<i32>} : memref<512x50xf32, #tpu.memory_space<vmem>>, vector<16xf32>,
        %parallel_loop3A_246 = arith.constant 3 : i32
        %parallel_loop3A_247 = arith.addi %parallel_loop3A_95, %parallel_loop3A_246 : i32
        %parallel_loop3A_248 = arith.index_cast %parallel_loop3A_247 : i32 to index
        %parallel_loop3A_249 = arith.constant 34 : index
        %parallel_loop3A_250 = tpu.vector_load %arg9[%parallel_loop3A_248, %parallel_loop3A_249] {strides = array<i32>} : memref<512x64xf32, #tpu.memory_space<vmem>>, vector<16xf32>,
        %parallel_loop3A_251 = arith.constant 3 : i32
        %parallel_loop3A_252 = arith.addi %parallel_loop3A_95, %parallel_loop3A_251 : i32
        %parallel_loop3A_253 = arith.index_cast %parallel_loop3A_252 : i32 to index
        %parallel_loop3A_254 = arith.constant 34 : index
        %parallel_loop3A_255 = tpu.vector_load %arg11[%parallel_loop3A_253, %parallel_loop3A_254] {strides = array<i32>} : memref<512x50xf32, #tpu.memory_space<vmem>>, vector<16xf32>,
        tpu.vector_store %arg11[%parallel_loop3A_253, %parallel_loop3A_254], %parallel_loop3A_250 {strides = array<i32>} : memref<512x50xf32, #tpu.memory_space<vmem>>, vector<16xf32>,
        %parallel_loop3A_256 = arith.constant 4 : i32
        %parallel_loop3A_257 = arith.addi %parallel_loop3A_95, %parallel_loop3A_256 : i32
        %parallel_loop3A_258 = arith.index_cast %parallel_loop3A_257 : i32 to index
        %parallel_loop3A_259 = arith.constant 0 : index
        %parallel_loop3A_260 = tpu.vector_load %arg9[%parallel_loop3A_258, %parallel_loop3A_259] {strides = array<i32>} : memref<512x64xf32, #tpu.memory_space<vmem>>, vector<16xf32>,
        %parallel_loop3A_261 = arith.constant 4 : i32
        %parallel_loop3A_262 = arith.addi %parallel_loop3A_95, %parallel_loop3A_261 : i32
        %parallel_loop3A_263 = arith.index_cast %parallel_loop3A_262 : i32 to index
        %parallel_loop3A_264 = arith.constant 0 : index
        %parallel_loop3A_265 = tpu.vector_load %arg11[%parallel_loop3A_263, %parallel_loop3A_264] {strides = array<i32>} : memref<512x50xf32, #tpu.memory_space<vmem>>, vector<16xf32>,
        tpu.vector_store %arg11[%parallel_loop3A_263, %parallel_loop3A_264], %parallel_loop3A_260 {strides = array<i32>} : memref<512x50xf32, #tpu.memory_space<vmem>>, vector<16xf32>,
        %parallel_loop3A_266 = arith.constant 4 : i32
        %parallel_loop3A_267 = arith.addi %parallel_loop3A_95, %parallel_loop3A_266 : i32
        %parallel_loop3A_268 = arith.index_cast %parallel_loop3A_267 : i32 to index
        %parallel_loop3A_269 = arith.constant 16 : index
        %parallel_loop3A_270 = tpu.vector_load %arg9[%parallel_loop3A_268, %parallel_loop3A_269] {strides = array<i32>} : memref<512x64xf32, #tpu.memory_space<vmem>>, vector<16xf32>,
        %parallel_loop3A_271 = arith.constant 4 : i32
        %parallel_loop3A_272 = arith.addi %parallel_loop3A_95, %parallel_loop3A_271 : i32
        %parallel_loop3A_273 = arith.index_cast %parallel_loop3A_272 : i32 to index
        %parallel_loop3A_274 = arith.constant 16 : index
        %parallel_loop3A_275 = tpu.vector_load %arg11[%parallel_loop3A_273, %parallel_loop3A_274] {strides = array<i32>} : memref<512x50xf32, #tpu.memory_space<vmem>>, vector<16xf32>,
        tpu.vector_store %arg11[%parallel_loop3A_273, %parallel_loop3A_274], %parallel_loop3A_270 {strides = array<i32>} : memref<512x50xf32, #tpu.memory_space<vmem>>, vector<16xf32>,
        %parallel_loop3A_276 = arith.constant 4 : i32
        %parallel_loop3A_277 = arith.addi %parallel_loop3A_95, %parallel_loop3A_276 : i32
        %parallel_loop3A_278 = arith.index_cast %parallel_loop3A_277 : i32 to index
        %parallel_loop3A_279 = arith.constant 32 : index
        %parallel_loop3A_280 = tpu.vector_load %arg9[%parallel_loop3A_278, %parallel_loop3A_279] {strides = array<i32>} : memref<512x64xf32, #tpu.memory_space<vmem>>, vector<16xf32>,
        %parallel_loop3A_281 = arith.constant 4 : i32
        %parallel_loop3A_282 = arith.addi %parallel_loop3A_95, %parallel_loop3A_281 : i32
        %parallel_loop3A_283 = arith.index_cast %parallel_loop3A_282 : i32 to index
        %parallel_loop3A_284 = arith.constant 32 : index
        %parallel_loop3A_285 = tpu.vector_load %arg11[%parallel_loop3A_283, %parallel_loop3A_284] {strides = array<i32>} : memref<512x50xf32, #tpu.memory_space<vmem>>, vector<16xf32>,
        tpu.vector_store %arg11[%parallel_loop3A_283, %parallel_loop3A_284], %parallel_loop3A_280 {strides = array<i32>} : memref<512x50xf32, #tpu.memory_space<vmem>>, vector<16xf32>,
        %parallel_loop3A_286 = arith.constant 4 : i32
        %parallel_loop3A_287 = arith.addi %parallel_loop3A_95, %parallel_loop3A_286 : i32
        %parallel_loop3A_288 = arith.index_cast %parallel_loop3A_287 : i32 to index
        %parallel_loop3A_289 = arith.constant 34 : index
        %parallel_loop3A_290 = tpu.vector_load %arg9[%parallel_loop3A_288, %parallel_loop3A_289] {strides = array<i32>} : memref<512x64xf32, #tpu.memory_space<vmem>>, vector<16xf32>,
        %parallel_loop3A_291 = arith.constant 4 : i32
        %parallel_loop3A_292 = arith.addi %parallel_loop3A_95, %parallel_loop3A_291 : i32
        %parallel_loop3A_293 = arith.index_cast %parallel_loop3A_292 : i32 to index
        %parallel_loop3A_294 = arith.constant 34 : index
        %parallel_loop3A_295 = tpu.vector_load %arg11[%parallel_loop3A_293, %parallel_loop3A_294] {strides = array<i32>} : memref<512x50xf32, #tpu.memory_space<vmem>>, vector<16xf32>,
        tpu.vector_store %arg11[%parallel_loop3A_293, %parallel_loop3A_294], %parallel_loop3A_290 {strides = array<i32>} : memref<512x50xf32, #tpu.memory_space<vmem>>, vector<16xf32>,
        %parallel_loop3A_296 = arith.constant 5 : i32
        %parallel_loop3A_297 = arith.addi %parallel_loop3A_95, %parallel_loop3A_296 : i32
        %parallel_loop3A_298 = arith.index_cast %parallel_loop3A_297 : i32 to index
        %parallel_loop3A_299 = arith.constant 0 : index
        %parallel_loop3A_300 = tpu.vector_load %arg9[%parallel_loop3A_298, %parallel_loop3A_299] {strides = array<i32>} : memref<512x64xf32, #tpu.memory_space<vmem>>, vector<16xf32>,
        %parallel_loop3A_301 = arith.constant 5 : i32
        %parallel_loop3A_302 = arith.addi %parallel_loop3A_95, %parallel_loop3A_301 : i32
        %parallel_loop3A_303 = arith.index_cast %parallel_loop3A_302 : i32 to index
        %parallel_loop3A_304 = arith.constant 0 : index
        %parallel_loop3A_305 = tpu.vector_load %arg11[%parallel_loop3A_303, %parallel_loop3A_304] {strides = array<i32>} : memref<512x50xf32, #tpu.memory_space<vmem>>, vector<16xf32>,
        tpu.vector_store %arg11[%parallel_loop3A_303, %parallel_loop3A_304], %parallel_loop3A_300 {strides = array<i32>} : memref<512x50xf32, #tpu.memory_space<vmem>>, vector<16xf32>,
        %parallel_loop3A_306 = arith.constant 5 : i32
        %parallel_loop3A_307 = arith.addi %parallel_loop3A_95, %parallel_loop3A_306 : i32
        %parallel_loop3A_308 = arith.index_cast %parallel_loop3A_307 : i32 to index
        %parallel_loop3A_309 = arith.constant 16 : index
        %parallel_loop3A_310 = tpu.vector_load %arg9[%parallel_loop3A_308, %parallel_loop3A_309] {strides = array<i32>} : memref<512x64xf32, #tpu.memory_space<vmem>>, vector<16xf32>,
        %parallel_loop3A_311 = arith.constant 5 : i32
        %parallel_loop3A_312 = arith.addi %parallel_loop3A_95, %parallel_loop3A_311 : i32
        %parallel_loop3A_313 = arith.index_cast %parallel_loop3A_312 : i32 to index
        %parallel_loop3A_314 = arith.constant 16 : index
        %parallel_loop3A_315 = tpu.vector_load %arg11[%parallel_loop3A_313, %parallel_loop3A_314] {strides = array<i32>} : memref<512x50xf32, #tpu.memory_space<vmem>>, vector<16xf32>,
        tpu.vector_store %arg11[%parallel_loop3A_313, %parallel_loop3A_314], %parallel_loop3A_310 {strides = array<i32>} : memref<512x50xf32, #tpu.memory_space<vmem>>, vector<16xf32>,
        %parallel_loop3A_316 = arith.constant 5 : i32
        %parallel_loop3A_317 = arith.addi %parallel_loop3A_95, %parallel_loop3A_316 : i32
        %parallel_loop3A_318 = arith.index_cast %parallel_loop3A_317 : i32 to index
        %parallel_loop3A_319 = arith.constant 32 : index
        %parallel_loop3A_320 = tpu.vector_load %arg9[%parallel_loop3A_318, %parallel_loop3A_319] {strides = array<i32>} : memref<512x64xf32, #tpu.memory_space<vmem>>, vector<16xf32>,
        %parallel_loop3A_321 = arith.constant 5 : i32
        %parallel_loop3A_322 = arith.addi %parallel_loop3A_95, %parallel_loop3A_321 : i32
        %parallel_loop3A_323 = arith.index_cast %parallel_loop3A_322 : i32 to index
        %parallel_loop3A_324 = arith.constant 32 : index
        %parallel_loop3A_325 = tpu.vector_load %arg11[%parallel_loop3A_323, %parallel_loop3A_324] {strides = array<i32>} : memref<512x50xf32, #tpu.memory_space<vmem>>, vector<16xf32>,
        tpu.vector_store %arg11[%parallel_loop3A_323, %parallel_loop3A_324], %parallel_loop3A_320 {strides = array<i32>} : memref<512x50xf32, #tpu.memory_space<vmem>>, vector<16xf32>,
        %parallel_loop3A_326 = arith.constant 5 : i32
        %parallel_loop3A_327 = arith.addi %parallel_loop3A_95, %parallel_loop3A_326 : i32
        %parallel_loop3A_328 = arith.index_cast %parallel_loop3A_327 : i32 to index
        %parallel_loop3A_329 = arith.constant 34 : index
        %parallel_loop3A_330 = tpu.vector_load %arg9[%parallel_loop3A_328, %parallel_loop3A_329] {strides = array<i32>} : memref<512x64xf32, #tpu.memory_space<vmem>>, vector<16xf32>,
        %parallel_loop3A_331 = arith.constant 5 : i32
        %parallel_loop3A_332 = arith.addi %parallel_loop3A_95, %parallel_loop3A_331 : i32
        %parallel_loop3A_333 = arith.index_cast %parallel_loop3A_332 : i32 to index
        %parallel_loop3A_334 = arith.constant 34 : index
        %parallel_loop3A_335 = tpu.vector_load %arg11[%parallel_loop3A_333, %parallel_loop3A_334] {strides = array<i32>} : memref<512x50xf32, #tpu.memory_space<vmem>>, vector<16xf32>,
        tpu.vector_store %arg11[%parallel_loop3A_333, %parallel_loop3A_334], %parallel_loop3A_330 {strides = array<i32>} : memref<512x50xf32, #tpu.memory_space<vmem>>, vector<16xf32>,
        %parallel_loop3A_336 = arith.constant 6 : i32
        %parallel_loop3A_337 = arith.addi %parallel_loop3A_95, %parallel_loop3A_336 : i32
        %parallel_loop3A_338 = arith.index_cast %parallel_loop3A_337 : i32 to index
        %parallel_loop3A_339 = arith.constant 0 : index
        %parallel_loop3A_340 = tpu.vector_load %arg9[%parallel_loop3A_338, %parallel_loop3A_339] {strides = array<i32>} : memref<512x64xf32, #tpu.memory_space<vmem>>, vector<16xf32>,
        %parallel_loop3A_341 = arith.constant 6 : i32
        %parallel_loop3A_342 = arith.addi %parallel_loop3A_95, %parallel_loop3A_341 : i32
        %parallel_loop3A_343 = arith.index_cast %parallel_loop3A_342 : i32 to index
        %parallel_loop3A_344 = arith.constant 0 : index
        %parallel_loop3A_345 = tpu.vector_load %arg11[%parallel_loop3A_343, %parallel_loop3A_344] {strides = array<i32>} : memref<512x50xf32, #tpu.memory_space<vmem>>, vector<16xf32>,
        tpu.vector_store %arg11[%parallel_loop3A_343, %parallel_loop3A_344], %parallel_loop3A_340 {strides = array<i32>} : memref<512x50xf32, #tpu.memory_space<vmem>>, vector<16xf32>,
        %parallel_loop3A_346 = arith.constant 6 : i32
        %parallel_loop3A_347 = arith.addi %parallel_loop3A_95, %parallel_loop3A_346 : i32
        %parallel_loop3A_348 = arith.index_cast %parallel_loop3A_347 : i32 to index
        %parallel_loop3A_349 = arith.constant 16 : index
        %parallel_loop3A_350 = tpu.vector_load %arg9[%parallel_loop3A_348, %parallel_loop3A_349] {strides = array<i32>} : memref<512x64xf32, #tpu.memory_space<vmem>>, vector<16xf32>,
        %parallel_loop3A_351 = arith.constant 6 : i32
        %parallel_loop3A_352 = arith.addi %parallel_loop3A_95, %parallel_loop3A_351 : i32
        %parallel_loop3A_353 = arith.index_cast %parallel_loop3A_352 : i32 to index
        %parallel_loop3A_354 = arith.constant 16 : index
        %parallel_loop3A_355 = tpu.vector_load %arg11[%parallel_loop3A_353, %parallel_loop3A_354] {strides = array<i32>} : memref<512x50xf32, #tpu.memory_space<vmem>>, vector<16xf32>,
        tpu.vector_store %arg11[%parallel_loop3A_353, %parallel_loop3A_354], %parallel_loop3A_350 {strides = array<i32>} : memref<512x50xf32, #tpu.memory_space<vmem>>, vector<16xf32>,
        %parallel_loop3A_356 = arith.constant 6 : i32
        %parallel_loop3A_357 = arith.addi %parallel_loop3A_95, %parallel_loop3A_356 : i32
        %parallel_loop3A_358 = arith.index_cast %parallel_loop3A_357 : i32 to index
        %parallel_loop3A_359 = arith.constant 32 : index
        %parallel_loop3A_360 = tpu.vector_load %arg9[%parallel_loop3A_358, %parallel_loop3A_359] {strides = array<i32>} : memref<512x64xf32, #tpu.memory_space<vmem>>, vector<16xf32>,
        %parallel_loop3A_361 = arith.constant 6 : i32
        %parallel_loop3A_362 = arith.addi %parallel_loop3A_95, %parallel_loop3A_361 : i32
        %parallel_loop3A_363 = arith.index_cast %parallel_loop3A_362 : i32 to index
        %parallel_loop3A_364 = arith.constant 32 : index
        %parallel_loop3A_365 = tpu.vector_load %arg11[%parallel_loop3A_363, %parallel_loop3A_364] {strides = array<i32>} : memref<512x50xf32, #tpu.memory_space<vmem>>, vector<16xf32>,
        tpu.vector_store %arg11[%parallel_loop3A_363, %parallel_loop3A_364], %parallel_loop3A_360 {strides = array<i32>} : memref<512x50xf32, #tpu.memory_space<vmem>>, vector<16xf32>,
        %parallel_loop3A_366 = arith.constant 6 : i32
        %parallel_loop3A_367 = arith.addi %parallel_loop3A_95, %parallel_loop3A_366 : i32
        %parallel_loop3A_368 = arith.index_cast %parallel_loop3A_367 : i32 to index
        %parallel_loop3A_369 = arith.constant 34 : index
        %parallel_loop3A_370 = tpu.vector_load %arg9[%parallel_loop3A_368, %parallel_loop3A_369] {strides = array<i32>} : memref<512x64xf32, #tpu.memory_space<vmem>>, vector<16xf32>,
        %parallel_loop3A_371 = arith.constant 6 : i32
        %parallel_loop3A_372 = arith.addi %parallel_loop3A_95, %parallel_loop3A_371 : i32
        %parallel_loop3A_373 = arith.index_cast %parallel_loop3A_372 : i32 to index
        %parallel_loop3A_374 = arith.constant 34 : index
        %parallel_loop3A_375 = tpu.vector_load %arg11[%parallel_loop3A_373, %parallel_loop3A_374] {strides = array<i32>} : memref<512x50xf32, #tpu.memory_space<vmem>>, vector<16xf32>,
        tpu.vector_store %arg11[%parallel_loop3A_373, %parallel_loop3A_374], %parallel_loop3A_370 {strides = array<i32>} : memref<512x50xf32, #tpu.memory_space<vmem>>, vector<16xf32>,
        %parallel_loop3A_376 = arith.constant 7 : i32
        %parallel_loop3A_377 = arith.addi %parallel_loop3A_95, %parallel_loop3A_376 : i32
        %parallel_loop3A_378 = arith.index_cast %parallel_loop3A_377 : i32 to index
        %parallel_loop3A_379 = arith.constant 0 : index
        %parallel_loop3A_380 = tpu.vector_load %arg9[%parallel_loop3A_378, %parallel_loop3A_379] {strides = array<i32>} : memref<512x64xf32, #tpu.memory_space<vmem>>, vector<16xf32>,
        %parallel_loop3A_381 = arith.constant 7 : i32
        %parallel_loop3A_382 = arith.addi %parallel_loop3A_95, %parallel_loop3A_381 : i32
        %parallel_loop3A_383 = arith.index_cast %parallel_loop3A_382 : i32 to index
        %parallel_loop3A_384 = arith.constant 0 : index
        %parallel_loop3A_385 = tpu.vector_load %arg11[%parallel_loop3A_383, %parallel_loop3A_384] {strides = array<i32>} : memref<512x50xf32, #tpu.memory_space<vmem>>, vector<16xf32>,
        tpu.vector_store %arg11[%parallel_loop3A_383, %parallel_loop3A_384], %parallel_loop3A_380 {strides = array<i32>} : memref<512x50xf32, #tpu.memory_space<vmem>>, vector<16xf32>,
        %parallel_loop3A_386 = arith.constant 7 : i32
        %parallel_loop3A_387 = arith.addi %parallel_loop3A_95, %parallel_loop3A_386 : i32
        %parallel_loop3A_388 = arith.index_cast %parallel_loop3A_387 : i32 to index
        %parallel_loop3A_389 = arith.constant 16 : index
        %parallel_loop3A_390 = tpu.vector_load %arg9[%parallel_loop3A_388, %parallel_loop3A_389] {strides = array<i32>} : memref<512x64xf32, #tpu.memory_space<vmem>>, vector<16xf32>,
        %parallel_loop3A_391 = arith.constant 7 : i32
        %parallel_loop3A_392 = arith.addi %parallel_loop3A_95, %parallel_loop3A_391 : i32
        %parallel_loop3A_393 = arith.index_cast %parallel_loop3A_392 : i32 to index
        %parallel_loop3A_394 = arith.constant 16 : index
        %parallel_loop3A_395 = tpu.vector_load %arg11[%parallel_loop3A_393, %parallel_loop3A_394] {strides = array<i32>} : memref<512x50xf32, #tpu.memory_space<vmem>>, vector<16xf32>,
        tpu.vector_store %arg11[%parallel_loop3A_393, %parallel_loop3A_394], %parallel_loop3A_390 {strides = array<i32>} : memref<512x50xf32, #tpu.memory_space<vmem>>, vector<16xf32>,
        %parallel_loop3A_396 = arith.constant 7 : i32
        %parallel_loop3A_397 = arith.addi %parallel_loop3A_95, %parallel_loop3A_396 : i32
        %parallel_loop3A_398 = arith.index_cast %parallel_loop3A_397 : i32 to index
        %parallel_loop3A_399 = arith.constant 32 : index
        %parallel_loop3A_400 = tpu.vector_load %arg9[%parallel_loop3A_398, %parallel_loop3A_399] {strides = array<i32>} : memref<512x64xf32, #tpu.memory_space<vmem>>, vector<16xf32>,
        %parallel_loop3A_401 = arith.constant 7 : i32
        %parallel_loop3A_402 = arith.addi %parallel_loop3A_95, %parallel_loop3A_401 : i32
        %parallel_loop3A_403 = arith.index_cast %parallel_loop3A_402 : i32 to index
        %parallel_loop3A_404 = arith.constant 32 : index
        %parallel_loop3A_405 = tpu.vector_load %arg11[%parallel_loop3A_403, %parallel_loop3A_404] {strides = array<i32>} : memref<512x50xf32, #tpu.memory_space<vmem>>, vector<16xf32>,
        tpu.vector_store %arg11[%parallel_loop3A_403, %parallel_loop3A_404], %parallel_loop3A_400 {strides = array<i32>} : memref<512x50xf32, #tpu.memory_space<vmem>>, vector<16xf32>,
        %parallel_loop3A_406 = arith.constant 7 : i32
        %parallel_loop3A_407 = arith.addi %parallel_loop3A_95, %parallel_loop3A_406 : i32
        %parallel_loop3A_408 = arith.index_cast %parallel_loop3A_407 : i32 to index
        %parallel_loop3A_409 = arith.constant 34 : index
        %parallel_loop3A_410 = tpu.vector_load %arg9[%parallel_loop3A_408, %parallel_loop3A_409] {strides = array<i32>} : memref<512x64xf32, #tpu.memory_space<vmem>>, vector<16xf32>,
        %parallel_loop3A_411 = arith.constant 7 : i32
        %parallel_loop3A_412 = arith.addi %parallel_loop3A_95, %parallel_loop3A_411 : i32
        %parallel_loop3A_413 = arith.index_cast %parallel_loop3A_412 : i32 to index
        %parallel_loop3A_414 = arith.constant 34 : index
        %parallel_loop3A_415 = tpu.vector_load %arg11[%parallel_loop3A_413, %parallel_loop3A_414] {strides = array<i32>} : memref<512x50xf32, #tpu.memory_space<vmem>>, vector<16xf32>,
        tpu.vector_store %arg11[%parallel_loop3A_413, %parallel_loop3A_414], %parallel_loop3A_410 {strides = array<i32>} : memref<512x50xf32, #tpu.memory_space<vmem>>, vector<16xf32>,
      } {sc.loop_unroll_factor = 2 : i64, sc.parallel_access}
      "tpu.region"() ({
        %run_scoped3A = tpu.sem_alloc : memref<!tpu.dma_semaphore, #tpu.memory_space<semaphore_mem>>
        %dma_start3A = arith.constant 0 : i32
        %dma_start3A_93 = tpu.memref_slice %arg4[%multiple_of3A_56, %dma_start3A] : memref<1048576x50xf32, #tpu.memory_space<hbm>> -> memref<512x50xf32, #tpu.memory_space<hbm>>
        %dma_start3A_94 = arith.constant 0 : i32
        %dma_start3A_95 = tpu.memref_slice %arg4[%multiple_of3A_56, %dma_start3A_94] : memref<1048576x50xf32, #tpu.memory_space<hbm>> -> memref<512x50xf32, #tpu.memory_space<hbm>>
        tpu.enqueue_dma source(%arg11 : memref<512x50xf32, #tpu.memory_space<vmem>>) target(%dma_start3A_95 : memref<512x50xf32, #tpu.memory_space<hbm>>) target_semaphore(%run_scoped3A : memref<!tpu.dma_semaphore, #tpu.memory_space<semaphore_mem>>)
        %dma_wait3A = arith.constant 0 : i32
        %dma_wait3A_96 = tpu.memref_slice %arg4[%multiple_of3A_56, %dma_wait3A] : memref<1048576x50xf32, #tpu.memory_space<hbm>> -> memref<512x50xf32, #tpu.memory_space<hbm>>
        %dma_wait3A_97 = arith.constant 0 : i32
        %dma_wait3A_98 = tpu.memref_slice %arg4[%multiple_of3A_56, %dma_wait3A_97] : memref<1048576x50xf32, #tpu.memory_space<hbm>> -> memref<512x50xf32, #tpu.memory_space<hbm>>
        tpu.wait_dma2 semaphore(%run_scoped3A : memref<!tpu.dma_semaphore, #tpu.memory_space<semaphore_mem>>) src(%arg11 : memref<512x50xf32, #tpu.memory_space<vmem>>) dst(%dma_wait3A_98 : memref<512x50xf32, #tpu.memory_space<hbm>>)
        tpu.yield
      }) : () -> ()
      %mul3A_60 = arith.constant 2 : i32
      %mul3A_61 = arith.muli %scan3A_28, %mul3A_60 : i32
      %add3A_62 = arith.constant 1 : i32
      %add3A_63 = arith.addi %mul3A_61, %add3A_62 : i32
      %add3A_64 = arith.constant 1 : i32
      %add3A_65 = arith.addi %add3A_63, %add3A_64 : i32
      %lt3A_66 = arith.constant 32 : i32
      %lt3A_67 = arith.cmpi slt, %add3A_65, %lt3A_66 : i32
      %convert_element_type3A_68 = arith.extui %lt3A_67 : i1 to i32
      %cond3A_69 = arith.constant 0 : i32
      %cond3A_70 = arith.cmpi ne, %convert_element_type3A_68, %cond3A_69 : i32
      scf.if %cond3A_70 {
        %add3A_93 = arith.constant 1 : i32
        %add3A_94 = arith.addi %add3A_63, %add3A_93 : i32
        %mul3A_95 = arith.constant 2 : i32
        %mul3A_96 = arith.muli %add3A_94, %mul3A_95 : i32
        %mul3A_97 = arith.constant 512 : i32
        %mul3A_98 = arith.muli %mul3A_96, %mul3A_97 : i32
        %add3A_99 = arith.addi %mul3A_2, %mul3A_98 : i32
        %jit3A_100 = arith.constant 128 : i32
        %div3A_101 = arith.divsi %add3A_99, %jit3A_100 : i32
        %sign3A_102 = arith.constant 0 : i32
        %sign3A_103 = arith.cmpi sgt, %add3A_99, %sign3A_102 : i32
        %sign3A_104 = arith.extui %sign3A_103 : i1 to i32
        %sign3A_105 = arith.constant 0 : i32
        %sign3A_106 = arith.cmpi slt, %add3A_99, %sign3A_105 : i32
        %sign3A_107 = arith.extui %sign3A_106 : i1 to i32
        %sign3A_108 = arith.subi %sign3A_104, %sign3A_107 : i32
        %sign3A_109 = arith.constant 0 : i32
        %sign3A_110 = arith.cmpi sgt, %jit3A_100, %sign3A_109 : i32
        %sign3A_111 = arith.extui %sign3A_110 : i1 to i32
        %sign3A_112 = arith.constant 0 : i32
        %sign3A_113 = arith.cmpi slt, %jit3A_100, %sign3A_112 : i32
        %sign3A_114 = arith.extui %sign3A_113 : i1 to i32
        %sign3A_115 = arith.subi %sign3A_111, %sign3A_114 : i32
        %ne3A_116 = arith.cmpi ne, %sign3A_108, %sign3A_115 : i32
        %rem3A_117 = arith.remsi %add3A_99, %jit3A_100 : i32
        %ne3A_118 = arith.constant 0 : i32
        %ne3A_119 = arith.cmpi ne, %rem3A_117, %ne3A_118 : i32
        %and3A_120 = arith.andi %ne3A_116, %ne3A_119 : i1
        %sub3A_121 = arith.constant 1 : i32
        %sub3A_122 = arith.subi %div3A_101, %sub3A_121 : i32
        %select_n3A_123 = arith.select %and3A_120, %sub3A_122, %div3A_101 : i32
        %multiple_of3A_124 = tpu.assume_multiple %select_n3A_123, 8 : i32
        "tpu.region"() ({
          %run_scoped3A = tpu.sem_alloc : memref<!tpu.dma_semaphore, #tpu.memory_space<semaphore_mem>>
          %dma_start3A = arith.constant 0 : i32
          %dma_start3A_125 = tpu.memref_slice %arg2[%multiple_of3A_124, %dma_start3A] : memref<8192x128xi32, #tpu.memory_space<hbm>> -> memref<8x128xi32, #tpu.memory_space<hbm>>
          %dma_start3A_126 = arith.constant 0 : i32
          %dma_start3A_127 = tpu.memref_slice %arg2[%multiple_of3A_124, %dma_start3A_126] : memref<8192x128xi32, #tpu.memory_space<hbm>> -> memref<8x128xi32, #tpu.memory_space<hbm>>
          tpu.enqueue_dma source(%dma_start3A_127 : memref<8x128xi32, #tpu.memory_space<hbm>>) target(%arg6 : memref<8x128xi32, #tpu.memory_space<vmem>>) target_semaphore(%run_scoped3A : memref<!tpu.dma_semaphore, #tpu.memory_space<semaphore_mem>>)
          %dma_wait3A = arith.constant 0 : i32
          %dma_wait3A_128 = tpu.memref_slice %arg2[%multiple_of3A_124, %dma_wait3A] : memref<8192x128xi32, #tpu.memory_space<hbm>> -> memref<8x128xi32, #tpu.memory_space<hbm>>
          %dma_wait3A_129 = arith.constant 0 : i32
          %dma_wait3A_130 = tpu.memref_slice %arg2[%multiple_of3A_124, %dma_wait3A_129] : memref<8192x128xi32, #tpu.memory_space<hbm>> -> memref<8x128xi32, #tpu.memory_space<hbm>>
          tpu.wait_dma2 semaphore(%run_scoped3A : memref<!tpu.dma_semaphore, #tpu.memory_space<semaphore_mem>>) src(%dma_wait3A_130 : memref<8x128xi32, #tpu.memory_space<hbm>>) dst(%arg6 : memref<8x128xi32, #tpu.memory_space<vmem>>)
          tpu.yield
        }) : () -> ()
      } else {
      }
      %mul3A_71 = arith.constant 2 : i32
      %mul3A_72 = arith.muli %add3A_63, %mul3A_71 : i32
      %add3A_73 = arith.constant 0 : i32
      %add3A_74 = arith.addi %mul3A_72, %add3A_73 : i32
      %mul3A_75 = arith.constant 512 : i32
      %mul3A_76 = arith.muli %add3A_74, %mul3A_75 : i32
      %add3A_77 = arith.addi %mul3A_2, %mul3A_76 : i32
      %multiple_of3A_78 = tpu.assume_multiple %add3A_77, 512 : i32
      %parallel_loop3A_79 = arith.constant 0 : i32
      %parallel_loop3A_80 = arith.constant 64 : i32
      %parallel_loop3A_81 = arith.constant 1 : i32
      scf.for %parallel_loop3A_93 = %parallel_loop3A_79 to %parallel_loop3A_80 step %parallel_loop3A_81  : i32 {
        %parallel_loop3A_94 = arith.constant 8 : i32
        %parallel_loop3A_95 = arith.muli %parallel_loop3A_93, %parallel_loop3A_94 : i32
        %parallel_loop3A_96 = arith.constant 0 : i32
        %parallel_loop3A_97 = arith.addi %parallel_loop3A_95, %parallel_loop3A_96 : i32
        %parallel_loop3A_98 = arith.index_cast %parallel_loop3A_97 : i32 to index
        %parallel_loop3A_99 = arith.constant 0 : index
        %parallel_loop3A_100 = tpu.vector_load %arg8[%parallel_loop3A_98, %parallel_loop3A_99] {strides = array<i32>} : memref<512x64xf32, #tpu.memory_space<vmem>>, vector<16xf32>,
        %parallel_loop3A_101 = arith.constant 0 : i32
        %parallel_loop3A_102 = arith.addi %parallel_loop3A_95, %parallel_loop3A_101 : i32
        %parallel_loop3A_103 = arith.index_cast %parallel_loop3A_102 : i32 to index
        %parallel_loop3A_104 = arith.constant 0 : index
        %parallel_loop3A_105 = tpu.vector_load %arg10[%parallel_loop3A_103, %parallel_loop3A_104] {strides = array<i32>} : memref<512x50xf32, #tpu.memory_space<vmem>>, vector<16xf32>,
        tpu.vector_store %arg10[%parallel_loop3A_103, %parallel_loop3A_104], %parallel_loop3A_100 {strides = array<i32>} : memref<512x50xf32, #tpu.memory_space<vmem>>, vector<16xf32>,
        %parallel_loop3A_106 = arith.constant 0 : i32
        %parallel_loop3A_107 = arith.addi %parallel_loop3A_95, %parallel_loop3A_106 : i32
        %parallel_loop3A_108 = arith.index_cast %parallel_loop3A_107 : i32 to index
        %parallel_loop3A_109 = arith.constant 16 : index
        %parallel_loop3A_110 = tpu.vector_load %arg8[%parallel_loop3A_108, %parallel_loop3A_109] {strides = array<i32>} : memref<512x64xf32, #tpu.memory_space<vmem>>, vector<16xf32>,
        %parallel_loop3A_111 = arith.constant 0 : i32
        %parallel_loop3A_112 = arith.addi %parallel_loop3A_95, %parallel_loop3A_111 : i32
        %parallel_loop3A_113 = arith.index_cast %parallel_loop3A_112 : i32 to index
        %parallel_loop3A_114 = arith.constant 16 : index
        %parallel_loop3A_115 = tpu.vector_load %arg10[%parallel_loop3A_113, %parallel_loop3A_114] {strides = array<i32>} : memref<512x50xf32, #tpu.memory_space<vmem>>, vector<16xf32>,
        tpu.vector_store %arg10[%parallel_loop3A_113, %parallel_loop3A_114], %parallel_loop3A_110 {strides = array<i32>} : memref<512x50xf32, #tpu.memory_space<vmem>>, vector<16xf32>,
        %parallel_loop3A_116 = arith.constant 0 : i32
        %parallel_loop3A_117 = arith.addi %parallel_loop3A_95, %parallel_loop3A_116 : i32
        %parallel_loop3A_118 = arith.index_cast %parallel_loop3A_117 : i32 to index
        %parallel_loop3A_119 = arith.constant 32 : index
        %parallel_loop3A_120 = tpu.vector_load %arg8[%parallel_loop3A_118, %parallel_loop3A_119] {strides = array<i32>} : memref<512x64xf32, #tpu.memory_space<vmem>>, vector<16xf32>,
        %parallel_loop3A_121 = arith.constant 0 : i32
        %parallel_loop3A_122 = arith.addi %parallel_loop3A_95, %parallel_loop3A_121 : i32
        %parallel_loop3A_123 = arith.index_cast %parallel_loop3A_122 : i32 to index
        %parallel_loop3A_124 = arith.constant 32 : index
        %parallel_loop3A_125 = tpu.vector_load %arg10[%parallel_loop3A_123, %parallel_loop3A_124] {strides = array<i32>} : memref<512x50xf32, #tpu.memory_space<vmem>>, vector<16xf32>,
        tpu.vector_store %arg10[%parallel_loop3A_123, %parallel_loop3A_124], %parallel_loop3A_120 {strides = array<i32>} : memref<512x50xf32, #tpu.memory_space<vmem>>, vector<16xf32>,
        %parallel_loop3A_126 = arith.constant 0 : i32
        %parallel_loop3A_127 = arith.addi %parallel_loop3A_95, %parallel_loop3A_126 : i32
        %parallel_loop3A_128 = arith.index_cast %parallel_loop3A_127 : i32 to index
        %parallel_loop3A_129 = arith.constant 34 : index
        %parallel_loop3A_130 = tpu.vector_load %arg8[%parallel_loop3A_128, %parallel_loop3A_129] {strides = array<i32>} : memref<512x64xf32, #tpu.memory_space<vmem>>, vector<16xf32>,
        %parallel_loop3A_131 = arith.constant 0 : i32
        %parallel_loop3A_132 = arith.addi %parallel_loop3A_95, %parallel_loop3A_131 : i32
        %parallel_loop3A_133 = arith.index_cast %parallel_loop3A_132 : i32 to index
        %parallel_loop3A_134 = arith.constant 34 : index
        %parallel_loop3A_135 = tpu.vector_load %arg10[%parallel_loop3A_133, %parallel_loop3A_134] {strides = array<i32>} : memref<512x50xf32, #tpu.memory_space<vmem>>, vector<16xf32>,
        tpu.vector_store %arg10[%parallel_loop3A_133, %parallel_loop3A_134], %parallel_loop3A_130 {strides = array<i32>} : memref<512x50xf32, #tpu.memory_space<vmem>>, vector<16xf32>,
        %parallel_loop3A_136 = arith.constant 1 : i32
        %parallel_loop3A_137 = arith.addi %parallel_loop3A_95, %parallel_loop3A_136 : i32
        %parallel_loop3A_138 = arith.index_cast %parallel_loop3A_137 : i32 to index
        %parallel_loop3A_139 = arith.constant 0 : index
        %parallel_loop3A_140 = tpu.vector_load %arg8[%parallel_loop3A_138, %parallel_loop3A_139] {strides = array<i32>} : memref<512x64xf32, #tpu.memory_space<vmem>>, vector<16xf32>,
        %parallel_loop3A_141 = arith.constant 1 : i32
        %parallel_loop3A_142 = arith.addi %parallel_loop3A_95, %parallel_loop3A_141 : i32
        %parallel_loop3A_143 = arith.index_cast %parallel_loop3A_142 : i32 to index
        %parallel_loop3A_144 = arith.constant 0 : index
        %parallel_loop3A_145 = tpu.vector_load %arg10[%parallel_loop3A_143, %parallel_loop3A_144] {strides = array<i32>} : memref<512x50xf32, #tpu.memory_space<vmem>>, vector<16xf32>,
        tpu.vector_store %arg10[%parallel_loop3A_143, %parallel_loop3A_144], %parallel_loop3A_140 {strides = array<i32>} : memref<512x50xf32, #tpu.memory_space<vmem>>, vector<16xf32>,
        %parallel_loop3A_146 = arith.constant 1 : i32
        %parallel_loop3A_147 = arith.addi %parallel_loop3A_95, %parallel_loop3A_146 : i32
        %parallel_loop3A_148 = arith.index_cast %parallel_loop3A_147 : i32 to index
        %parallel_loop3A_149 = arith.constant 16 : index
        %parallel_loop3A_150 = tpu.vector_load %arg8[%parallel_loop3A_148, %parallel_loop3A_149] {strides = array<i32>} : memref<512x64xf32, #tpu.memory_space<vmem>>, vector<16xf32>,
        %parallel_loop3A_151 = arith.constant 1 : i32
        %parallel_loop3A_152 = arith.addi %parallel_loop3A_95, %parallel_loop3A_151 : i32
        %parallel_loop3A_153 = arith.index_cast %parallel_loop3A_152 : i32 to index
        %parallel_loop3A_154 = arith.constant 16 : index
        %parallel_loop3A_155 = tpu.vector_load %arg10[%parallel_loop3A_153, %parallel_loop3A_154] {strides = array<i32>} : memref<512x50xf32, #tpu.memory_space<vmem>>, vector<16xf32>,
        tpu.vector_store %arg10[%parallel_loop3A_153, %parallel_loop3A_154], %parallel_loop3A_150 {strides = array<i32>} : memref<512x50xf32, #tpu.memory_space<vmem>>, vector<16xf32>,
        %parallel_loop3A_156 = arith.constant 1 : i32
        %parallel_loop3A_157 = arith.addi %parallel_loop3A_95, %parallel_loop3A_156 : i32
        %parallel_loop3A_158 = arith.index_cast %parallel_loop3A_157 : i32 to index
        %parallel_loop3A_159 = arith.constant 32 : index
        %parallel_loop3A_160 = tpu.vector_load %arg8[%parallel_loop3A_158, %parallel_loop3A_159] {strides = array<i32>} : memref<512x64xf32, #tpu.memory_space<vmem>>, vector<16xf32>,
        %parallel_loop3A_161 = arith.constant 1 : i32
        %parallel_loop3A_162 = arith.addi %parallel_loop3A_95, %parallel_loop3A_161 : i32
        %parallel_loop3A_163 = arith.index_cast %parallel_loop3A_162 : i32 to index
        %parallel_loop3A_164 = arith.constant 32 : index
        %parallel_loop3A_165 = tpu.vector_load %arg10[%parallel_loop3A_163, %parallel_loop3A_164] {strides = array<i32>} : memref<512x50xf32, #tpu.memory_space<vmem>>, vector<16xf32>,
        tpu.vector_store %arg10[%parallel_loop3A_163, %parallel_loop3A_164], %parallel_loop3A_160 {strides = array<i32>} : memref<512x50xf32, #tpu.memory_space<vmem>>, vector<16xf32>,
        %parallel_loop3A_166 = arith.constant 1 : i32
        %parallel_loop3A_167 = arith.addi %parallel_loop3A_95, %parallel_loop3A_166 : i32
        %parallel_loop3A_168 = arith.index_cast %parallel_loop3A_167 : i32 to index
        %parallel_loop3A_169 = arith.constant 34 : index
        %parallel_loop3A_170 = tpu.vector_load %arg8[%parallel_loop3A_168, %parallel_loop3A_169] {strides = array<i32>} : memref<512x64xf32, #tpu.memory_space<vmem>>, vector<16xf32>,
        %parallel_loop3A_171 = arith.constant 1 : i32
        %parallel_loop3A_172 = arith.addi %parallel_loop3A_95, %parallel_loop3A_171 : i32
        %parallel_loop3A_173 = arith.index_cast %parallel_loop3A_172 : i32 to index
        %parallel_loop3A_174 = arith.constant 34 : index
        %parallel_loop3A_175 = tpu.vector_load %arg10[%parallel_loop3A_173, %parallel_loop3A_174] {strides = array<i32>} : memref<512x50xf32, #tpu.memory_space<vmem>>, vector<16xf32>,
        tpu.vector_store %arg10[%parallel_loop3A_173, %parallel_loop3A_174], %parallel_loop3A_170 {strides = array<i32>} : memref<512x50xf32, #tpu.memory_space<vmem>>, vector<16xf32>,
        %parallel_loop3A_176 = arith.constant 2 : i32
        %parallel_loop3A_177 = arith.addi %parallel_loop3A_95, %parallel_loop3A_176 : i32
        %parallel_loop3A_178 = arith.index_cast %parallel_loop3A_177 : i32 to index
        %parallel_loop3A_179 = arith.constant 0 : index
        %parallel_loop3A_180 = tpu.vector_load %arg8[%parallel_loop3A_178, %parallel_loop3A_179] {strides = array<i32>} : memref<512x64xf32, #tpu.memory_space<vmem>>, vector<16xf32>,
        %parallel_loop3A_181 = arith.constant 2 : i32
        %parallel_loop3A_182 = arith.addi %parallel_loop3A_95, %parallel_loop3A_181 : i32
        %parallel_loop3A_183 = arith.index_cast %parallel_loop3A_182 : i32 to index
        %parallel_loop3A_184 = arith.constant 0 : index
        %parallel_loop3A_185 = tpu.vector_load %arg10[%parallel_loop3A_183, %parallel_loop3A_184] {strides = array<i32>} : memref<512x50xf32, #tpu.memory_space<vmem>>, vector<16xf32>,
        tpu.vector_store %arg10[%parallel_loop3A_183, %parallel_loop3A_184], %parallel_loop3A_180 {strides = array<i32>} : memref<512x50xf32, #tpu.memory_space<vmem>>, vector<16xf32>,
        %parallel_loop3A_186 = arith.constant 2 : i32
        %parallel_loop3A_187 = arith.addi %parallel_loop3A_95, %parallel_loop3A_186 : i32
        %parallel_loop3A_188 = arith.index_cast %parallel_loop3A_187 : i32 to index
        %parallel_loop3A_189 = arith.constant 16 : index
        %parallel_loop3A_190 = tpu.vector_load %arg8[%parallel_loop3A_188, %parallel_loop3A_189] {strides = array<i32>} : memref<512x64xf32, #tpu.memory_space<vmem>>, vector<16xf32>,
        %parallel_loop3A_191 = arith.constant 2 : i32
        %parallel_loop3A_192 = arith.addi %parallel_loop3A_95, %parallel_loop3A_191 : i32
        %parallel_loop3A_193 = arith.index_cast %parallel_loop3A_192 : i32 to index
        %parallel_loop3A_194 = arith.constant 16 : index
        %parallel_loop3A_195 = tpu.vector_load %arg10[%parallel_loop3A_193, %parallel_loop3A_194] {strides = array<i32>} : memref<512x50xf32, #tpu.memory_space<vmem>>, vector<16xf32>,
        tpu.vector_store %arg10[%parallel_loop3A_193, %parallel_loop3A_194], %parallel_loop3A_190 {strides = array<i32>} : memref<512x50xf32, #tpu.memory_space<vmem>>, vector<16xf32>,
        %parallel_loop3A_196 = arith.constant 2 : i32
        %parallel_loop3A_197 = arith.addi %parallel_loop3A_95, %parallel_loop3A_196 : i32
        %parallel_loop3A_198 = arith.index_cast %parallel_loop3A_197 : i32 to index
        %parallel_loop3A_199 = arith.constant 32 : index
        %parallel_loop3A_200 = tpu.vector_load %arg8[%parallel_loop3A_198, %parallel_loop3A_199] {strides = array<i32>} : memref<512x64xf32, #tpu.memory_space<vmem>>, vector<16xf32>,
        %parallel_loop3A_201 = arith.constant 2 : i32
        %parallel_loop3A_202 = arith.addi %parallel_loop3A_95, %parallel_loop3A_201 : i32
        %parallel_loop3A_203 = arith.index_cast %parallel_loop3A_202 : i32 to index
        %parallel_loop3A_204 = arith.constant 32 : index
        %parallel_loop3A_205 = tpu.vector_load %arg10[%parallel_loop3A_203, %parallel_loop3A_204] {strides = array<i32>} : memref<512x50xf32, #tpu.memory_space<vmem>>, vector<16xf32>,
        tpu.vector_store %arg10[%parallel_loop3A_203, %parallel_loop3A_204], %parallel_loop3A_200 {strides = array<i32>} : memref<512x50xf32, #tpu.memory_space<vmem>>, vector<16xf32>,
        %parallel_loop3A_206 = arith.constant 2 : i32
        %parallel_loop3A_207 = arith.addi %parallel_loop3A_95, %parallel_loop3A_206 : i32
        %parallel_loop3A_208 = arith.index_cast %parallel_loop3A_207 : i32 to index
        %parallel_loop3A_209 = arith.constant 34 : index
        %parallel_loop3A_210 = tpu.vector_load %arg8[%parallel_loop3A_208, %parallel_loop3A_209] {strides = array<i32>} : memref<512x64xf32, #tpu.memory_space<vmem>>, vector<16xf32>,
        %parallel_loop3A_211 = arith.constant 2 : i32
        %parallel_loop3A_212 = arith.addi %parallel_loop3A_95, %parallel_loop3A_211 : i32
        %parallel_loop3A_213 = arith.index_cast %parallel_loop3A_212 : i32 to index
        %parallel_loop3A_214 = arith.constant 34 : index
        %parallel_loop3A_215 = tpu.vector_load %arg10[%parallel_loop3A_213, %parallel_loop3A_214] {strides = array<i32>} : memref<512x50xf32, #tpu.memory_space<vmem>>, vector<16xf32>,
        tpu.vector_store %arg10[%parallel_loop3A_213, %parallel_loop3A_214], %parallel_loop3A_210 {strides = array<i32>} : memref<512x50xf32, #tpu.memory_space<vmem>>, vector<16xf32>,
        %parallel_loop3A_216 = arith.constant 3 : i32
        %parallel_loop3A_217 = arith.addi %parallel_loop3A_95, %parallel_loop3A_216 : i32
        %parallel_loop3A_218 = arith.index_cast %parallel_loop3A_217 : i32 to index
        %parallel_loop3A_219 = arith.constant 0 : index
        %parallel_loop3A_220 = tpu.vector_load %arg8[%parallel_loop3A_218, %parallel_loop3A_219] {strides = array<i32>} : memref<512x64xf32, #tpu.memory_space<vmem>>, vector<16xf32>,
        %parallel_loop3A_221 = arith.constant 3 : i32
        %parallel_loop3A_222 = arith.addi %parallel_loop3A_95, %parallel_loop3A_221 : i32
        %parallel_loop3A_223 = arith.index_cast %parallel_loop3A_222 : i32 to index
        %parallel_loop3A_224 = arith.constant 0 : index
        %parallel_loop3A_225 = tpu.vector_load %arg10[%parallel_loop3A_223, %parallel_loop3A_224] {strides = array<i32>} : memref<512x50xf32, #tpu.memory_space<vmem>>, vector<16xf32>,
        tpu.vector_store %arg10[%parallel_loop3A_223, %parallel_loop3A_224], %parallel_loop3A_220 {strides = array<i32>} : memref<512x50xf32, #tpu.memory_space<vmem>>, vector<16xf32>,
        %parallel_loop3A_226 = arith.constant 3 : i32
        %parallel_loop3A_227 = arith.addi %parallel_loop3A_95, %parallel_loop3A_226 : i32
        %parallel_loop3A_228 = arith.index_cast %parallel_loop3A_227 : i32 to index
        %parallel_loop3A_229 = arith.constant 16 : index
        %parallel_loop3A_230 = tpu.vector_load %arg8[%parallel_loop3A_228, %parallel_loop3A_229] {strides = array<i32>} : memref<512x64xf32, #tpu.memory_space<vmem>>, vector<16xf32>,
        %parallel_loop3A_231 = arith.constant 3 : i32
        %parallel_loop3A_232 = arith.addi %parallel_loop3A_95, %parallel_loop3A_231 : i32
        %parallel_loop3A_233 = arith.index_cast %parallel_loop3A_232 : i32 to index
        %parallel_loop3A_234 = arith.constant 16 : index
        %parallel_loop3A_235 = tpu.vector_load %arg10[%parallel_loop3A_233, %parallel_loop3A_234] {strides = array<i32>} : memref<512x50xf32, #tpu.memory_space<vmem>>, vector<16xf32>,
        tpu.vector_store %arg10[%parallel_loop3A_233, %parallel_loop3A_234], %parallel_loop3A_230 {strides = array<i32>} : memref<512x50xf32, #tpu.memory_space<vmem>>, vector<16xf32>,
        %parallel_loop3A_236 = arith.constant 3 : i32
        %parallel_loop3A_237 = arith.addi %parallel_loop3A_95, %parallel_loop3A_236 : i32
        %parallel_loop3A_238 = arith.index_cast %parallel_loop3A_237 : i32 to index
        %parallel_loop3A_239 = arith.constant 32 : index
        %parallel_loop3A_240 = tpu.vector_load %arg8[%parallel_loop3A_238, %parallel_loop3A_239] {strides = array<i32>} : memref<512x64xf32, #tpu.memory_space<vmem>>, vector<16xf32>,
        %parallel_loop3A_241 = arith.constant 3 : i32
        %parallel_loop3A_242 = arith.addi %parallel_loop3A_95, %parallel_loop3A_241 : i32
        %parallel_loop3A_243 = arith.index_cast %parallel_loop3A_242 : i32 to index
        %parallel_loop3A_244 = arith.constant 32 : index
        %parallel_loop3A_245 = tpu.vector_load %arg10[%parallel_loop3A_243, %parallel_loop3A_244] {strides = array<i32>} : memref<512x50xf32, #tpu.memory_space<vmem>>, vector<16xf32>,
        tpu.vector_store %arg10[%parallel_loop3A_243, %parallel_loop3A_244], %parallel_loop3A_240 {strides = array<i32>} : memref<512x50xf32, #tpu.memory_space<vmem>>, vector<16xf32>,
        %parallel_loop3A_246 = arith.constant 3 : i32
        %parallel_loop3A_247 = arith.addi %parallel_loop3A_95, %parallel_loop3A_246 : i32
        %parallel_loop3A_248 = arith.index_cast %parallel_loop3A_247 : i32 to index
        %parallel_loop3A_249 = arith.constant 34 : index
        %parallel_loop3A_250 = tpu.vector_load %arg8[%parallel_loop3A_248, %parallel_loop3A_249] {strides = array<i32>} : memref<512x64xf32, #tpu.memory_space<vmem>>, vector<16xf32>,
        %parallel_loop3A_251 = arith.constant 3 : i32
        %parallel_loop3A_252 = arith.addi %parallel_loop3A_95, %parallel_loop3A_251 : i32
        %parallel_loop3A_253 = arith.index_cast %parallel_loop3A_252 : i32 to index
        %parallel_loop3A_254 = arith.constant 34 : index
        %parallel_loop3A_255 = tpu.vector_load %arg10[%parallel_loop3A_253, %parallel_loop3A_254] {strides = array<i32>} : memref<512x50xf32, #tpu.memory_space<vmem>>, vector<16xf32>,
        tpu.vector_store %arg10[%parallel_loop3A_253, %parallel_loop3A_254], %parallel_loop3A_250 {strides = array<i32>} : memref<512x50xf32, #tpu.memory_space<vmem>>, vector<16xf32>,
        %parallel_loop3A_256 = arith.constant 4 : i32
        %parallel_loop3A_257 = arith.addi %parallel_loop3A_95, %parallel_loop3A_256 : i32
        %parallel_loop3A_258 = arith.index_cast %parallel_loop3A_257 : i32 to index
        %parallel_loop3A_259 = arith.constant 0 : index
        %parallel_loop3A_260 = tpu.vector_load %arg8[%parallel_loop3A_258, %parallel_loop3A_259] {strides = array<i32>} : memref<512x64xf32, #tpu.memory_space<vmem>>, vector<16xf32>,
        %parallel_loop3A_261 = arith.constant 4 : i32
        %parallel_loop3A_262 = arith.addi %parallel_loop3A_95, %parallel_loop3A_261 : i32
        %parallel_loop3A_263 = arith.index_cast %parallel_loop3A_262 : i32 to index
        %parallel_loop3A_264 = arith.constant 0 : index
        %parallel_loop3A_265 = tpu.vector_load %arg10[%parallel_loop3A_263, %parallel_loop3A_264] {strides = array<i32>} : memref<512x50xf32, #tpu.memory_space<vmem>>, vector<16xf32>,
        tpu.vector_store %arg10[%parallel_loop3A_263, %parallel_loop3A_264], %parallel_loop3A_260 {strides = array<i32>} : memref<512x50xf32, #tpu.memory_space<vmem>>, vector<16xf32>,
        %parallel_loop3A_266 = arith.constant 4 : i32
        %parallel_loop3A_267 = arith.addi %parallel_loop3A_95, %parallel_loop3A_266 : i32
        %parallel_loop3A_268 = arith.index_cast %parallel_loop3A_267 : i32 to index
        %parallel_loop3A_269 = arith.constant 16 : index
        %parallel_loop3A_270 = tpu.vector_load %arg8[%parallel_loop3A_268, %parallel_loop3A_269] {strides = array<i32>} : memref<512x64xf32, #tpu.memory_space<vmem>>, vector<16xf32>,
        %parallel_loop3A_271 = arith.constant 4 : i32
        %parallel_loop3A_272 = arith.addi %parallel_loop3A_95, %parallel_loop3A_271 : i32
        %parallel_loop3A_273 = arith.index_cast %parallel_loop3A_272 : i32 to index
        %parallel_loop3A_274 = arith.constant 16 : index
        %parallel_loop3A_275 = tpu.vector_load %arg10[%parallel_loop3A_273, %parallel_loop3A_274] {strides = array<i32>} : memref<512x50xf32, #tpu.memory_space<vmem>>, vector<16xf32>,
        tpu.vector_store %arg10[%parallel_loop3A_273, %parallel_loop3A_274], %parallel_loop3A_270 {strides = array<i32>} : memref<512x50xf32, #tpu.memory_space<vmem>>, vector<16xf32>,
        %parallel_loop3A_276 = arith.constant 4 : i32
        %parallel_loop3A_277 = arith.addi %parallel_loop3A_95, %parallel_loop3A_276 : i32
        %parallel_loop3A_278 = arith.index_cast %parallel_loop3A_277 : i32 to index
        %parallel_loop3A_279 = arith.constant 32 : index
        %parallel_loop3A_280 = tpu.vector_load %arg8[%parallel_loop3A_278, %parallel_loop3A_279] {strides = array<i32>} : memref<512x64xf32, #tpu.memory_space<vmem>>, vector<16xf32>,
        %parallel_loop3A_281 = arith.constant 4 : i32
        %parallel_loop3A_282 = arith.addi %parallel_loop3A_95, %parallel_loop3A_281 : i32
        %parallel_loop3A_283 = arith.index_cast %parallel_loop3A_282 : i32 to index
        %parallel_loop3A_284 = arith.constant 32 : index
        %parallel_loop3A_285 = tpu.vector_load %arg10[%parallel_loop3A_283, %parallel_loop3A_284] {strides = array<i32>} : memref<512x50xf32, #tpu.memory_space<vmem>>, vector<16xf32>,
        tpu.vector_store %arg10[%parallel_loop3A_283, %parallel_loop3A_284], %parallel_loop3A_280 {strides = array<i32>} : memref<512x50xf32, #tpu.memory_space<vmem>>, vector<16xf32>,
        %parallel_loop3A_286 = arith.constant 4 : i32
        %parallel_loop3A_287 = arith.addi %parallel_loop3A_95, %parallel_loop3A_286 : i32
        %parallel_loop3A_288 = arith.index_cast %parallel_loop3A_287 : i32 to index
        %parallel_loop3A_289 = arith.constant 34 : index
        %parallel_loop3A_290 = tpu.vector_load %arg8[%parallel_loop3A_288, %parallel_loop3A_289] {strides = array<i32>} : memref<512x64xf32, #tpu.memory_space<vmem>>, vector<16xf32>,
        %parallel_loop3A_291 = arith.constant 4 : i32
        %parallel_loop3A_292 = arith.addi %parallel_loop3A_95, %parallel_loop3A_291 : i32
        %parallel_loop3A_293 = arith.index_cast %parallel_loop3A_292 : i32 to index
        %parallel_loop3A_294 = arith.constant 34 : index
        %parallel_loop3A_295 = tpu.vector_load %arg10[%parallel_loop3A_293, %parallel_loop3A_294] {strides = array<i32>} : memref<512x50xf32, #tpu.memory_space<vmem>>, vector<16xf32>,
        tpu.vector_store %arg10[%parallel_loop3A_293, %parallel_loop3A_294], %parallel_loop3A_290 {strides = array<i32>} : memref<512x50xf32, #tpu.memory_space<vmem>>, vector<16xf32>,
        %parallel_loop3A_296 = arith.constant 5 : i32
        %parallel_loop3A_297 = arith.addi %parallel_loop3A_95, %parallel_loop3A_296 : i32
        %parallel_loop3A_298 = arith.index_cast %parallel_loop3A_297 : i32 to index
        %parallel_loop3A_299 = arith.constant 0 : index
        %parallel_loop3A_300 = tpu.vector_load %arg8[%parallel_loop3A_298, %parallel_loop3A_299] {strides = array<i32>} : memref<512x64xf32, #tpu.memory_space<vmem>>, vector<16xf32>,
        %parallel_loop3A_301 = arith.constant 5 : i32
        %parallel_loop3A_302 = arith.addi %parallel_loop3A_95, %parallel_loop3A_301 : i32
        %parallel_loop3A_303 = arith.index_cast %parallel_loop3A_302 : i32 to index
        %parallel_loop3A_304 = arith.constant 0 : index
        %parallel_loop3A_305 = tpu.vector_load %arg10[%parallel_loop3A_303, %parallel_loop3A_304] {strides = array<i32>} : memref<512x50xf32, #tpu.memory_space<vmem>>, vector<16xf32>,
        tpu.vector_store %arg10[%parallel_loop3A_303, %parallel_loop3A_304], %parallel_loop3A_300 {strides = array<i32>} : memref<512x50xf32, #tpu.memory_space<vmem>>, vector<16xf32>,
        %parallel_loop3A_306 = arith.constant 5 : i32
        %parallel_loop3A_307 = arith.addi %parallel_loop3A_95, %parallel_loop3A_306 : i32
        %parallel_loop3A_308 = arith.index_cast %parallel_loop3A_307 : i32 to index
        %parallel_loop3A_309 = arith.constant 16 : index
        %parallel_loop3A_310 = tpu.vector_load %arg8[%parallel_loop3A_308, %parallel_loop3A_309] {strides = array<i32>} : memref<512x64xf32, #tpu.memory_space<vmem>>, vector<16xf32>,
        %parallel_loop3A_311 = arith.constant 5 : i32
        %parallel_loop3A_312 = arith.addi %parallel_loop3A_95, %parallel_loop3A_311 : i32
        %parallel_loop3A_313 = arith.index_cast %parallel_loop3A_312 : i32 to index
        %parallel_loop3A_314 = arith.constant 16 : index
        %parallel_loop3A_315 = tpu.vector_load %arg10[%parallel_loop3A_313, %parallel_loop3A_314] {strides = array<i32>} : memref<512x50xf32, #tpu.memory_space<vmem>>, vector<16xf32>,
        tpu.vector_store %arg10[%parallel_loop3A_313, %parallel_loop3A_314], %parallel_loop3A_310 {strides = array<i32>} : memref<512x50xf32, #tpu.memory_space<vmem>>, vector<16xf32>,
        %parallel_loop3A_316 = arith.constant 5 : i32
        %parallel_loop3A_317 = arith.addi %parallel_loop3A_95, %parallel_loop3A_316 : i32
        %parallel_loop3A_318 = arith.index_cast %parallel_loop3A_317 : i32 to index
        %parallel_loop3A_319 = arith.constant 32 : index
        %parallel_loop3A_320 = tpu.vector_load %arg8[%parallel_loop3A_318, %parallel_loop3A_319] {strides = array<i32>} : memref<512x64xf32, #tpu.memory_space<vmem>>, vector<16xf32>,
        %parallel_loop3A_321 = arith.constant 5 : i32
        %parallel_loop3A_322 = arith.addi %parallel_loop3A_95, %parallel_loop3A_321 : i32
        %parallel_loop3A_323 = arith.index_cast %parallel_loop3A_322 : i32 to index
        %parallel_loop3A_324 = arith.constant 32 : index
        %parallel_loop3A_325 = tpu.vector_load %arg10[%parallel_loop3A_323, %parallel_loop3A_324] {strides = array<i32>} : memref<512x50xf32, #tpu.memory_space<vmem>>, vector<16xf32>,
        tpu.vector_store %arg10[%parallel_loop3A_323, %parallel_loop3A_324], %parallel_loop3A_320 {strides = array<i32>} : memref<512x50xf32, #tpu.memory_space<vmem>>, vector<16xf32>,
        %parallel_loop3A_326 = arith.constant 5 : i32
        %parallel_loop3A_327 = arith.addi %parallel_loop3A_95, %parallel_loop3A_326 : i32
        %parallel_loop3A_328 = arith.index_cast %parallel_loop3A_327 : i32 to index
        %parallel_loop3A_329 = arith.constant 34 : index
        %parallel_loop3A_330 = tpu.vector_load %arg8[%parallel_loop3A_328, %parallel_loop3A_329] {strides = array<i32>} : memref<512x64xf32, #tpu.memory_space<vmem>>, vector<16xf32>,
        %parallel_loop3A_331 = arith.constant 5 : i32
        %parallel_loop3A_332 = arith.addi %parallel_loop3A_95, %parallel_loop3A_331 : i32
        %parallel_loop3A_333 = arith.index_cast %parallel_loop3A_332 : i32 to index
        %parallel_loop3A_334 = arith.constant 34 : index
        %parallel_loop3A_335 = tpu.vector_load %arg10[%parallel_loop3A_333, %parallel_loop3A_334] {strides = array<i32>} : memref<512x50xf32, #tpu.memory_space<vmem>>, vector<16xf32>,
        tpu.vector_store %arg10[%parallel_loop3A_333, %parallel_loop3A_334], %parallel_loop3A_330 {strides = array<i32>} : memref<512x50xf32, #tpu.memory_space<vmem>>, vector<16xf32>,
        %parallel_loop3A_336 = arith.constant 6 : i32
        %parallel_loop3A_337 = arith.addi %parallel_loop3A_95, %parallel_loop3A_336 : i32
        %parallel_loop3A_338 = arith.index_cast %parallel_loop3A_337 : i32 to index
        %parallel_loop3A_339 = arith.constant 0 : index
        %parallel_loop3A_340 = tpu.vector_load %arg8[%parallel_loop3A_338, %parallel_loop3A_339] {strides = array<i32>} : memref<512x64xf32, #tpu.memory_space<vmem>>, vector<16xf32>,
        %parallel_loop3A_341 = arith.constant 6 : i32
        %parallel_loop3A_342 = arith.addi %parallel_loop3A_95, %parallel_loop3A_341 : i32
        %parallel_loop3A_343 = arith.index_cast %parallel_loop3A_342 : i32 to index
        %parallel_loop3A_344 = arith.constant 0 : index
        %parallel_loop3A_345 = tpu.vector_load %arg10[%parallel_loop3A_343, %parallel_loop3A_344] {strides = array<i32>} : memref<512x50xf32, #tpu.memory_space<vmem>>, vector<16xf32>,
        tpu.vector_store %arg10[%parallel_loop3A_343, %parallel_loop3A_344], %parallel_loop3A_340 {strides = array<i32>} : memref<512x50xf32, #tpu.memory_space<vmem>>, vector<16xf32>,
        %parallel_loop3A_346 = arith.constant 6 : i32
        %parallel_loop3A_347 = arith.addi %parallel_loop3A_95, %parallel_loop3A_346 : i32
        %parallel_loop3A_348 = arith.index_cast %parallel_loop3A_347 : i32 to index
        %parallel_loop3A_349 = arith.constant 16 : index
        %parallel_loop3A_350 = tpu.vector_load %arg8[%parallel_loop3A_348, %parallel_loop3A_349] {strides = array<i32>} : memref<512x64xf32, #tpu.memory_space<vmem>>, vector<16xf32>,
        %parallel_loop3A_351 = arith.constant 6 : i32
        %parallel_loop3A_352 = arith.addi %parallel_loop3A_95, %parallel_loop3A_351 : i32
        %parallel_loop3A_353 = arith.index_cast %parallel_loop3A_352 : i32 to index
        %parallel_loop3A_354 = arith.constant 16 : index
        %parallel_loop3A_355 = tpu.vector_load %arg10[%parallel_loop3A_353, %parallel_loop3A_354] {strides = array<i32>} : memref<512x50xf32, #tpu.memory_space<vmem>>, vector<16xf32>,
        tpu.vector_store %arg10[%parallel_loop3A_353, %parallel_loop3A_354], %parallel_loop3A_350 {strides = array<i32>} : memref<512x50xf32, #tpu.memory_space<vmem>>, vector<16xf32>,
        %parallel_loop3A_356 = arith.constant 6 : i32
        %parallel_loop3A_357 = arith.addi %parallel_loop3A_95, %parallel_loop3A_356 : i32
        %parallel_loop3A_358 = arith.index_cast %parallel_loop3A_357 : i32 to index
        %parallel_loop3A_359 = arith.constant 32 : index
        %parallel_loop3A_360 = tpu.vector_load %arg8[%parallel_loop3A_358, %parallel_loop3A_359] {strides = array<i32>} : memref<512x64xf32, #tpu.memory_space<vmem>>, vector<16xf32>,
        %parallel_loop3A_361 = arith.constant 6 : i32
        %parallel_loop3A_362 = arith.addi %parallel_loop3A_95, %parallel_loop3A_361 : i32
        %parallel_loop3A_363 = arith.index_cast %parallel_loop3A_362 : i32 to index
        %parallel_loop3A_364 = arith.constant 32 : index
        %parallel_loop3A_365 = tpu.vector_load %arg10[%parallel_loop3A_363, %parallel_loop3A_364] {strides = array<i32>} : memref<512x50xf32, #tpu.memory_space<vmem>>, vector<16xf32>,
        tpu.vector_store %arg10[%parallel_loop3A_363, %parallel_loop3A_364], %parallel_loop3A_360 {strides = array<i32>} : memref<512x50xf32, #tpu.memory_space<vmem>>, vector<16xf32>,
        %parallel_loop3A_366 = arith.constant 6 : i32
        %parallel_loop3A_367 = arith.addi %parallel_loop3A_95, %parallel_loop3A_366 : i32
        %parallel_loop3A_368 = arith.index_cast %parallel_loop3A_367 : i32 to index
        %parallel_loop3A_369 = arith.constant 34 : index
        %parallel_loop3A_370 = tpu.vector_load %arg8[%parallel_loop3A_368, %parallel_loop3A_369] {strides = array<i32>} : memref<512x64xf32, #tpu.memory_space<vmem>>, vector<16xf32>,
        %parallel_loop3A_371 = arith.constant 6 : i32
        %parallel_loop3A_372 = arith.addi %parallel_loop3A_95, %parallel_loop3A_371 : i32
        %parallel_loop3A_373 = arith.index_cast %parallel_loop3A_372 : i32 to index
        %parallel_loop3A_374 = arith.constant 34 : index
        %parallel_loop3A_375 = tpu.vector_load %arg10[%parallel_loop3A_373, %parallel_loop3A_374] {strides = array<i32>} : memref<512x50xf32, #tpu.memory_space<vmem>>, vector<16xf32>,
        tpu.vector_store %arg10[%parallel_loop3A_373, %parallel_loop3A_374], %parallel_loop3A_370 {strides = array<i32>} : memref<512x50xf32, #tpu.memory_space<vmem>>, vector<16xf32>,
        %parallel_loop3A_376 = arith.constant 7 : i32
        %parallel_loop3A_377 = arith.addi %parallel_loop3A_95, %parallel_loop3A_376 : i32
        %parallel_loop3A_378 = arith.index_cast %parallel_loop3A_377 : i32 to index
        %parallel_loop3A_379 = arith.constant 0 : index
        %parallel_loop3A_380 = tpu.vector_load %arg8[%parallel_loop3A_378, %parallel_loop3A_379] {strides = array<i32>} : memref<512x64xf32, #tpu.memory_space<vmem>>, vector<16xf32>,
        %parallel_loop3A_381 = arith.constant 7 : i32
        %parallel_loop3A_382 = arith.addi %parallel_loop3A_95, %parallel_loop3A_381 : i32
        %parallel_loop3A_383 = arith.index_cast %parallel_loop3A_382 : i32 to index
        %parallel_loop3A_384 = arith.constant 0 : index
        %parallel_loop3A_385 = tpu.vector_load %arg10[%parallel_loop3A_383, %parallel_loop3A_384] {strides = array<i32>} : memref<512x50xf32, #tpu.memory_space<vmem>>, vector<16xf32>,
        tpu.vector_store %arg10[%parallel_loop3A_383, %parallel_loop3A_384], %parallel_loop3A_380 {strides = array<i32>} : memref<512x50xf32, #tpu.memory_space<vmem>>, vector<16xf32>,
        %parallel_loop3A_386 = arith.constant 7 : i32
        %parallel_loop3A_387 = arith.addi %parallel_loop3A_95, %parallel_loop3A_386 : i32
        %parallel_loop3A_388 = arith.index_cast %parallel_loop3A_387 : i32 to index
        %parallel_loop3A_389 = arith.constant 16 : index
        %parallel_loop3A_390 = tpu.vector_load %arg8[%parallel_loop3A_388, %parallel_loop3A_389] {strides = array<i32>} : memref<512x64xf32, #tpu.memory_space<vmem>>, vector<16xf32>,
        %parallel_loop3A_391 = arith.constant 7 : i32
        %parallel_loop3A_392 = arith.addi %parallel_loop3A_95, %parallel_loop3A_391 : i32
        %parallel_loop3A_393 = arith.index_cast %parallel_loop3A_392 : i32 to index
        %parallel_loop3A_394 = arith.constant 16 : index
        %parallel_loop3A_395 = tpu.vector_load %arg10[%parallel_loop3A_393, %parallel_loop3A_394] {strides = array<i32>} : memref<512x50xf32, #tpu.memory_space<vmem>>, vector<16xf32>,
        tpu.vector_store %arg10[%parallel_loop3A_393, %parallel_loop3A_394], %parallel_loop3A_390 {strides = array<i32>} : memref<512x50xf32, #tpu.memory_space<vmem>>, vector<16xf32>,
        %parallel_loop3A_396 = arith.constant 7 : i32
        %parallel_loop3A_397 = arith.addi %parallel_loop3A_95, %parallel_loop3A_396 : i32
        %parallel_loop3A_398 = arith.index_cast %parallel_loop3A_397 : i32 to index
        %parallel_loop3A_399 = arith.constant 32 : index
        %parallel_loop3A_400 = tpu.vector_load %arg8[%parallel_loop3A_398, %parallel_loop3A_399] {strides = array<i32>} : memref<512x64xf32, #tpu.memory_space<vmem>>, vector<16xf32>,
        %parallel_loop3A_401 = arith.constant 7 : i32
        %parallel_loop3A_402 = arith.addi %parallel_loop3A_95, %parallel_loop3A_401 : i32
        %parallel_loop3A_403 = arith.index_cast %parallel_loop3A_402 : i32 to index
        %parallel_loop3A_404 = arith.constant 32 : index
        %parallel_loop3A_405 = tpu.vector_load %arg10[%parallel_loop3A_403, %parallel_loop3A_404] {strides = array<i32>} : memref<512x50xf32, #tpu.memory_space<vmem>>, vector<16xf32>,
        tpu.vector_store %arg10[%parallel_loop3A_403, %parallel_loop3A_404], %parallel_loop3A_400 {strides = array<i32>} : memref<512x50xf32, #tpu.memory_space<vmem>>, vector<16xf32>,
        %parallel_loop3A_406 = arith.constant 7 : i32
        %parallel_loop3A_407 = arith.addi %parallel_loop3A_95, %parallel_loop3A_406 : i32
        %parallel_loop3A_408 = arith.index_cast %parallel_loop3A_407 : i32 to index
        %parallel_loop3A_409 = arith.constant 34 : index
        %parallel_loop3A_410 = tpu.vector_load %arg8[%parallel_loop3A_408, %parallel_loop3A_409] {strides = array<i32>} : memref<512x64xf32, #tpu.memory_space<vmem>>, vector<16xf32>,
        %parallel_loop3A_411 = arith.constant 7 : i32
        %parallel_loop3A_412 = arith.addi %parallel_loop3A_95, %parallel_loop3A_411 : i32
        %parallel_loop3A_413 = arith.index_cast %parallel_loop3A_412 : i32 to index
        %parallel_loop3A_414 = arith.constant 34 : index
        %parallel_loop3A_415 = tpu.vector_load %arg10[%parallel_loop3A_413, %parallel_loop3A_414] {strides = array<i32>} : memref<512x50xf32, #tpu.memory_space<vmem>>, vector<16xf32>,
        tpu.vector_store %arg10[%parallel_loop3A_413, %parallel_loop3A_414], %parallel_loop3A_410 {strides = array<i32>} : memref<512x50xf32, #tpu.memory_space<vmem>>, vector<16xf32>,
      } {sc.loop_unroll_factor = 2 : i64, sc.parallel_access}
      "tpu.region"() ({
        %run_scoped3A = tpu.sem_alloc : memref<!tpu.dma_semaphore, #tpu.memory_space<semaphore_mem>>
        %dma_start3A = arith.constant 0 : i32
        %dma_start3A_93 = tpu.memref_slice %arg4[%multiple_of3A_78, %dma_start3A] : memref<1048576x50xf32, #tpu.memory_space<hbm>> -> memref<512x50xf32, #tpu.memory_space<hbm>>
        %dma_start3A_94 = arith.constant 0 : i32
        %dma_start3A_95 = tpu.memref_slice %arg4[%multiple_of3A_78, %dma_start3A_94] : memref<1048576x50xf32, #tpu.memory_space<hbm>> -> memref<512x50xf32, #tpu.memory_space<hbm>>
        tpu.enqueue_dma source(%arg10 : memref<512x50xf32, #tpu.memory_space<vmem>>) target(%dma_start3A_95 : memref<512x50xf32, #tpu.memory_space<hbm>>) target_semaphore(%run_scoped3A : memref<!tpu.dma_semaphore, #tpu.memory_space<semaphore_mem>>)
        %dma_wait3A = arith.constant 0 : i32
        %dma_wait3A_96 = tpu.memref_slice %arg4[%multiple_of3A_78, %dma_wait3A] : memref<1048576x50xf32, #tpu.memory_space<hbm>> -> memref<512x50xf32, #tpu.memory_space<hbm>>
        %dma_wait3A_97 = arith.constant 0 : i32
        %dma_wait3A_98 = tpu.memref_slice %arg4[%multiple_of3A_78, %dma_wait3A_97] : memref<1048576x50xf32, #tpu.memory_space<hbm>> -> memref<512x50xf32, #tpu.memory_space<hbm>>
        tpu.wait_dma2 semaphore(%run_scoped3A : memref<!tpu.dma_semaphore, #tpu.memory_space<semaphore_mem>>) src(%arg10 : memref<512x50xf32, #tpu.memory_space<vmem>>) dst(%dma_wait3A_98 : memref<512x50xf32, #tpu.memory_space<hbm>>)
        tpu.yield
      }) : () -> ()
      %mul3A_82 = arith.constant 2 : i32
      %mul3A_83 = arith.muli %add3A_63, %mul3A_82 : i32
      %add3A_84 = arith.constant 1 : i32
      %add3A_85 = arith.addi %mul3A_83, %add3A_84 : i32
      %mul3A_86 = arith.constant 512 : i32
      %mul3A_87 = arith.muli %add3A_85, %mul3A_86 : i32
      %add3A_88 = arith.addi %mul3A_2, %mul3A_87 : i32
      %multiple_of3A_89 = tpu.assume_multiple %add3A_88, 512 : i32
      %parallel_loop3A_90 = arith.constant 0 : i32
      %parallel_loop3A_91 = arith.constant 64 : i32
      %parallel_loop3A_92 = arith.constant 1 : i32
      scf.for %parallel_loop3A_93 = %parallel_loop3A_90 to %parallel_loop3A_91 step %parallel_loop3A_92  : i32 {
        %parallel_loop3A_94 = arith.constant 8 : i32
        %parallel_loop3A_95 = arith.muli %parallel_loop3A_93, %parallel_loop3A_94 : i32
        %parallel_loop3A_96 = arith.constant 0 : i32
        %parallel_loop3A_97 = arith.addi %parallel_loop3A_95, %parallel_loop3A_96 : i32
        %parallel_loop3A_98 = arith.index_cast %parallel_loop3A_97 : i32 to index
        %parallel_loop3A_99 = arith.constant 0 : index
        %parallel_loop3A_100 = tpu.vector_load %arg9[%parallel_loop3A_98, %parallel_loop3A_99] {strides = array<i32>} : memref<512x64xf32, #tpu.memory_space<vmem>>, vector<16xf32>,
        %parallel_loop3A_101 = arith.constant 0 : i32
        %parallel_loop3A_102 = arith.addi %parallel_loop3A_95, %parallel_loop3A_101 : i32
        %parallel_loop3A_103 = arith.index_cast %parallel_loop3A_102 : i32 to index
        %parallel_loop3A_104 = arith.constant 0 : index
        %parallel_loop3A_105 = tpu.vector_load %arg11[%parallel_loop3A_103, %parallel_loop3A_104] {strides = array<i32>} : memref<512x50xf32, #tpu.memory_space<vmem>>, vector<16xf32>,
        tpu.vector_store %arg11[%parallel_loop3A_103, %parallel_loop3A_104], %parallel_loop3A_100 {strides = array<i32>} : memref<512x50xf32, #tpu.memory_space<vmem>>, vector<16xf32>,
        %parallel_loop3A_106 = arith.constant 0 : i32
        %parallel_loop3A_107 = arith.addi %parallel_loop3A_95, %parallel_loop3A_106 : i32
        %parallel_loop3A_108 = arith.index_cast %parallel_loop3A_107 : i32 to index
        %parallel_loop3A_109 = arith.constant 16 : index
        %parallel_loop3A_110 = tpu.vector_load %arg9[%parallel_loop3A_108, %parallel_loop3A_109] {strides = array<i32>} : memref<512x64xf32, #tpu.memory_space<vmem>>, vector<16xf32>,
        %parallel_loop3A_111 = arith.constant 0 : i32
        %parallel_loop3A_112 = arith.addi %parallel_loop3A_95, %parallel_loop3A_111 : i32
        %parallel_loop3A_113 = arith.index_cast %parallel_loop3A_112 : i32 to index
        %parallel_loop3A_114 = arith.constant 16 : index
        %parallel_loop3A_115 = tpu.vector_load %arg11[%parallel_loop3A_113, %parallel_loop3A_114] {strides = array<i32>} : memref<512x50xf32, #tpu.memory_space<vmem>>, vector<16xf32>,
        tpu.vector_store %arg11[%parallel_loop3A_113, %parallel_loop3A_114], %parallel_loop3A_110 {strides = array<i32>} : memref<512x50xf32, #tpu.memory_space<vmem>>, vector<16xf32>,
        %parallel_loop3A_116 = arith.constant 0 : i32
        %parallel_loop3A_117 = arith.addi %parallel_loop3A_95, %parallel_loop3A_116 : i32
        %parallel_loop3A_118 = arith.index_cast %parallel_loop3A_117 : i32 to index
        %parallel_loop3A_119 = arith.constant 32 : index
        %parallel_loop3A_120 = tpu.vector_load %arg9[%parallel_loop3A_118, %parallel_loop3A_119] {strides = array<i32>} : memref<512x64xf32, #tpu.memory_space<vmem>>, vector<16xf32>,
        %parallel_loop3A_121 = arith.constant 0 : i32
        %parallel_loop3A_122 = arith.addi %parallel_loop3A_95, %parallel_loop3A_121 : i32
        %parallel_loop3A_123 = arith.index_cast %parallel_loop3A_122 : i32 to index
        %parallel_loop3A_124 = arith.constant 32 : index
        %parallel_loop3A_125 = tpu.vector_load %arg11[%parallel_loop3A_123, %parallel_loop3A_124] {strides = array<i32>} : memref<512x50xf32, #tpu.memory_space<vmem>>, vector<16xf32>,
        tpu.vector_store %arg11[%parallel_loop3A_123, %parallel_loop3A_124], %parallel_loop3A_120 {strides = array<i32>} : memref<512x50xf32, #tpu.memory_space<vmem>>, vector<16xf32>,
        %parallel_loop3A_126 = arith.constant 0 : i32
        %parallel_loop3A_127 = arith.addi %parallel_loop3A_95, %parallel_loop3A_126 : i32
        %parallel_loop3A_128 = arith.index_cast %parallel_loop3A_127 : i32 to index
        %parallel_loop3A_129 = arith.constant 34 : index
        %parallel_loop3A_130 = tpu.vector_load %arg9[%parallel_loop3A_128, %parallel_loop3A_129] {strides = array<i32>} : memref<512x64xf32, #tpu.memory_space<vmem>>, vector<16xf32>,
        %parallel_loop3A_131 = arith.constant 0 : i32
        %parallel_loop3A_132 = arith.addi %parallel_loop3A_95, %parallel_loop3A_131 : i32
        %parallel_loop3A_133 = arith.index_cast %parallel_loop3A_132 : i32 to index
        %parallel_loop3A_134 = arith.constant 34 : index
        %parallel_loop3A_135 = tpu.vector_load %arg11[%parallel_loop3A_133, %parallel_loop3A_134] {strides = array<i32>} : memref<512x50xf32, #tpu.memory_space<vmem>>, vector<16xf32>,
        tpu.vector_store %arg11[%parallel_loop3A_133, %parallel_loop3A_134], %parallel_loop3A_130 {strides = array<i32>} : memref<512x50xf32, #tpu.memory_space<vmem>>, vector<16xf32>,
        %parallel_loop3A_136 = arith.constant 1 : i32
        %parallel_loop3A_137 = arith.addi %parallel_loop3A_95, %parallel_loop3A_136 : i32
        %parallel_loop3A_138 = arith.index_cast %parallel_loop3A_137 : i32 to index
        %parallel_loop3A_139 = arith.constant 0 : index
        %parallel_loop3A_140 = tpu.vector_load %arg9[%parallel_loop3A_138, %parallel_loop3A_139] {strides = array<i32>} : memref<512x64xf32, #tpu.memory_space<vmem>>, vector<16xf32>,
        %parallel_loop3A_141 = arith.constant 1 : i32
        %parallel_loop3A_142 = arith.addi %parallel_loop3A_95, %parallel_loop3A_141 : i32
        %parallel_loop3A_143 = arith.index_cast %parallel_loop3A_142 : i32 to index
        %parallel_loop3A_144 = arith.constant 0 : index
        %parallel_loop3A_145 = tpu.vector_load %arg11[%parallel_loop3A_143, %parallel_loop3A_144] {strides = array<i32>} : memref<512x50xf32, #tpu.memory_space<vmem>>, vector<16xf32>,
        tpu.vector_store %arg11[%parallel_loop3A_143, %parallel_loop3A_144], %parallel_loop3A_140 {strides = array<i32>} : memref<512x50xf32, #tpu.memory_space<vmem>>, vector<16xf32>,
        %parallel_loop3A_146 = arith.constant 1 : i32
        %parallel_loop3A_147 = arith.addi %parallel_loop3A_95, %parallel_loop3A_146 : i32
        %parallel_loop3A_148 = arith.index_cast %parallel_loop3A_147 : i32 to index
        %parallel_loop3A_149 = arith.constant 16 : index
        %parallel_loop3A_150 = tpu.vector_load %arg9[%parallel_loop3A_148, %parallel_loop3A_149] {strides = array<i32>} : memref<512x64xf32, #tpu.memory_space<vmem>>, vector<16xf32>,
        %parallel_loop3A_151 = arith.constant 1 : i32
        %parallel_loop3A_152 = arith.addi %parallel_loop3A_95, %parallel_loop3A_151 : i32
        %parallel_loop3A_153 = arith.index_cast %parallel_loop3A_152 : i32 to index
        %parallel_loop3A_154 = arith.constant 16 : index
        %parallel_loop3A_155 = tpu.vector_load %arg11[%parallel_loop3A_153, %parallel_loop3A_154] {strides = array<i32>} : memref<512x50xf32, #tpu.memory_space<vmem>>, vector<16xf32>,
        tpu.vector_store %arg11[%parallel_loop3A_153, %parallel_loop3A_154], %parallel_loop3A_150 {strides = array<i32>} : memref<512x50xf32, #tpu.memory_space<vmem>>, vector<16xf32>,
        %parallel_loop3A_156 = arith.constant 1 : i32
        %parallel_loop3A_157 = arith.addi %parallel_loop3A_95, %parallel_loop3A_156 : i32
        %parallel_loop3A_158 = arith.index_cast %parallel_loop3A_157 : i32 to index
        %parallel_loop3A_159 = arith.constant 32 : index
        %parallel_loop3A_160 = tpu.vector_load %arg9[%parallel_loop3A_158, %parallel_loop3A_159] {strides = array<i32>} : memref<512x64xf32, #tpu.memory_space<vmem>>, vector<16xf32>,
        %parallel_loop3A_161 = arith.constant 1 : i32
        %parallel_loop3A_162 = arith.addi %parallel_loop3A_95, %parallel_loop3A_161 : i32
        %parallel_loop3A_163 = arith.index_cast %parallel_loop3A_162 : i32 to index
        %parallel_loop3A_164 = arith.constant 32 : index
        %parallel_loop3A_165 = tpu.vector_load %arg11[%parallel_loop3A_163, %parallel_loop3A_164] {strides = array<i32>} : memref<512x50xf32, #tpu.memory_space<vmem>>, vector<16xf32>,
        tpu.vector_store %arg11[%parallel_loop3A_163, %parallel_loop3A_164], %parallel_loop3A_160 {strides = array<i32>} : memref<512x50xf32, #tpu.memory_space<vmem>>, vector<16xf32>,
        %parallel_loop3A_166 = arith.constant 1 : i32
        %parallel_loop3A_167 = arith.addi %parallel_loop3A_95, %parallel_loop3A_166 : i32
        %parallel_loop3A_168 = arith.index_cast %parallel_loop3A_167 : i32 to index
        %parallel_loop3A_169 = arith.constant 34 : index
        %parallel_loop3A_170 = tpu.vector_load %arg9[%parallel_loop3A_168, %parallel_loop3A_169] {strides = array<i32>} : memref<512x64xf32, #tpu.memory_space<vmem>>, vector<16xf32>,
        %parallel_loop3A_171 = arith.constant 1 : i32
        %parallel_loop3A_172 = arith.addi %parallel_loop3A_95, %parallel_loop3A_171 : i32
        %parallel_loop3A_173 = arith.index_cast %parallel_loop3A_172 : i32 to index
        %parallel_loop3A_174 = arith.constant 34 : index
        %parallel_loop3A_175 = tpu.vector_load %arg11[%parallel_loop3A_173, %parallel_loop3A_174] {strides = array<i32>} : memref<512x50xf32, #tpu.memory_space<vmem>>, vector<16xf32>,
        tpu.vector_store %arg11[%parallel_loop3A_173, %parallel_loop3A_174], %parallel_loop3A_170 {strides = array<i32>} : memref<512x50xf32, #tpu.memory_space<vmem>>, vector<16xf32>,
        %parallel_loop3A_176 = arith.constant 2 : i32
        %parallel_loop3A_177 = arith.addi %parallel_loop3A_95, %parallel_loop3A_176 : i32
        %parallel_loop3A_178 = arith.index_cast %parallel_loop3A_177 : i32 to index
        %parallel_loop3A_179 = arith.constant 0 : index
        %parallel_loop3A_180 = tpu.vector_load %arg9[%parallel_loop3A_178, %parallel_loop3A_179] {strides = array<i32>} : memref<512x64xf32, #tpu.memory_space<vmem>>, vector<16xf32>,
        %parallel_loop3A_181 = arith.constant 2 : i32
        %parallel_loop3A_182 = arith.addi %parallel_loop3A_95, %parallel_loop3A_181 : i32
        %parallel_loop3A_183 = arith.index_cast %parallel_loop3A_182 : i32 to index
        %parallel_loop3A_184 = arith.constant 0 : index
        %parallel_loop3A_185 = tpu.vector_load %arg11[%parallel_loop3A_183, %parallel_loop3A_184] {strides = array<i32>} : memref<512x50xf32, #tpu.memory_space<vmem>>, vector<16xf32>,
        tpu.vector_store %arg11[%parallel_loop3A_183, %parallel_loop3A_184], %parallel_loop3A_180 {strides = array<i32>} : memref<512x50xf32, #tpu.memory_space<vmem>>, vector<16xf32>,
        %parallel_loop3A_186 = arith.constant 2 : i32
        %parallel_loop3A_187 = arith.addi %parallel_loop3A_95, %parallel_loop3A_186 : i32
        %parallel_loop3A_188 = arith.index_cast %parallel_loop3A_187 : i32 to index
        %parallel_loop3A_189 = arith.constant 16 : index
        %parallel_loop3A_190 = tpu.vector_load %arg9[%parallel_loop3A_188, %parallel_loop3A_189] {strides = array<i32>} : memref<512x64xf32, #tpu.memory_space<vmem>>, vector<16xf32>,
        %parallel_loop3A_191 = arith.constant 2 : i32
        %parallel_loop3A_192 = arith.addi %parallel_loop3A_95, %parallel_loop3A_191 : i32
        %parallel_loop3A_193 = arith.index_cast %parallel_loop3A_192 : i32 to index
        %parallel_loop3A_194 = arith.constant 16 : index
        %parallel_loop3A_195 = tpu.vector_load %arg11[%parallel_loop3A_193, %parallel_loop3A_194] {strides = array<i32>} : memref<512x50xf32, #tpu.memory_space<vmem>>, vector<16xf32>,
        tpu.vector_store %arg11[%parallel_loop3A_193, %parallel_loop3A_194], %parallel_loop3A_190 {strides = array<i32>} : memref<512x50xf32, #tpu.memory_space<vmem>>, vector<16xf32>,
        %parallel_loop3A_196 = arith.constant 2 : i32
        %parallel_loop3A_197 = arith.addi %parallel_loop3A_95, %parallel_loop3A_196 : i32
        %parallel_loop3A_198 = arith.index_cast %parallel_loop3A_197 : i32 to index
        %parallel_loop3A_199 = arith.constant 32 : index
        %parallel_loop3A_200 = tpu.vector_load %arg9[%parallel_loop3A_198, %parallel_loop3A_199] {strides = array<i32>} : memref<512x64xf32, #tpu.memory_space<vmem>>, vector<16xf32>,
        %parallel_loop3A_201 = arith.constant 2 : i32
        %parallel_loop3A_202 = arith.addi %parallel_loop3A_95, %parallel_loop3A_201 : i32
        %parallel_loop3A_203 = arith.index_cast %parallel_loop3A_202 : i32 to index
        %parallel_loop3A_204 = arith.constant 32 : index
        %parallel_loop3A_205 = tpu.vector_load %arg11[%parallel_loop3A_203, %parallel_loop3A_204] {strides = array<i32>} : memref<512x50xf32, #tpu.memory_space<vmem>>, vector<16xf32>,
        tpu.vector_store %arg11[%parallel_loop3A_203, %parallel_loop3A_204], %parallel_loop3A_200 {strides = array<i32>} : memref<512x50xf32, #tpu.memory_space<vmem>>, vector<16xf32>,
        %parallel_loop3A_206 = arith.constant 2 : i32
        %parallel_loop3A_207 = arith.addi %parallel_loop3A_95, %parallel_loop3A_206 : i32
        %parallel_loop3A_208 = arith.index_cast %parallel_loop3A_207 : i32 to index
        %parallel_loop3A_209 = arith.constant 34 : index
        %parallel_loop3A_210 = tpu.vector_load %arg9[%parallel_loop3A_208, %parallel_loop3A_209] {strides = array<i32>} : memref<512x64xf32, #tpu.memory_space<vmem>>, vector<16xf32>,
        %parallel_loop3A_211 = arith.constant 2 : i32
        %parallel_loop3A_212 = arith.addi %parallel_loop3A_95, %parallel_loop3A_211 : i32
        %parallel_loop3A_213 = arith.index_cast %parallel_loop3A_212 : i32 to index
        %parallel_loop3A_214 = arith.constant 34 : index
        %parallel_loop3A_215 = tpu.vector_load %arg11[%parallel_loop3A_213, %parallel_loop3A_214] {strides = array<i32>} : memref<512x50xf32, #tpu.memory_space<vmem>>, vector<16xf32>,
        tpu.vector_store %arg11[%parallel_loop3A_213, %parallel_loop3A_214], %parallel_loop3A_210 {strides = array<i32>} : memref<512x50xf32, #tpu.memory_space<vmem>>, vector<16xf32>,
        %parallel_loop3A_216 = arith.constant 3 : i32
        %parallel_loop3A_217 = arith.addi %parallel_loop3A_95, %parallel_loop3A_216 : i32
        %parallel_loop3A_218 = arith.index_cast %parallel_loop3A_217 : i32 to index
        %parallel_loop3A_219 = arith.constant 0 : index
        %parallel_loop3A_220 = tpu.vector_load %arg9[%parallel_loop3A_218, %parallel_loop3A_219] {strides = array<i32>} : memref<512x64xf32, #tpu.memory_space<vmem>>, vector<16xf32>,
        %parallel_loop3A_221 = arith.constant 3 : i32
        %parallel_loop3A_222 = arith.addi %parallel_loop3A_95, %parallel_loop3A_221 : i32
        %parallel_loop3A_223 = arith.index_cast %parallel_loop3A_222 : i32 to index
        %parallel_loop3A_224 = arith.constant 0 : index
        %parallel_loop3A_225 = tpu.vector_load %arg11[%parallel_loop3A_223, %parallel_loop3A_224] {strides = array<i32>} : memref<512x50xf32, #tpu.memory_space<vmem>>, vector<16xf32>,
        tpu.vector_store %arg11[%parallel_loop3A_223, %parallel_loop3A_224], %parallel_loop3A_220 {strides = array<i32>} : memref<512x50xf32, #tpu.memory_space<vmem>>, vector<16xf32>,
        %parallel_loop3A_226 = arith.constant 3 : i32
        %parallel_loop3A_227 = arith.addi %parallel_loop3A_95, %parallel_loop3A_226 : i32
        %parallel_loop3A_228 = arith.index_cast %parallel_loop3A_227 : i32 to index
        %parallel_loop3A_229 = arith.constant 16 : index
        %parallel_loop3A_230 = tpu.vector_load %arg9[%parallel_loop3A_228, %parallel_loop3A_229] {strides = array<i32>} : memref<512x64xf32, #tpu.memory_space<vmem>>, vector<16xf32>,
        %parallel_loop3A_231 = arith.constant 3 : i32
        %parallel_loop3A_232 = arith.addi %parallel_loop3A_95, %parallel_loop3A_231 : i32
        %parallel_loop3A_233 = arith.index_cast %parallel_loop3A_232 : i32 to index
        %parallel_loop3A_234 = arith.constant 16 : index
        %parallel_loop3A_235 = tpu.vector_load %arg11[%parallel_loop3A_233, %parallel_loop3A_234] {strides = array<i32>} : memref<512x50xf32, #tpu.memory_space<vmem>>, vector<16xf32>,
        tpu.vector_store %arg11[%parallel_loop3A_233, %parallel_loop3A_234], %parallel_loop3A_230 {strides = array<i32>} : memref<512x50xf32, #tpu.memory_space<vmem>>, vector<16xf32>,
        %parallel_loop3A_236 = arith.constant 3 : i32
        %parallel_loop3A_237 = arith.addi %parallel_loop3A_95, %parallel_loop3A_236 : i32
        %parallel_loop3A_238 = arith.index_cast %parallel_loop3A_237 : i32 to index
        %parallel_loop3A_239 = arith.constant 32 : index
        %parallel_loop3A_240 = tpu.vector_load %arg9[%parallel_loop3A_238, %parallel_loop3A_239] {strides = array<i32>} : memref<512x64xf32, #tpu.memory_space<vmem>>, vector<16xf32>,
        %parallel_loop3A_241 = arith.constant 3 : i32
        %parallel_loop3A_242 = arith.addi %parallel_loop3A_95, %parallel_loop3A_241 : i32
        %parallel_loop3A_243 = arith.index_cast %parallel_loop3A_242 : i32 to index
        %parallel_loop3A_244 = arith.constant 32 : index
        %parallel_loop3A_245 = tpu.vector_load %arg11[%parallel_loop3A_243, %parallel_loop3A_244] {strides = array<i32>} : memref<512x50xf32, #tpu.memory_space<vmem>>, vector<16xf32>,
        tpu.vector_store %arg11[%parallel_loop3A_243, %parallel_loop3A_244], %parallel_loop3A_240 {strides = array<i32>} : memref<512x50xf32, #tpu.memory_space<vmem>>, vector<16xf32>,
        %parallel_loop3A_246 = arith.constant 3 : i32
        %parallel_loop3A_247 = arith.addi %parallel_loop3A_95, %parallel_loop3A_246 : i32
        %parallel_loop3A_248 = arith.index_cast %parallel_loop3A_247 : i32 to index
        %parallel_loop3A_249 = arith.constant 34 : index
        %parallel_loop3A_250 = tpu.vector_load %arg9[%parallel_loop3A_248, %parallel_loop3A_249] {strides = array<i32>} : memref<512x64xf32, #tpu.memory_space<vmem>>, vector<16xf32>,
        %parallel_loop3A_251 = arith.constant 3 : i32
        %parallel_loop3A_252 = arith.addi %parallel_loop3A_95, %parallel_loop3A_251 : i32
        %parallel_loop3A_253 = arith.index_cast %parallel_loop3A_252 : i32 to index
        %parallel_loop3A_254 = arith.constant 34 : index
        %parallel_loop3A_255 = tpu.vector_load %arg11[%parallel_loop3A_253, %parallel_loop3A_254] {strides = array<i32>} : memref<512x50xf32, #tpu.memory_space<vmem>>, vector<16xf32>,
        tpu.vector_store %arg11[%parallel_loop3A_253, %parallel_loop3A_254], %parallel_loop3A_250 {strides = array<i32>} : memref<512x50xf32, #tpu.memory_space<vmem>>, vector<16xf32>,
        %parallel_loop3A_256 = arith.constant 4 : i32
        %parallel_loop3A_257 = arith.addi %parallel_loop3A_95, %parallel_loop3A_256 : i32
        %parallel_loop3A_258 = arith.index_cast %parallel_loop3A_257 : i32 to index
        %parallel_loop3A_259 = arith.constant 0 : index
        %parallel_loop3A_260 = tpu.vector_load %arg9[%parallel_loop3A_258, %parallel_loop3A_259] {strides = array<i32>} : memref<512x64xf32, #tpu.memory_space<vmem>>, vector<16xf32>,
        %parallel_loop3A_261 = arith.constant 4 : i32
        %parallel_loop3A_262 = arith.addi %parallel_loop3A_95, %parallel_loop3A_261 : i32
        %parallel_loop3A_263 = arith.index_cast %parallel_loop3A_262 : i32 to index
        %parallel_loop3A_264 = arith.constant 0 : index
        %parallel_loop3A_265 = tpu.vector_load %arg11[%parallel_loop3A_263, %parallel_loop3A_264] {strides = array<i32>} : memref<512x50xf32, #tpu.memory_space<vmem>>, vector<16xf32>,
        tpu.vector_store %arg11[%parallel_loop3A_263, %parallel_loop3A_264], %parallel_loop3A_260 {strides = array<i32>} : memref<512x50xf32, #tpu.memory_space<vmem>>, vector<16xf32>,
        %parallel_loop3A_266 = arith.constant 4 : i32
        %parallel_loop3A_267 = arith.addi %parallel_loop3A_95, %parallel_loop3A_266 : i32
        %parallel_loop3A_268 = arith.index_cast %parallel_loop3A_267 : i32 to index
        %parallel_loop3A_269 = arith.constant 16 : index
        %parallel_loop3A_270 = tpu.vector_load %arg9[%parallel_loop3A_268, %parallel_loop3A_269] {strides = array<i32>} : memref<512x64xf32, #tpu.memory_space<vmem>>, vector<16xf32>,
        %parallel_loop3A_271 = arith.constant 4 : i32
        %parallel_loop3A_272 = arith.addi %parallel_loop3A_95, %parallel_loop3A_271 : i32
        %parallel_loop3A_273 = arith.index_cast %parallel_loop3A_272 : i32 to index
        %parallel_loop3A_274 = arith.constant 16 : index
        %parallel_loop3A_275 = tpu.vector_load %arg11[%parallel_loop3A_273, %parallel_loop3A_274] {strides = array<i32>} : memref<512x50xf32, #tpu.memory_space<vmem>>, vector<16xf32>,
        tpu.vector_store %arg11[%parallel_loop3A_273, %parallel_loop3A_274], %parallel_loop3A_270 {strides = array<i32>} : memref<512x50xf32, #tpu.memory_space<vmem>>, vector<16xf32>,
        %parallel_loop3A_276 = arith.constant 4 : i32
        %parallel_loop3A_277 = arith.addi %parallel_loop3A_95, %parallel_loop3A_276 : i32
        %parallel_loop3A_278 = arith.index_cast %parallel_loop3A_277 : i32 to index
        %parallel_loop3A_279 = arith.constant 32 : index
        %parallel_loop3A_280 = tpu.vector_load %arg9[%parallel_loop3A_278, %parallel_loop3A_279] {strides = array<i32>} : memref<512x64xf32, #tpu.memory_space<vmem>>, vector<16xf32>,
        %parallel_loop3A_281 = arith.constant 4 : i32
        %parallel_loop3A_282 = arith.addi %parallel_loop3A_95, %parallel_loop3A_281 : i32
        %parallel_loop3A_283 = arith.index_cast %parallel_loop3A_282 : i32 to index
        %parallel_loop3A_284 = arith.constant 32 : index
        %parallel_loop3A_285 = tpu.vector_load %arg11[%parallel_loop3A_283, %parallel_loop3A_284] {strides = array<i32>} : memref<512x50xf32, #tpu.memory_space<vmem>>, vector<16xf32>,
        tpu.vector_store %arg11[%parallel_loop3A_283, %parallel_loop3A_284], %parallel_loop3A_280 {strides = array<i32>} : memref<512x50xf32, #tpu.memory_space<vmem>>, vector<16xf32>,
        %parallel_loop3A_286 = arith.constant 4 : i32
        %parallel_loop3A_287 = arith.addi %parallel_loop3A_95, %parallel_loop3A_286 : i32
        %parallel_loop3A_288 = arith.index_cast %parallel_loop3A_287 : i32 to index
        %parallel_loop3A_289 = arith.constant 34 : index
        %parallel_loop3A_290 = tpu.vector_load %arg9[%parallel_loop3A_288, %parallel_loop3A_289] {strides = array<i32>} : memref<512x64xf32, #tpu.memory_space<vmem>>, vector<16xf32>,
        %parallel_loop3A_291 = arith.constant 4 : i32
        %parallel_loop3A_292 = arith.addi %parallel_loop3A_95, %parallel_loop3A_291 : i32
        %parallel_loop3A_293 = arith.index_cast %parallel_loop3A_292 : i32 to index
        %parallel_loop3A_294 = arith.constant 34 : index
        %parallel_loop3A_295 = tpu.vector_load %arg11[%parallel_loop3A_293, %parallel_loop3A_294] {strides = array<i32>} : memref<512x50xf32, #tpu.memory_space<vmem>>, vector<16xf32>,
        tpu.vector_store %arg11[%parallel_loop3A_293, %parallel_loop3A_294], %parallel_loop3A_290 {strides = array<i32>} : memref<512x50xf32, #tpu.memory_space<vmem>>, vector<16xf32>,
        %parallel_loop3A_296 = arith.constant 5 : i32
        %parallel_loop3A_297 = arith.addi %parallel_loop3A_95, %parallel_loop3A_296 : i32
        %parallel_loop3A_298 = arith.index_cast %parallel_loop3A_297 : i32 to index
        %parallel_loop3A_299 = arith.constant 0 : index
        %parallel_loop3A_300 = tpu.vector_load %arg9[%parallel_loop3A_298, %parallel_loop3A_299] {strides = array<i32>} : memref<512x64xf32, #tpu.memory_space<vmem>>, vector<16xf32>,
        %parallel_loop3A_301 = arith.constant 5 : i32
        %parallel_loop3A_302 = arith.addi %parallel_loop3A_95, %parallel_loop3A_301 : i32
        %parallel_loop3A_303 = arith.index_cast %parallel_loop3A_302 : i32 to index
        %parallel_loop3A_304 = arith.constant 0 : index
        %parallel_loop3A_305 = tpu.vector_load %arg11[%parallel_loop3A_303, %parallel_loop3A_304] {strides = array<i32>} : memref<512x50xf32, #tpu.memory_space<vmem>>, vector<16xf32>,
        tpu.vector_store %arg11[%parallel_loop3A_303, %parallel_loop3A_304], %parallel_loop3A_300 {strides = array<i32>} : memref<512x50xf32, #tpu.memory_space<vmem>>, vector<16xf32>,
        %parallel_loop3A_306 = arith.constant 5 : i32
        %parallel_loop3A_307 = arith.addi %parallel_loop3A_95, %parallel_loop3A_306 : i32
        %parallel_loop3A_308 = arith.index_cast %parallel_loop3A_307 : i32 to index
        %parallel_loop3A_309 = arith.constant 16 : index
        %parallel_loop3A_310 = tpu.vector_load %arg9[%parallel_loop3A_308, %parallel_loop3A_309] {strides = array<i32>} : memref<512x64xf32, #tpu.memory_space<vmem>>, vector<16xf32>,
        %parallel_loop3A_311 = arith.constant 5 : i32
        %parallel_loop3A_312 = arith.addi %parallel_loop3A_95, %parallel_loop3A_311 : i32
        %parallel_loop3A_313 = arith.index_cast %parallel_loop3A_312 : i32 to index
        %parallel_loop3A_314 = arith.constant 16 : index
        %parallel_loop3A_315 = tpu.vector_load %arg11[%parallel_loop3A_313, %parallel_loop3A_314] {strides = array<i32>} : memref<512x50xf32, #tpu.memory_space<vmem>>, vector<16xf32>,
        tpu.vector_store %arg11[%parallel_loop3A_313, %parallel_loop3A_314], %parallel_loop3A_310 {strides = array<i32>} : memref<512x50xf32, #tpu.memory_space<vmem>>, vector<16xf32>,
        %parallel_loop3A_316 = arith.constant 5 : i32
        %parallel_loop3A_317 = arith.addi %parallel_loop3A_95, %parallel_loop3A_316 : i32
        %parallel_loop3A_318 = arith.index_cast %parallel_loop3A_317 : i32 to index
        %parallel_loop3A_319 = arith.constant 32 : index
        %parallel_loop3A_320 = tpu.vector_load %arg9[%parallel_loop3A_318, %parallel_loop3A_319] {strides = array<i32>} : memref<512x64xf32, #tpu.memory_space<vmem>>, vector<16xf32>,
        %parallel_loop3A_321 = arith.constant 5 : i32
        %parallel_loop3A_322 = arith.addi %parallel_loop3A_95, %parallel_loop3A_321 : i32
        %parallel_loop3A_323 = arith.index_cast %parallel_loop3A_322 : i32 to index
        %parallel_loop3A_324 = arith.constant 32 : index
        %parallel_loop3A_325 = tpu.vector_load %arg11[%parallel_loop3A_323, %parallel_loop3A_324] {strides = array<i32>} : memref<512x50xf32, #tpu.memory_space<vmem>>, vector<16xf32>,
        tpu.vector_store %arg11[%parallel_loop3A_323, %parallel_loop3A_324], %parallel_loop3A_320 {strides = array<i32>} : memref<512x50xf32, #tpu.memory_space<vmem>>, vector<16xf32>,
        %parallel_loop3A_326 = arith.constant 5 : i32
        %parallel_loop3A_327 = arith.addi %parallel_loop3A_95, %parallel_loop3A_326 : i32
        %parallel_loop3A_328 = arith.index_cast %parallel_loop3A_327 : i32 to index
        %parallel_loop3A_329 = arith.constant 34 : index
        %parallel_loop3A_330 = tpu.vector_load %arg9[%parallel_loop3A_328, %parallel_loop3A_329] {strides = array<i32>} : memref<512x64xf32, #tpu.memory_space<vmem>>, vector<16xf32>,
        %parallel_loop3A_331 = arith.constant 5 : i32
        %parallel_loop3A_332 = arith.addi %parallel_loop3A_95, %parallel_loop3A_331 : i32
        %parallel_loop3A_333 = arith.index_cast %parallel_loop3A_332 : i32 to index
        %parallel_loop3A_334 = arith.constant 34 : index
        %parallel_loop3A_335 = tpu.vector_load %arg11[%parallel_loop3A_333, %parallel_loop3A_334] {strides = array<i32>} : memref<512x50xf32, #tpu.memory_space<vmem>>, vector<16xf32>,
        tpu.vector_store %arg11[%parallel_loop3A_333, %parallel_loop3A_334], %parallel_loop3A_330 {strides = array<i32>} : memref<512x50xf32, #tpu.memory_space<vmem>>, vector<16xf32>,
        %parallel_loop3A_336 = arith.constant 6 : i32
        %parallel_loop3A_337 = arith.addi %parallel_loop3A_95, %parallel_loop3A_336 : i32
        %parallel_loop3A_338 = arith.index_cast %parallel_loop3A_337 : i32 to index
        %parallel_loop3A_339 = arith.constant 0 : index
        %parallel_loop3A_340 = tpu.vector_load %arg9[%parallel_loop3A_338, %parallel_loop3A_339] {strides = array<i32>} : memref<512x64xf32, #tpu.memory_space<vmem>>, vector<16xf32>,
        %parallel_loop3A_341 = arith.constant 6 : i32
        %parallel_loop3A_342 = arith.addi %parallel_loop3A_95, %parallel_loop3A_341 : i32
        %parallel_loop3A_343 = arith.index_cast %parallel_loop3A_342 : i32 to index
        %parallel_loop3A_344 = arith.constant 0 : index
        %parallel_loop3A_345 = tpu.vector_load %arg11[%parallel_loop3A_343, %parallel_loop3A_344] {strides = array<i32>} : memref<512x50xf32, #tpu.memory_space<vmem>>, vector<16xf32>,
        tpu.vector_store %arg11[%parallel_loop3A_343, %parallel_loop3A_344], %parallel_loop3A_340 {strides = array<i32>} : memref<512x50xf32, #tpu.memory_space<vmem>>, vector<16xf32>,
        %parallel_loop3A_346 = arith.constant 6 : i32
        %parallel_loop3A_347 = arith.addi %parallel_loop3A_95, %parallel_loop3A_346 : i32
        %parallel_loop3A_348 = arith.index_cast %parallel_loop3A_347 : i32 to index
        %parallel_loop3A_349 = arith.constant 16 : index
        %parallel_loop3A_350 = tpu.vector_load %arg9[%parallel_loop3A_348, %parallel_loop3A_349] {strides = array<i32>} : memref<512x64xf32, #tpu.memory_space<vmem>>, vector<16xf32>,
        %parallel_loop3A_351 = arith.constant 6 : i32
        %parallel_loop3A_352 = arith.addi %parallel_loop3A_95, %parallel_loop3A_351 : i32
        %parallel_loop3A_353 = arith.index_cast %parallel_loop3A_352 : i32 to index
        %parallel_loop3A_354 = arith.constant 16 : index
        %parallel_loop3A_355 = tpu.vector_load %arg11[%parallel_loop3A_353, %parallel_loop3A_354] {strides = array<i32>} : memref<512x50xf32, #tpu.memory_space<vmem>>, vector<16xf32>,
        tpu.vector_store %arg11[%parallel_loop3A_353, %parallel_loop3A_354], %parallel_loop3A_350 {strides = array<i32>} : memref<512x50xf32, #tpu.memory_space<vmem>>, vector<16xf32>,
        %parallel_loop3A_356 = arith.constant 6 : i32
        %parallel_loop3A_357 = arith.addi %parallel_loop3A_95, %parallel_loop3A_356 : i32
        %parallel_loop3A_358 = arith.index_cast %parallel_loop3A_357 : i32 to index
        %parallel_loop3A_359 = arith.constant 32 : index
        %parallel_loop3A_360 = tpu.vector_load %arg9[%parallel_loop3A_358, %parallel_loop3A_359] {strides = array<i32>} : memref<512x64xf32, #tpu.memory_space<vmem>>, vector<16xf32>,
        %parallel_loop3A_361 = arith.constant 6 : i32
        %parallel_loop3A_362 = arith.addi %parallel_loop3A_95, %parallel_loop3A_361 : i32
        %parallel_loop3A_363 = arith.index_cast %parallel_loop3A_362 : i32 to index
        %parallel_loop3A_364 = arith.constant 32 : index
        %parallel_loop3A_365 = tpu.vector_load %arg11[%parallel_loop3A_363, %parallel_loop3A_364] {strides = array<i32>} : memref<512x50xf32, #tpu.memory_space<vmem>>, vector<16xf32>,
        tpu.vector_store %arg11[%parallel_loop3A_363, %parallel_loop3A_364], %parallel_loop3A_360 {strides = array<i32>} : memref<512x50xf32, #tpu.memory_space<vmem>>, vector<16xf32>,
        %parallel_loop3A_366 = arith.constant 6 : i32
        %parallel_loop3A_367 = arith.addi %parallel_loop3A_95, %parallel_loop3A_366 : i32
        %parallel_loop3A_368 = arith.index_cast %parallel_loop3A_367 : i32 to index
        %parallel_loop3A_369 = arith.constant 34 : index
        %parallel_loop3A_370 = tpu.vector_load %arg9[%parallel_loop3A_368, %parallel_loop3A_369] {strides = array<i32>} : memref<512x64xf32, #tpu.memory_space<vmem>>, vector<16xf32>,
        %parallel_loop3A_371 = arith.constant 6 : i32
        %parallel_loop3A_372 = arith.addi %parallel_loop3A_95, %parallel_loop3A_371 : i32
        %parallel_loop3A_373 = arith.index_cast %parallel_loop3A_372 : i32 to index
        %parallel_loop3A_374 = arith.constant 34 : index
        %parallel_loop3A_375 = tpu.vector_load %arg11[%parallel_loop3A_373, %parallel_loop3A_374] {strides = array<i32>} : memref<512x50xf32, #tpu.memory_space<vmem>>, vector<16xf32>,
        tpu.vector_store %arg11[%parallel_loop3A_373, %parallel_loop3A_374], %parallel_loop3A_370 {strides = array<i32>} : memref<512x50xf32, #tpu.memory_space<vmem>>, vector<16xf32>,
        %parallel_loop3A_376 = arith.constant 7 : i32
        %parallel_loop3A_377 = arith.addi %parallel_loop3A_95, %parallel_loop3A_376 : i32
        %parallel_loop3A_378 = arith.index_cast %parallel_loop3A_377 : i32 to index
        %parallel_loop3A_379 = arith.constant 0 : index
        %parallel_loop3A_380 = tpu.vector_load %arg9[%parallel_loop3A_378, %parallel_loop3A_379] {strides = array<i32>} : memref<512x64xf32, #tpu.memory_space<vmem>>, vector<16xf32>,
        %parallel_loop3A_381 = arith.constant 7 : i32
        %parallel_loop3A_382 = arith.addi %parallel_loop3A_95, %parallel_loop3A_381 : i32
        %parallel_loop3A_383 = arith.index_cast %parallel_loop3A_382 : i32 to index
        %parallel_loop3A_384 = arith.constant 0 : index
        %parallel_loop3A_385 = tpu.vector_load %arg11[%parallel_loop3A_383, %parallel_loop3A_384] {strides = array<i32>} : memref<512x50xf32, #tpu.memory_space<vmem>>, vector<16xf32>,
        tpu.vector_store %arg11[%parallel_loop3A_383, %parallel_loop3A_384], %parallel_loop3A_380 {strides = array<i32>} : memref<512x50xf32, #tpu.memory_space<vmem>>, vector<16xf32>,
        %parallel_loop3A_386 = arith.constant 7 : i32
        %parallel_loop3A_387 = arith.addi %parallel_loop3A_95, %parallel_loop3A_386 : i32
        %parallel_loop3A_388 = arith.index_cast %parallel_loop3A_387 : i32 to index
        %parallel_loop3A_389 = arith.constant 16 : index
        %parallel_loop3A_390 = tpu.vector_load %arg9[%parallel_loop3A_388, %parallel_loop3A_389] {strides = array<i32>} : memref<512x64xf32, #tpu.memory_space<vmem>>, vector<16xf32>,
        %parallel_loop3A_391 = arith.constant 7 : i32
        %parallel_loop3A_392 = arith.addi %parallel_loop3A_95, %parallel_loop3A_391 : i32
        %parallel_loop3A_393 = arith.index_cast %parallel_loop3A_392 : i32 to index
        %parallel_loop3A_394 = arith.constant 16 : index
        %parallel_loop3A_395 = tpu.vector_load %arg11[%parallel_loop3A_393, %parallel_loop3A_394] {strides = array<i32>} : memref<512x50xf32, #tpu.memory_space<vmem>>, vector<16xf32>,
        tpu.vector_store %arg11[%parallel_loop3A_393, %parallel_loop3A_394], %parallel_loop3A_390 {strides = array<i32>} : memref<512x50xf32, #tpu.memory_space<vmem>>, vector<16xf32>,
        %parallel_loop3A_396 = arith.constant 7 : i32
        %parallel_loop3A_397 = arith.addi %parallel_loop3A_95, %parallel_loop3A_396 : i32
        %parallel_loop3A_398 = arith.index_cast %parallel_loop3A_397 : i32 to index
        %parallel_loop3A_399 = arith.constant 32 : index
        %parallel_loop3A_400 = tpu.vector_load %arg9[%parallel_loop3A_398, %parallel_loop3A_399] {strides = array<i32>} : memref<512x64xf32, #tpu.memory_space<vmem>>, vector<16xf32>,
        %parallel_loop3A_401 = arith.constant 7 : i32
        %parallel_loop3A_402 = arith.addi %parallel_loop3A_95, %parallel_loop3A_401 : i32
        %parallel_loop3A_403 = arith.index_cast %parallel_loop3A_402 : i32 to index
        %parallel_loop3A_404 = arith.constant 32 : index
        %parallel_loop3A_405 = tpu.vector_load %arg11[%parallel_loop3A_403, %parallel_loop3A_404] {strides = array<i32>} : memref<512x50xf32, #tpu.memory_space<vmem>>, vector<16xf32>,
        tpu.vector_store %arg11[%parallel_loop3A_403, %parallel_loop3A_404], %parallel_loop3A_400 {strides = array<i32>} : memref<512x50xf32, #tpu.memory_space<vmem>>, vector<16xf32>,
        %parallel_loop3A_406 = arith.constant 7 : i32
        %parallel_loop3A_407 = arith.addi %parallel_loop3A_95, %parallel_loop3A_406 : i32
        %parallel_loop3A_408 = arith.index_cast %parallel_loop3A_407 : i32 to index
        %parallel_loop3A_409 = arith.constant 34 : index
        %parallel_loop3A_410 = tpu.vector_load %arg9[%parallel_loop3A_408, %parallel_loop3A_409] {strides = array<i32>} : memref<512x64xf32, #tpu.memory_space<vmem>>, vector<16xf32>,
        %parallel_loop3A_411 = arith.constant 7 : i32
        %parallel_loop3A_412 = arith.addi %parallel_loop3A_95, %parallel_loop3A_411 : i32
        %parallel_loop3A_413 = arith.index_cast %parallel_loop3A_412 : i32 to index
        %parallel_loop3A_414 = arith.constant 34 : index
        %parallel_loop3A_415 = tpu.vector_load %arg11[%parallel_loop3A_413, %parallel_loop3A_414] {strides = array<i32>} : memref<512x50xf32, #tpu.memory_space<vmem>>, vector<16xf32>,
        tpu.vector_store %arg11[%parallel_loop3A_413, %parallel_loop3A_414], %parallel_loop3A_410 {strides = array<i32>} : memref<512x50xf32, #tpu.memory_space<vmem>>, vector<16xf32>,
      } {sc.loop_unroll_factor = 2 : i64, sc.parallel_access}
      "tpu.region"() ({
        %run_scoped3A = tpu.sem_alloc : memref<!tpu.dma_semaphore, #tpu.memory_space<semaphore_mem>>
        %dma_start3A = arith.constant 0 : i32
        %dma_start3A_93 = tpu.memref_slice %arg4[%multiple_of3A_89, %dma_start3A] : memref<1048576x50xf32, #tpu.memory_space<hbm>> -> memref<512x50xf32, #tpu.memory_space<hbm>>
        %dma_start3A_94 = arith.constant 0 : i32
        %dma_start3A_95 = tpu.memref_slice %arg4[%multiple_of3A_89, %dma_start3A_94] : memref<1048576x50xf32, #tpu.memory_space<hbm>> -> memref<512x50xf32, #tpu.memory_space<hbm>>
        tpu.enqueue_dma source(%arg11 : memref<512x50xf32, #tpu.memory_space<vmem>>) target(%dma_start3A_95 : memref<512x50xf32, #tpu.memory_space<hbm>>) target_semaphore(%run_scoped3A : memref<!tpu.dma_semaphore, #tpu.memory_space<semaphore_mem>>)
        %dma_wait3A = arith.constant 0 : i32
        %dma_wait3A_96 = tpu.memref_slice %arg4[%multiple_of3A_89, %dma_wait3A] : memref<1048576x50xf32, #tpu.memory_space<hbm>> -> memref<512x50xf32, #tpu.memory_space<hbm>>
        %dma_wait3A_97 = arith.constant 0 : i32
        %dma_wait3A_98 = tpu.memref_slice %arg4[%multiple_of3A_89, %dma_wait3A_97] : memref<1048576x50xf32, #tpu.memory_space<hbm>> -> memref<512x50xf32, #tpu.memory_space<hbm>>
        tpu.wait_dma2 semaphore(%run_scoped3A : memref<!tpu.dma_semaphore, #tpu.memory_space<semaphore_mem>>) src(%arg11 : memref<512x50xf32, #tpu.memory_space<vmem>>) dst(%dma_wait3A_98 : memref<512x50xf32, #tpu.memory_space<hbm>>)
        tpu.yield
      }) : () -> ()
    }
    %scan3A_27 = arith.constant 16 : i32
    return
  }
}

</mosaic_0001>

<sc_bundles>
// kernel: kernel.3.cloned.1.call-start
scs
__scs_entry_jumppad:
0x0: {  	(pc) =	sbr.rel $0x88, $3  }
0x1: {  	(tag) =	ssettag $0x0;
	lr =	simm.s32 $0x1  }
0x2: {  	[smem:$0x3F9F] =	sst lr;
	_ =	strace $0xD0000000  }
0x3: {  	_ = 	snop  }
0x4: {  	_ = 	snop  }
0x5: {  	_ = 	snop  }
0x6: {  	_ = 	snop  }
0x7: {  	_ = 	snop  }
__scs_overlays_trampoline_lowered:
0x8: {  	[smem:$0x3FAE] =	sst s0  }
0x9: {  	[smem:$0x3FAF] =	sst s1  }
0xa: {  	[smem:$0x3FB0] =	sst s2  }
0xb: {  	[smem:$0x3FB1] =	sst s3  }
0xc: {  	[smem:$0x3FB2] =	sst s4  }
0xd: {  	[smem:$0x3FB3] =	sst s5  }
0xe: {  	[smem:$0x3FB4] =	sst s6  }
0xf: {  	[smem:$0x3FB5] =	sst s7  }
0x10: {  	[smem:$0x3FB6] =	sst s8  }
0x11: {  	[smem:$0x3FB7] =	sst s9;
	s0 =	simm.s32 @!p0 $0x0  }
0x12: {  	s1 =	sld [smem:$0x3F9D];
	s0 =	simm.s32 @p0 $0x1  }
0x13: {  	[smem:$0x3FB8] =	sst s0;
	s0 =	simm.s32 @!p1 $0x0  }
0x14: {  	s2 =	sld [smem:$0x3F9C];
	s0 =	simm.s32 @p1 $0x1  }
0x15: {  	[smem:$0x3FB9] =	sst s0;
	s0 =	simm.s32 @!p2 $0x0  }
0x16: {  	s3 =	sld [smem:$0x3FDB];
	s0 =	simm.s32 @p2 $0x1  }
0x17: {  	s4 =	simm.s32 $0x1BF5;
	[smem:$0x3FBB] =	sst s0  }
0x18: {  	s0 =	sld [smem:$0x3F9E];
	_ =	swait.ge [sflag:s4], $0x0  }
0x19: {  	s7 =	sld [smem:$0x3F9F]  }
0x1a: {  	s8 =	sadd.s32 $0xFFFFE003, lr  }
0x1b: {  	s9 =	sadd.s32 $0xFFFFFEF7, lr;
	s5 =	simm.s32 $0xFFFFFFFF;
	p2 =	slt.u32 s8, $0xFFFFF086  }
0x1c: {  	p1 =	slt.u32 s9, $0xF7A;
	s5 =	simm.s32 @!p2 $0x0  }
0x1d: {  	s5 =	simm.s32 @p1 $0x1;
	p0 =	seq.s32 s7, s2  }
0x1e: {  	s7 =	smul.u32 @!p0 $0xF7A, s2;
	p2 =	seq.s32 @!p0 s5, $0x0  }
0x1f: {  	s9 =	smul.u32 $0xF7A, s1;
	s8 =	simm.s32 @!p0 $0x1BF5;
	p2 =	por !p2, p0  }
0x20: {  	[sflag:s8] =	ssyncset.s32 @!p0 $0xFFFFF086;
	s6 =	sadd.s32 @!p0 s3, s7;
	s7 =	simm.s32 @!p0 $0x108  }
0x21: {  	s3 =	sadd.s32 s3, s9;
	s6 =	sadd.s32 @!p0 $0x88, s6;
	s7 =	simm.s32 @p2 $0x1082  }
0x22: {  	[simem:s7], [sflag:s8] =	dma.local @!p0 [hbm:s6], $0xF7A  }
0x23: {  	s9 =	sor.u32 $0xD0000000, s2;
	s6 =	simm.s32 $0x108;
	_ =	swait.ge @!p0 [sflag:s8], $0x0  }
0x24: {  	s3 =	sadd.s32 $0x88, s3;
	s6 =	simm.s32 @!p1 $0x1082;
	[sflag:s4] =	ssyncset.s32 $0xFFFFF086  }
0x25: {  	[simem:s6], [sflag:s4] =	dma.local [hbm:s3], $0xF7A  }
0x26: {  	[smem:$0x3F9F] =	sst s1;
	(tag) =	ssettag s2;
	_ =	strace s9  }
0x27: {  	s1 =	sld [smem:$0x3FAF]  }
0x28: {  	s2 =	sld [smem:$0x3FB0]  }
0x29: {  	s4 =	sld [smem:$0x3FB2]  }
0x2a: {  	p0 =	seq.s32 s5, $0x0;
	s5 =	sld [smem:$0x3FB3]  }
0x2b: {  	s6 =	sld [smem:$0x3FB4]  }
0x2c: {  	s7 =	sld [smem:$0x3FB5]  }
0x2d: {  	s3 =	simm.s32 $0x108;
	s8 =	sld [smem:$0x3FB6]  }
0x2e: {  	s3 =	simm.s32 @!p0 $0x1082;
	s9 =	sld [smem:$0x3FB7]  }
0x2f: {  	lr =	sadd.s32 s0, s3;
	s0 =	sld [smem:$0x3FAE]  }
0x30: {  	s3 =	sld [smem:$0x3FB1]  }
0x31: {  	[smem:$0x3FBA] =	sst s10  }
0x32: {  	s10 =	sld [smem:$0x3FB8];
	_ =	sdelay $0x3  }
0x33: {  	p0 =	seq.s32 s10, $0x1;
	s10 =	sld [smem:$0x3FBA];
	_ =	sdelay $0x3  }
0x34: {  	[smem:$0x3FBA] =	sst s10  }
0x35: {  	s10 =	sld [smem:$0x3FB9];
	_ =	sdelay $0x3  }
0x36: {  	p1 =	seq.s32 s10, $0x1;
	s10 =	sld [smem:$0x3FBA];
	_ =	sdelay $0x3  }
0x37: {  	[smem:$0x3FBA] =	sst s10  }
0x38: {  	s10 =	sld [smem:$0x3FBB]  }
0x39: {  	_ = 	snop;
	(pc) =	sbr.ind lr, $3  }
0x3a: {  	_ = 	snop  }
0x3b: {  	_ = 	snop  }
0x3c: {  	p2 =	seq.s32 s10, $0x1;
	s10 =	sld [smem:$0x3FBA]  }
0x3d: {  	_ =	shalt  }
0x3e: {  	_ =	shalt  }
0x3f: {  	_ =	shalt  }
0x40: {  	_ =	shalt  }
0x41: {  	_ =	shalt  }
0x42: {  	_ =	shalt  }
0x43: {  	_ =	shalt  }
0x44: {  	_ =	shalt  }
0x45: {  	_ =	shalt  }
0x46: {  	_ =	shalt  }
0x47: {  	_ =	shalt  }
0x48: {  	_ =	shalt  }
0x49: {  	_ =	shalt  }
0x4a: {  	_ =	shalt  }
0x4b: {  	_ =	shalt  }
0x4c: {  	_ =	shalt  }
0x4d: {  	_ =	shalt  }
0x4e: {  	_ =	shalt  }
0x4f: {  	_ =	shalt  }
0x50: {  	_ =	shalt  }
0x51: {  	_ =	shalt  }
0x52: {  	_ =	shalt  }
0x53: {  	_ =	shalt  }
0x54: {  	_ =	shalt  }
0x55: {  	_ =	shalt  }
0x56: {  	_ =	shalt  }
0x57: {  	_ =	shalt  }
0x58: {  	_ =	shalt  }
0x59: {  	_ =	shalt  }
0x5a: {  	_ =	shalt  }
0x5b: {  	_ =	shalt  }
0x5c: {  	_ =	shalt  }
0x5d: {  	_ =	shalt  }
0x5e: {  	_ =	shalt  }
0x5f: {  	_ =	shalt  }
0x60: {  	_ =	shalt  }
0x61: {  	_ =	shalt  }
0x62: {  	_ =	shalt  }
0x63: {  	_ =	shalt  }
0x64: {  	_ =	shalt  }
0x65: {  	_ =	shalt  }
0x66: {  	_ =	shalt  }
0x67: {  	_ =	shalt  }
0x68: {  	_ =	shalt  }
0x69: {  	_ =	shalt  }
0x6a: {  	_ =	shalt  }
0x6b: {  	_ =	shalt  }
0x6c: {  	_ =	shalt  }
0x6d: {  	_ =	shalt  }
0x6e: {  	_ =	shalt  }
0x6f: {  	_ =	shalt  }
0x70: {  	_ =	shalt  }
0x71: {  	_ =	shalt  }
0x72: {  	_ =	shalt  }
0x73: {  	_ =	shalt  }
0x74: {  	_ =	shalt  }
0x75: {  	_ =	shalt  }
0x76: {  	_ =	shalt  }
0x77: {  	_ =	shalt  }
0x78: {  	_ =	shalt  }
0x79: {  	_ =	shalt  }
0x7a: {  	_ =	shalt  }
0x7b: {  	_ =	shalt  }
0x7c: {  	_ =	shalt  }
0x7d: {  	_ =	shalt  }
0x7e: {  	_ =	shalt  }
0x7f: {  	_ =	shalt  }
0x80: {  	_ =	shalt  }
0x81: {  	_ =	shalt  }
0x82: {  	_ =	shalt  }
0x83: {  	_ =	shalt  }
0x84: {  	_ =	shalt  }
0x85: {  	_ =	shalt  }
0x86: {  	_ =	shalt  }
0x87: {  	_ =	shalt  }
.Lfunc_end0:
.L_simem_size_0:
called_computation.1_lowered:
.L_overlay_start_0:
0x88: {  	s2 =	sld [smem:$0x3FD9]  }
0x89: {  	s3 =	sld [smem:$0x3FFE];
	_ =	sdelay $0x1  }
0x8a: {  	s1 =	srdreg.scid  }
0x8b: {  	s0 =	sand.u32 $0x1, s1  }
0x8c: {  	s17 =	sshll.u32 s0, $0xA;
	s2 =	sadd.s32 s3, s2  }
0x8d: {  	s2 =	sadd.s32 s2, s17  }
0x8e: {  	[smem:$0x3FC6] =	sst s2  }
0x8f: {  	_ = 	snop  }
0x90: {  	s2 =	sld [smem:$0x3FD0];
	(tm) =	ssettm $0x1  }
0x91: {  	s18 =	sld [smem:$0x3FFB];
	_ =	sdelay $0x3  }
0x92: {  	_ =	strace s18  }
0x93: {  	s3 =	sld [smem:$0x3FFC];
	_ =	sdelay $0x3  }
0x94: {  	_ =	strace s3  }
0x95: {  	s3 =	sld [smem:$0x3FFD];
	_ =	sdelay $0x3  }
0x96: {  	_ =	strace s3  }
0x97: {  	_ =	strace $0x8FFFFFFF  }
0x98: {  	s19 =	sld [smem:$0x3FDB];
	_ =	sdelay $0x1  }
0x99: {  	s4 =	simm.s32 $_scs_section_size  }
0x9a: {  	s5 =	simm.s32 $_size__tile_overlayer_lowered;
	s6 =	simm.s32 $_tile_overlayer_lowered  }
0x9b: {  	s22 =	simm.s32 $0x1BFF;
	s21 =	sshll.u32 s6, $0x1;
	s3 =	sadd.s32 s4, s19  }
0x9c: {  	s7 =	simm.s32 $0x0;
	s20 =	sshll.u32 s5, $0x1;
	s5 =	sadd.s32 s21, s3  }
0x9d: {  	[timem:s7], [sflag:s22] =	dma.local [hbm:s5], s20  }
0x9e: {  	_ =	swait.ge [sflag:s22], s20  }
0x9f: {  	s4 =	ssub.s32 $0x0, s20;
	[sflag:s22] =	ssyncset.done $0x0  }
0xa0: {  	[sflag:s22] =	ssyncadd.s32 s4;
	_ =	sdelay $0x1  }
0xa1: {  	s23 =	simm.s32 $0x1B8B  }
0xa2: {  	_ =	swait.ge [sflag:s23], $0x1  }
0xa3: {  	[sflag:s23] =	ssyncset.done $0x0  }
0xa4: {  	s25 =	simm.s32 $0x1B8E;
	s24 =	sld [smem:$0x3FFE];
	[sflag:s23] =	ssyncadd.s32 $0xFFFFFFFF  }
0xa5: {  	s26 =	simm.s32 $execute0_lowered;
	[smem:$0x3FD2] =	sst s25  }
0xa6: {  	s5 =	sshll.u32 s26, $0x1;
	_ =	strace $0x80000046;
	[dreg:$0x1] =	wrdreg $0xFFFFFFFF  }
0xa7: {  	s28 =	simm.s32 $_size_execute0_lowered;
	s3 =	sadd.s32 s3, s5;
	[dreg:$0x0] =	wrdreg $0x0  }
0xa8: {  	s5 =	sshll.u32 s28, $0x1;
	[dreg:$0x2] =	wrdreg s3  }
0xa9: {  	[dreg:$0x3] =	wrdreg s5  }
0xaa: {  	[dreg:$0x4] =	wrdreg $0xC0  }
0xab: {  	_ =	task [dreg:s7], $0x5FFFF  }
0xac: {  	[dreg:$0x1] =	wrdreg $0xFFFFFFFF  }
0xad: {  	[dreg:$0x0] =	wrdreg $0x60  }
0xae: {  	[dreg:$0x2] =	wrdreg s2  }
0xaf: {  	[dreg:$0x3] =	wrdreg s24  }
0xb0: {  	[dreg:$0x4] =	wrdreg $0x0  }
0xb1: {  	[dreg:$0x5] =	wrdreg $0x9  }
0xb2: {  	_ =	task.clear_ibuf [dreg:s7], $0x6FFFF;
	_ =	strace $0x90000046  }
0xb3: {  	s29 =	simm.s32 $0x9;
	_ =	strace $0x80000048  }
0xb4: {  	_ =	swait.ge [sflag:s29], $0x1  }
0xb5: {  	[sflag:s29] =	ssyncadd.s32 $0xFFFFFFFF  }
0xb6: {  	_ =	strace $0x90000048  }
0xb7: {  	_ =	sfence  }
0xb8: {  	s30 =	sld [smem:$0x0];
	_ =	sdelay $0x2  }
0xb9: {  	s31 =	sshll.u32 s1, $0xD;
	s1 =	sshrl.u32 s1, $0x2  }
0xba: {  	s3 =	sand.u32 $0x4000, s31;
	s1 =	sadd.s32 s1, s30  }
0xbb: {  	s0 =	sor.u32 s3, s0;
	s1 =	sshll.u32 s1, $0x11  }
0xbc: {  	s0 =	sor.u32 s1, s0  }
0xbd: {  	s0 =	sadd.s32 $0x8F2B, s0  }
0xbe: {  	[sflag:s0] =	ssyncadd.remote.s32 $0x1  }
0xbf: {  	_ =	sfence.sel $0xFFFF  }
0xc0: {  	[dreg:$0x0] =	wrdreg $0xFFFFFFFF;
	(pc) =	sbr.abs _section_cstart, $3  }
0xc1: {  	[dreg:$0x1] =	wrdreg $0xFFFFFFFF  }
0xc2: {  	_ =	task.clear_ibuf [dreg:s7], $0x2FFFF;
	_ =	strace $0x9FFFFFFF  }
0xc3: {  	(tm) =	ssettm $0x7FFFFFFF  }
tec
execute0_lowered:
.L_overlay_start_1:
0x0: {  	(tag) =	ssettag $0x1  }
0x1: {  	s1 =	rddreg [dreg:$0x0]  }
0x2: {  	s5 =	rddreg [dreg:$0x1]  }
0x3: {  	s10 =	rddreg [dreg:$0x2]  }
0x4: {  	s0 =	rddreg [dreg:$0x3]  }
0x5: {  	s2 =	simm.s32 $0x0;
	s3 =	srdreg.scid;
	s8 =	stileid.u32  }
0x6: {  	s11 =	simm.s32 $0xFA8;
	s12 =	simm.s32 $0x1;
	s13 =	simm.s32 $0x13A8  }
0x7: {  	s14 =	simm.s32 $0x117A8;
	s15 =	simm.s32 $0x187A8;
	s16 =	simm.s32 $0x0  }
0x8: {  	[smem:$0x7FF] =	sst s2;
	s3 =	sand.u32 $0x1, s3;
	s4 =	sshll.u32 s8, $0x10  }
0x9: {  	p0 =	sne.s32 s8, $0x0;
	_ =	strace $0x80000047;
	s6 =	ssub.s32 $0x2, s3  }
0xa: {  	s7 =	sshll.u32 s3, $0xF;
	s3 =	sadd.s32 $0x800, s5;
	s5 =	sadd.s32 $0x2800, s5  }
0xb: {  	s10 =	sshrl.u32 @!p0 s10, $0x3;
	s9 =	sshrl.u32 s6, $0x1;
	s4 =	sor.u32 s7, s4  }
0xc: {  	s9 =	ssub.s32 s6, s9;
	s31 =	sshrl.u32 s4, $0x3;
	s7 =	sor.u32 $0x800, s4  }
0xd: {  	s6 =	sadd.s32 s1, s31;
	s8 =	smax.u32 s9, $0x1;
	s9 =	sor.u32 $0x400, s4  }
.LBB2_1:
0xe: {  	s17 =	simm.s32 @!p0 $0x1C01  }
0xf: {  	[spmem:s10], [sflag:s17] =	dma.local @!p0 [hbm:s3], $0x1F50  }
0x10: {  	s17 =	simm.s32 @!p0 $0x1  }
0x11: {  	_ =	swait.ge @!p0 [sflag:s17], $0x1F50  }
0x12: {  	[sflag:s17] =	ssyncset.done @!p0 $0x0  }
0x13: {  	[sflag:s17] =	ssyncadd.s32 @!p0 $0xFFFFE0B0  }
0x14: {  	[bflag:$0x0] =	sbarrier.arrive $0xFFFF  }
0x15: {  	[tilespmem:s11], [sflag:$0x1] =	stream.linear.gather [hbm4b:s6+s2], $0x400, $0x38;
	[tilespmem:$0x1F7A8] =	vst v63  }
0x16: {  	_ =	swait.ge [sflag:s12], $0x400  }
0x17: {  	[sflag:s12] =	ssyncset.done $0x0  }
0x18: {  	s17 =	simm.s32 $0x0;
	[sflag:s12] =	ssyncadd.s32 $0xFFFFFC00  }
.LBB2_2:
0x19: {  	s20 =	sshll.u32 s17, $0xB  }
0x1a: {  	s18 =	sor.u32 s9, s20  }
0x1b: {  	s19 =	sshrl.u32 s18, $0x3  }
0x1c: {  	s19 =	sadd.s32 s1, s19  }
0x1d: {  	[tilespmem:s13], [sflag:$0x1] =	stream.linear.gather [hbm4b:s19+s2], $0x400, $0x38;
	[tilespmem:$0x1F7A8] =	vst v63  }
0x1e: {  	_ =	swait.ge [sflag:s12], $0x400  }
0x1f: {  	[sflag:s12] =	ssyncset.done $0x0  }
0x20: {  	s25 =	simm.s32 $0x19A8;
	[sflag:s12] =	ssyncadd.s32 $0xFFFFFC00  }
0x21: {  	v0 =	vld [tilespmem:s25+$0x0]  }
0x22: {  	v1 =	vld [tilespmem:s25+$0xFFFFFE00];
	_ =	sdelay $0x2  }
0x23: {  	s19 =	simm.s32 $0x11968  }
0x24: {  	[tilespmem:s19+$0x0] =	vst v0  }
0x25: {  	[tilespmem:s19+$0xFFFFFE40] =	vst v1;
	v0 =	vld [tilespmem:s25+$0x10]  }
0x26: {  	v1 =	vld [tilespmem:s25+$0xFFFFFE10];
	_ =	sdelay $0x3  }
0x27: {  	[tilespmem:s19+$0x10] =	vst v0  }
0x28: {  	[tilespmem:s19+$0xFFFFFE50] =	vst v1;
	v0 =	vld [tilespmem:s25+$0x20]  }
0x29: {  	v1 =	vld [tilespmem:s25+$0xFFFFFE20];
	_ =	sdelay $0x3  }
0x2a: {  	[tilespmem:s19+$0x20] =	vst v0  }
0x2b: {  	[tilespmem:s19+$0xFFFFFE60] =	vst v1;
	v0 =	vld [tilespmem:s25+$0x22]  }
0x2c: {  	v1 =	vld [tilespmem:s25+$0xFFFFFE22];
	_ =	sdelay $0x3  }
0x2d: {  	[tilespmem:s19+$0x22] =	vst v0  }
0x2e: {  	[tilespmem:s19+$0xFFFFFE62] =	vst v1;
	v0 =	vld [tilespmem:s25+$0x40]  }
0x2f: {  	v1 =	vld [tilespmem:s25+$0xFFFFFE40];
	_ =	sdelay $0x3  }
0x30: {  	[tilespmem:s19+$0x38] =	vst v0  }
0x31: {  	[tilespmem:s19+$0xFFFFFE78] =	vst v1;
	v0 =	vld [tilespmem:s25+$0x50]  }
0x32: {  	v1 =	vld [tilespmem:s25+$0xFFFFFE50];
	_ =	sdelay $0x3  }
0x33: {  	[tilespmem:s19+$0x48] =	vst v0  }
0x34: {  	[tilespmem:s19+$0xFFFFFE88] =	vst v1;
	v0 =	vld [tilespmem:s25+$0x60]  }
0x35: {  	v1 =	vld [tilespmem:s25+$0xFFFFFE60];
	_ =	sdelay $0x3  }
0x36: {  	[tilespmem:s19+$0x58] =	vst v0  }
0x37: {  	[tilespmem:s19+$0xFFFFFE98] =	vst v1;
	v0 =	vld [tilespmem:s25+$0x62]  }
0x38: {  	v1 =	vld [tilespmem:s25+$0xFFFFFE62];
	_ =	sdelay $0x3  }
0x39: {  	[tilespmem:s19+$0x5A] =	vst v0  }
0x3a: {  	[tilespmem:s19+$0xFFFFFE9A] =	vst v1;
	v0 =	vld [tilespmem:s25+$0x80]  }
0x3b: {  	v1 =	vld [tilespmem:s25+$0xFFFFFE80];
	_ =	sdelay $0x3  }
0x3c: {  	[tilespmem:s19+$0x70] =	vst v0  }
0x3d: {  	[tilespmem:s19+$0xFFFFFEB0] =	vst v1;
	v0 =	vld [tilespmem:s25+$0x90]  }
0x3e: {  	v1 =	vld [tilespmem:s25+$0xFFFFFE90];
	_ =	sdelay $0x3  }
0x3f: {  	[tilespmem:s19+$0x80] =	vst v0  }
0x40: {  	[tilespmem:s19+$0xFFFFFEC0] =	vst v1;
	v0 =	vld [tilespmem:s25+$0xA0]  }
0x41: {  	v1 =	vld [tilespmem:s25+$0xFFFFFEA0];
	_ =	sdelay $0x1  }
0x42: {  	s22 =	simm.s32 $0x1DA8  }
0x43: {  	v2 =	vld [tilespmem:s22+$0x0]  }
0x44: {  	v3 =	vld [tilespmem:s22+$0xFFFFFE00];
	[tilespmem:s19+$0x90] =	vst v0  }
0x45: {  	[tilespmem:s19+$0xFFFFFED0] =	vst v1;
	v0 =	vld [tilespmem:s25+$0xA2]  }
0x46: {  	v1 =	vld [tilespmem:s25+$0xFFFFFEA2]  }
0x47: {  	s21 =	simm.s32 $0x11CE8  }
0x48: {  	[tilespmem:s21+$0x0] =	vst v2  }
0x49: {  	[tilespmem:s21+$0xFFFFFE40] =	vst v3;
	v2 =	vld [tilespmem:s22+$0x10]  }
0x4a: {  	v3 =	vld [tilespmem:s22+$0xFFFFFE10];
	[tilespmem:s19+$0x92] =	vst v0  }
0x4b: {  	[tilespmem:s19+$0xFFFFFED2] =	vst v1;
	v0 =	vld [tilespmem:s25+$0xC0]  }
0x4c: {  	v1 =	vld [tilespmem:s25+$0xFFFFFEC0];
	_ =	sdelay $0x1  }
0x4d: {  	[tilespmem:s21+$0x10] =	vst v2  }
0x4e: {  	[tilespmem:s21+$0xFFFFFE50] =	vst v3;
	v2 =	vld [tilespmem:s22+$0x20]  }
0x4f: {  	v3 =	vld [tilespmem:s22+$0xFFFFFE20];
	[tilespmem:s19+$0xA8] =	vst v0  }
0x50: {  	[tilespmem:s19+$0xFFFFFEE8] =	vst v1;
	v0 =	vld [tilespmem:s25+$0xD0]  }
0x51: {  	v1 =	vld [tilespmem:s25+$0xFFFFFED0];
	_ =	sdelay $0x1  }
0x52: {  	[tilespmem:s21+$0x20] =	vst v2  }
0x53: {  	[tilespmem:s21+$0xFFFFFE60] =	vst v3;
	v2 =	vld [tilespmem:s22+$0x22]  }
0x54: {  	v3 =	vld [tilespmem:s22+$0xFFFFFE22];
	[tilespmem:s19+$0xB8] =	vst v0  }
0x55: {  	[tilespmem:s19+$0xFFFFFEF8] =	vst v1;
	v0 =	vld [tilespmem:s25+$0xE0]  }
0x56: {  	v1 =	vld [tilespmem:s25+$0xFFFFFEE0];
	_ =	sdelay $0x1  }
0x57: {  	[tilespmem:s21+$0x22] =	vst v2  }
0x58: {  	[tilespmem:s21+$0xFFFFFE62] =	vst v3;
	v2 =	vld [tilespmem:s22+$0x40]  }
0x59: {  	v3 =	vld [tilespmem:s22+$0xFFFFFE40];
	[tilespmem:s19+$0xC8] =	vst v0  }
0x5a: {  	[tilespmem:s19+$0xFFFFFF08] =	vst v1;
	v0 =	vld [tilespmem:s25+$0xE2]  }
0x5b: {  	v1 =	vld [tilespmem:s25+$0xFFFFFEE2];
	_ =	sdelay $0x1  }
0x5c: {  	[tilespmem:s21+$0x38] =	vst v2  }
0x5d: {  	[tilespmem:s21+$0xFFFFFE78] =	vst v3;
	v2 =	vld [tilespmem:s22+$0x50]  }
0x5e: {  	v3 =	vld [tilespmem:s22+$0xFFFFFE50];
	[tilespmem:s19+$0xCA] =	vst v0  }
0x5f: {  	[tilespmem:s19+$0xFFFFFF0A] =	vst v1;
	v0 =	vld [tilespmem:s25+$0x100]  }
0x60: {  	v1 =	vld [tilespmem:s25+$0xFFFFFF00];
	_ =	sdelay $0x1  }
0x61: {  	[tilespmem:s21+$0x48] =	vst v2  }
0x62: {  	[tilespmem:s21+$0xFFFFFE88] =	vst v3;
	v2 =	vld [tilespmem:s22+$0x60]  }
0x63: {  	v3 =	vld [tilespmem:s22+$0xFFFFFE60];
	[tilespmem:s19+$0xE0] =	vst v0  }
0x64: {  	[tilespmem:s19+$0xFFFFFF20] =	vst v1;
	v0 =	vld [tilespmem:s25+$0x110]  }
0x65: {  	v1 =	vld [tilespmem:s25+$0xFFFFFF10];
	_ =	sdelay $0x1  }
0x66: {  	[tilespmem:s21+$0x58] =	vst v2  }
0x67: {  	[tilespmem:s21+$0xFFFFFE98] =	vst v3;
	v2 =	vld [tilespmem:s22+$0x62]  }
0x68: {  	v3 =	vld [tilespmem:s22+$0xFFFFFE62];
	[tilespmem:s19+$0xF0] =	vst v0  }
0x69: {  	[tilespmem:s19+$0xFFFFFF30] =	vst v1;
	v0 =	vld [tilespmem:s25+$0x120]  }
0x6a: {  	v1 =	vld [tilespmem:s25+$0xFFFFFF20];
	_ =	sdelay $0x1  }
0x6b: {  	[tilespmem:s21+$0x5A] =	vst v2  }
0x6c: {  	[tilespmem:s21+$0xFFFFFE9A] =	vst v3;
	v2 =	vld [tilespmem:s22+$0x80]  }
0x6d: {  	v3 =	vld [tilespmem:s22+$0xFFFFFE80];
	[tilespmem:s19+$0x100] =	vst v0  }
0x6e: {  	[tilespmem:s19+$0xFFFFFF40] =	vst v1;
	v0 =	vld [tilespmem:s25+$0x122]  }
0x6f: {  	v1 =	vld [tilespmem:s25+$0xFFFFFF22];
	_ =	sdelay $0x1  }
0x70: {  	[tilespmem:s21+$0x70] =	vst v2  }
0x71: {  	[tilespmem:s21+$0xFFFFFEB0] =	vst v3;
	v2 =	vld [tilespmem:s22+$0x90]  }
0x72: {  	v3 =	vld [tilespmem:s22+$0xFFFFFE90];
	[tilespmem:s19+$0x102] =	vst v0  }
0x73: {  	[tilespmem:s19+$0xFFFFFF42] =	vst v1;
	v0 =	vld [tilespmem:s25+$0x140]  }
0x74: {  	v1 =	vld [tilespmem:s25+$0xFFFFFF40];
	_ =	sdelay $0x1  }
0x75: {  	[tilespmem:s21+$0x80] =	vst v2  }
0x76: {  	[tilespmem:s21+$0xFFFFFEC0] =	vst v3;
	v2 =	vld [tilespmem:s22+$0xA0]  }
0x77: {  	v3 =	vld [tilespmem:s22+$0xFFFFFEA0];
	[tilespmem:s19+$0x118] =	vst v0  }
0x78: {  	[tilespmem:s19+$0xFFFFFF58] =	vst v1;
	v0 =	vld [tilespmem:s25+$0x150]  }
0x79: {  	s23 =	simm.s32 $0x21A8;
	v1 =	vld [tilespmem:s25+$0xFFFFFF50]  }
0x7a: {  	v4 =	vld [tilespmem:s23+$0x0]  }
0x7b: {  	v5 =	vld [tilespmem:s23+$0xFFFFFE00];
	[tilespmem:s21+$0x90] =	vst v2  }
0x7c: {  	[tilespmem:s21+$0xFFFFFED0] =	vst v3;
	v2 =	vld [tilespmem:s22+$0xA2]  }
0x7d: {  	v3 =	vld [tilespmem:s22+$0xFFFFFEA2];
	[tilespmem:s19+$0x128] =	vst v0  }
0x7e: {  	s24 =	simm.s32 $0x12068;
	[tilespmem:s19+$0xFFFFFF68] =	vst v1;
	v0 =	vld [tilespmem:s25+$0x160]  }
0x7f: {  	[tilespmem:s24+$0x0] =	vst v4;
	v1 =	vld [tilespmem:s25+$0xFFFFFF60]  }
0x80: {  	[tilespmem:s24+$0xFFFFFE40] =	vst v5;
	v4 =	vld [tilespmem:s23+$0x10]  }
0x81: {  	v5 =	vld [tilespmem:s23+$0xFFFFFE10];
	[tilespmem:s21+$0x92] =	vst v2  }
0x82: {  	[tilespmem:s21+$0xFFFFFED2] =	vst v3;
	v2 =	vld [tilespmem:s22+$0xC0]  }
0x83: {  	v3 =	vld [tilespmem:s22+$0xFFFFFEC0];
	[tilespmem:s19+$0x138] =	vst v0  }
0x84: {  	[tilespmem:s19+$0xFFFFFF78] =	vst v1;
	v0 =	vld [tilespmem:s25+$0x162]  }
0x85: {  	[tilespmem:s24+$0x10] =	vst v4;
	v1 =	vld [tilespmem:s25+$0xFFFFFF62]  }
0x86: {  	[tilespmem:s24+$0xFFFFFE50] =	vst v5;
	v4 =	vld [tilespmem:s23+$0x20]  }
0x87: {  	v5 =	vld [tilespmem:s23+$0xFFFFFE20];
	[tilespmem:s21+$0xA8] =	vst v2  }
0x88: {  	[tilespmem:s21+$0xFFFFFEE8] =	vst v3;
	v2 =	vld [tilespmem:s22+$0xD0]  }
0x89: {  	v3 =	vld [tilespmem:s22+$0xFFFFFED0];
	[tilespmem:s19+$0x13A] =	vst v0  }
0x8a: {  	[tilespmem:s19+$0xFFFFFF7A] =	vst v1;
	v0 =	vld [tilespmem:s25+$0x180]  }
0x8b: {  	[tilespmem:s24+$0x20] =	vst v4;
	v1 =	vld [tilespmem:s25+$0xFFFFFF80]  }
0x8c: {  	[tilespmem:s24+$0xFFFFFE60] =	vst v5;
	v4 =	vld [tilespmem:s23+$0x22]  }
0x8d: {  	v5 =	vld [tilespmem:s23+$0xFFFFFE22];
	[tilespmem:s21+$0xB8] =	vst v2  }
0x8e: {  	[tilespmem:s21+$0xFFFFFEF8] =	vst v3;
	v2 =	vld [tilespmem:s22+$0xE0]  }
0x8f: {  	v3 =	vld [tilespmem:s22+$0xFFFFFEE0];
	[tilespmem:s19+$0x150] =	vst v0  }
0x90: {  	[tilespmem:s19+$0xFFFFFF90] =	vst v1;
	v0 =	vld [tilespmem:s25+$0x190]  }
0x91: {  	[tilespmem:s24+$0x22] =	vst v4;
	v1 =	vld [tilespmem:s25+$0xFFFFFF90]  }
0x92: {  	[tilespmem:s24+$0xFFFFFE62] =	vst v5;
	v4 =	vld [tilespmem:s23+$0x40]  }
0x93: {  	v5 =	vld [tilespmem:s23+$0xFFFFFE40];
	[tilespmem:s21+$0xC8] =	vst v2  }
0x94: {  	[tilespmem:s21+$0xFFFFFF08] =	vst v3;
	v2 =	vld [tilespmem:s22+$0xE2]  }
0x95: {  	v3 =	vld [tilespmem:s22+$0xFFFFFEE2];
	[tilespmem:s19+$0x160] =	vst v0  }
0x96: {  	[tilespmem:s19+$0xFFFFFFA0] =	vst v1;
	v0 =	vld [tilespmem:s25+$0x1A0]  }
0x97: {  	[tilespmem:s24+$0x38] =	vst v4;
	v1 =	vld [tilespmem:s25+$0xFFFFFFA0]  }
0x98: {  	[tilespmem:s24+$0xFFFFFE78] =	vst v5;
	v4 =	vld [tilespmem:s23+$0x50]  }
0x99: {  	v5 =	vld [tilespmem:s23+$0xFFFFFE50];
	[tilespmem:s21+$0xCA] =	vst v2  }
0x9a: {  	[tilespmem:s21+$0xFFFFFF0A] =	vst v3;
	v2 =	vld [tilespmem:s22+$0x100]  }
0x9b: {  	v3 =	vld [tilespmem:s22+$0xFFFFFF00];
	[tilespmem:s19+$0x170] =	vst v0  }
0x9c: {  	[tilespmem:s19+$0xFFFFFFB0] =	vst v1;
	v0 =	vld [tilespmem:s25+$0x1A2]  }
0x9d: {  	[tilespmem:s24+$0x48] =	vst v4;
	v1 =	vld [tilespmem:s25+$0xFFFFFFA2]  }
0x9e: {  	[tilespmem:s24+$0xFFFFFE88] =	vst v5;
	v4 =	vld [tilespmem:s23+$0x60]  }
0x9f: {  	v5 =	vld [tilespmem:s23+$0xFFFFFE60];
	[tilespmem:s21+$0xE0] =	vst v2  }
0xa0: {  	[tilespmem:s21+$0xFFFFFF20] =	vst v3;
	v2 =	vld [tilespmem:s22+$0x110]  }
0xa1: {  	v3 =	vld [tilespmem:s22+$0xFFFFFF10];
	[tilespmem:s19+$0x172] =	vst v0  }
0xa2: {  	[tilespmem:s19+$0xFFFFFFB2] =	vst v1;
	v0 =	vld [tilespmem:s25+$0x1C0]  }
0xa3: {  	[tilespmem:s24+$0x58] =	vst v4;
	v1 =	vld [tilespmem:s25+$0xFFFFFFC0]  }
0xa4: {  	[tilespmem:s24+$0xFFFFFE98] =	vst v5;
	v4 =	vld [tilespmem:s23+$0x62]  }
0xa5: {  	v5 =	vld [tilespmem:s23+$0xFFFFFE62];
	[tilespmem:s21+$0xF0] =	vst v2  }
0xa6: {  	[tilespmem:s21+$0xFFFFFF30] =	vst v3;
	v2 =	vld [tilespmem:s22+$0x120]  }
0xa7: {  	v3 =	vld [tilespmem:s22+$0xFFFFFF20];
	[tilespmem:s19+$0x188] =	vst v0  }
0xa8: {  	[tilespmem:s19+$0xFFFFFFC8] =	vst v1;
	v0 =	vld [tilespmem:s25+$0x1D0]  }
0xa9: {  	[tilespmem:s24+$0x5A] =	vst v4;
	v1 =	vld [tilespmem:s25+$0xFFFFFFD0]  }
0xaa: {  	[tilespmem:s24+$0xFFFFFE9A] =	vst v5;
	v4 =	vld [tilespmem:s23+$0x80]  }
0xab: {  	v5 =	vld [tilespmem:s23+$0xFFFFFE80];
	[tilespmem:s21+$0x100] =	vst v2  }
0xac: {  	[tilespmem:s21+$0xFFFFFF40] =	vst v3;
	v2 =	vld [tilespmem:s22+$0x122]  }
0xad: {  	v3 =	vld [tilespmem:s22+$0xFFFFFF22];
	[tilespmem:s19+$0x198] =	vst v0  }
0xae: {  	[tilespmem:s19+$0xFFFFFFD8] =	vst v1;
	v0 =	vld [tilespmem:s25+$0x1E0]  }
0xaf: {  	[tilespmem:s24+$0x70] =	vst v4;
	v1 =	vld [tilespmem:s25+$0xFFFFFFE0]  }
0xb0: {  	[tilespmem:s24+$0xFFFFFEB0] =	vst v5;
	v4 =	vld [tilespmem:s23+$0x90]  }
0xb1: {  	v5 =	vld [tilespmem:s23+$0xFFFFFE90];
	[tilespmem:s21+$0x102] =	vst v2  }
0xb2: {  	[tilespmem:s21+$0xFFFFFF42] =	vst v3;
	v2 =	vld [tilespmem:s22+$0x140]  }
0xb3: {  	v6 =	vld [tilespmem:s22+$0xFFFFFF40];
	[tilespmem:s19+$0x1A8] =	vst v0  }
0xb4: {  	[tilespmem:s19+$0xFFFFFFE8] =	vst v1;
	v7 =	vld [tilespmem:s25+$0x1E2]  }
0xb5: {  	[tilespmem:s24+$0x80] =	vst v4;
	v0 =	vld [tilespmem:s25+$0xFFFFFFE2]  }
0xb6: {  	[tilespmem:s24+$0xFFFFFEC0] =	vst v5;
	v3 =	vld [tilespmem:s23+$0xA0]  }
0xb7: {  	v4 =	vld [tilespmem:s23+$0xFFFFFEA0];
	[tilespmem:s21+$0x118] =	vst v2  }
0xb8: {  	[tilespmem:s21+$0xFFFFFF58] =	vst v6;
	v1 =	vld [tilespmem:s22+$0x150]  }
0xb9: {  	s26 =	simm.s32 $0x25A8;
	v2 =	vld [tilespmem:s22+$0xFFFFFF50];
	s25 =	simm.s32 $0x4;
	[tilespmem:s19+$0x1AA] =	vst v7  }
.LBB2_3:
0xba: {  	v5 =	vld [tilespmem:s26+$0x0];
	s25 =	sadd.s32 $0x2, s25;
	[tilespmem:s19+$0xFFFFFFEA] =	vst v0;
	s19 =	smov.u32 s21;
	s21 =	smov.u32 s24  }
0xbb: {  	v0 =	vld [tilespmem:s26+$0xFFFFFE00];
	p1 =	slt.u32 s25, $0x3E;
	[tilespmem:s24+$0x90] =	vst v3  }
0xbc: {  	[tilespmem:s24+$0xFFFFFED0] =	vst v4;
	v3 =	vld [tilespmem:s23+$0xA2]  }
0xbd: {  	v4 =	vld [tilespmem:s23+$0xFFFFFEA2];
	[tilespmem:s19+$0x128] =	vst v1  }
0xbe: {  	s24 =	sadd.s32 $0x380, s24;
	[tilespmem:s19+$0xFFFFFF68] =	vst v2;
	v1 =	vld [tilespmem:s22+$0x160]  }
0xbf: {  	[tilespmem:s24+$0x0] =	vst v5;
	v2 =	vld [tilespmem:s22+$0xFFFFFF60]  }
0xc0: {  	[tilespmem:s24+$0xFFFFFE40] =	vst v0;
	v0 =	vld [tilespmem:s26+$0x10]  }
0xc1: {  	v5 =	vld [tilespmem:s26+$0xFFFFFE10];
	[tilespmem:s21+$0x92] =	vst v3  }
0xc2: {  	[tilespmem:s21+$0xFFFFFED2] =	vst v4;
	v3 =	vld [tilespmem:s23+$0xC0]  }
0xc3: {  	v4 =	vld [tilespmem:s23+$0xFFFFFEC0];
	[tilespmem:s19+$0x138] =	vst v1  }
0xc4: {  	[tilespmem:s19+$0xFFFFFF78] =	vst v2;
	v1 =	vld [tilespmem:s22+$0x162]  }
0xc5: {  	[tilespmem:s24+$0x10] =	vst v0;
	v0 =	vld [tilespmem:s22+$0xFFFFFF62]  }
0xc6: {  	[tilespmem:s24+$0xFFFFFE50] =	vst v5;
	v2 =	vld [tilespmem:s26+$0x20]  }
0xc7: {  	v5 =	vld [tilespmem:s26+$0xFFFFFE20];
	[tilespmem:s21+$0xA8] =	vst v3  }
0xc8: {  	[tilespmem:s21+$0xFFFFFEE8] =	vst v4;
	v3 =	vld [tilespmem:s23+$0xD0]  }
0xc9: {  	v4 =	vld [tilespmem:s23+$0xFFFFFED0];
	[tilespmem:s19+$0x13A] =	vst v1  }
0xca: {  	[tilespmem:s19+$0xFFFFFF7A] =	vst v0;
	v0 =	vld [tilespmem:s22+$0x180]  }
0xcb: {  	[tilespmem:s24+$0x20] =	vst v2;
	v1 =	vld [tilespmem:s22+$0xFFFFFF80]  }
0xcc: {  	[tilespmem:s24+$0xFFFFFE60] =	vst v5;
	v2 =	vld [tilespmem:s26+$0x22]  }
0xcd: {  	v5 =	vld [tilespmem:s26+$0xFFFFFE22];
	[tilespmem:s21+$0xB8] =	vst v3  }
0xce: {  	[tilespmem:s21+$0xFFFFFEF8] =	vst v4;
	v3 =	vld [tilespmem:s23+$0xE0]  }
0xcf: {  	v4 =	vld [tilespmem:s23+$0xFFFFFEE0];
	[tilespmem:s19+$0x150] =	vst v0  }
0xd0: {  	[tilespmem:s19+$0xFFFFFF90] =	vst v1;
	v0 =	vld [tilespmem:s22+$0x190]  }
0xd1: {  	[tilespmem:s24+$0x22] =	vst v2;
	v1 =	vld [tilespmem:s22+$0xFFFFFF90]  }
0xd2: {  	[tilespmem:s24+$0xFFFFFE62] =	vst v5;
	v2 =	vld [tilespmem:s26+$0x40]  }
0xd3: {  	v5 =	vld [tilespmem:s26+$0xFFFFFE40];
	[tilespmem:s21+$0xC8] =	vst v3  }
0xd4: {  	[tilespmem:s21+$0xFFFFFF08] =	vst v4;
	v3 =	vld [tilespmem:s23+$0xE2]  }
0xd5: {  	v4 =	vld [tilespmem:s23+$0xFFFFFEE2];
	[tilespmem:s19+$0x160] =	vst v0  }
0xd6: {  	[tilespmem:s19+$0xFFFFFFA0] =	vst v1;
	v0 =	vld [tilespmem:s22+$0x1A0]  }
0xd7: {  	[tilespmem:s24+$0x38] =	vst v2;
	v1 =	vld [tilespmem:s22+$0xFFFFFFA0]  }
0xd8: {  	[tilespmem:s24+$0xFFFFFE78] =	vst v5;
	v2 =	vld [tilespmem:s26+$0x50]  }
0xd9: {  	v5 =	vld [tilespmem:s26+$0xFFFFFE50];
	[tilespmem:s21+$0xCA] =	vst v3  }
0xda: {  	[tilespmem:s21+$0xFFFFFF0A] =	vst v4;
	v3 =	vld [tilespmem:s23+$0x100]  }
0xdb: {  	v4 =	vld [tilespmem:s23+$0xFFFFFF00];
	[tilespmem:s19+$0x170] =	vst v0  }
0xdc: {  	[tilespmem:s19+$0xFFFFFFB0] =	vst v1;
	v0 =	vld [tilespmem:s22+$0x1A2]  }
0xdd: {  	[tilespmem:s24+$0x48] =	vst v2;
	v1 =	vld [tilespmem:s22+$0xFFFFFFA2]  }
0xde: {  	[tilespmem:s24+$0xFFFFFE88] =	vst v5;
	v2 =	vld [tilespmem:s26+$0x60]  }
0xdf: {  	v5 =	vld [tilespmem:s26+$0xFFFFFE60];
	[tilespmem:s21+$0xE0] =	vst v3  }
0xe0: {  	[tilespmem:s21+$0xFFFFFF20] =	vst v4;
	v3 =	vld [tilespmem:s23+$0x110]  }
0xe1: {  	v4 =	vld [tilespmem:s23+$0xFFFFFF10];
	[tilespmem:s19+$0x172] =	vst v0  }
0xe2: {  	[tilespmem:s19+$0xFFFFFFB2] =	vst v1;
	v0 =	vld [tilespmem:s22+$0x1C0]  }
0xe3: {  	[tilespmem:s24+$0x58] =	vst v2;
	v1 =	vld [tilespmem:s22+$0xFFFFFFC0]  }
0xe4: {  	[tilespmem:s24+$0xFFFFFE98] =	vst v5;
	v2 =	vld [tilespmem:s26+$0x62]  }
0xe5: {  	v5 =	vld [tilespmem:s26+$0xFFFFFE62];
	[tilespmem:s21+$0xF0] =	vst v3  }
0xe6: {  	[tilespmem:s21+$0xFFFFFF30] =	vst v4;
	v3 =	vld [tilespmem:s23+$0x120]  }
0xe7: {  	v4 =	vld [tilespmem:s23+$0xFFFFFF20];
	[tilespmem:s19+$0x188] =	vst v0  }
0xe8: {  	[tilespmem:s19+$0xFFFFFFC8] =	vst v1;
	v0 =	vld [tilespmem:s22+$0x1D0]  }
0xe9: {  	[tilespmem:s24+$0x5A] =	vst v2;
	v1 =	vld [tilespmem:s22+$0xFFFFFFD0]  }
0xea: {  	[tilespmem:s24+$0xFFFFFE9A] =	vst v5;
	v2 =	vld [tilespmem:s26+$0x80]  }
0xeb: {  	v5 =	vld [tilespmem:s26+$0xFFFFFE80];
	[tilespmem:s21+$0x100] =	vst v3  }
0xec: {  	[tilespmem:s21+$0xFFFFFF40] =	vst v4;
	v3 =	vld [tilespmem:s23+$0x122]  }
0xed: {  	v4 =	vld [tilespmem:s23+$0xFFFFFF22];
	[tilespmem:s19+$0x198] =	vst v0  }
0xee: {  	[tilespmem:s19+$0xFFFFFFD8] =	vst v1;
	v0 =	vld [tilespmem:s22+$0x1E0]  }
0xef: {  	[tilespmem:s24+$0x70] =	vst v2;
	v1 =	vld [tilespmem:s22+$0xFFFFFFE0]  }
0xf0: {  	[tilespmem:s24+$0xFFFFFEB0] =	vst v5;
	v2 =	vld [tilespmem:s26+$0x90]  }
0xf1: {  	v5 =	vld [tilespmem:s26+$0xFFFFFE90];
	[tilespmem:s21+$0x102] =	vst v3  }
0xf2: {  	[tilespmem:s21+$0xFFFFFF42] =	vst v4;
	v6 =	vld [tilespmem:s23+$0x140]  }
0xf3: {  	v7 =	vld [tilespmem:s23+$0xFFFFFF40];
	[tilespmem:s19+$0x1A8] =	vst v0  }
0xf4: {  	[tilespmem:s19+$0xFFFFFFE8] =	vst v1;
	v8 =	vld [tilespmem:s22+$0x1E2]  }
.Ltmp0:
0xf5: {  	[tilespmem:s24+$0x80] =	vst v2;
	v0 =	vld [tilespmem:s22+$0xFFFFFFE2];
	s22 =	smov.u32 s23;
	s23 =	smov.u32 s26;
	(pc) =	sbr.rel @p1 .LBB2_3-.Ltmp0, $4  }
0xf6: {  	[tilespmem:s24+$0xFFFFFEC0] =	vst v5;
	v3 =	vld [tilespmem:s26+$0xA0]  }
0xf7: {  	v4 =	vld [tilespmem:s26+$0xFFFFFEA0];
	[tilespmem:s21+$0x118] =	vst v6  }
0xf8: {  	[tilespmem:s21+$0xFFFFFF58] =	vst v7;
	v1 =	vld [tilespmem:s22+$0x150]  }
0xf9: {  	s26 =	sadd.s32 $0x400, s26;
	v2 =	vld [tilespmem:s22+$0xFFFFFF50];
	[tilespmem:s19+$0x1AA] =	vst v8  }
0xfa: {  	_ = 	snop  }
0xfb: {  	[tilespmem:s24+$0x90] =	vst v3  }
0xfc: {  	[tilespmem:s24+$0xFFFFFED0] =	vst v4;
	v3 =	vld [tilespmem:s23+$0xA2]  }
0xfd: {  	v4 =	vld [tilespmem:s23+$0xFFFFFEA2];
	_ =	sdelay $0x3  }
0xfe: {  	[tilespmem:s24+$0x92] =	vst v3  }
0xff: {  	[tilespmem:s24+$0xFFFFFED2] =	vst v4;
	v3 =	vld [tilespmem:s23+$0xC0]  }
0x100: {  	v4 =	vld [tilespmem:s23+$0xFFFFFEC0];
	_ =	sdelay $0x3  }
0x101: {  	[tilespmem:s24+$0xA8] =	vst v3  }
0x102: {  	[tilespmem:s24+$0xFFFFFEE8] =	vst v4;
	v3 =	vld [tilespmem:s23+$0xD0]  }
0x103: {  	v4 =	vld [tilespmem:s23+$0xFFFFFED0];
	_ =	sdelay $0x3  }
0x104: {  	[tilespmem:s24+$0xB8] =	vst v3  }
0x105: {  	[tilespmem:s24+$0xFFFFFEF8] =	vst v4;
	v3 =	vld [tilespmem:s23+$0xE0]  }
0x106: {  	v4 =	vld [tilespmem:s23+$0xFFFFFEE0];
	_ =	sdelay $0x3  }
0x107: {  	[tilespmem:s24+$0xC8] =	vst v3  }
0x108: {  	[tilespmem:s24+$0xFFFFFF08] =	vst v4;
	v3 =	vld [tilespmem:s23+$0xE2]  }
0x109: {  	v4 =	vld [tilespmem:s23+$0xFFFFFEE2];
	_ =	sdelay $0x3  }
0x10a: {  	[tilespmem:s24+$0xCA] =	vst v3  }
0x10b: {  	[tilespmem:s24+$0xFFFFFF0A] =	vst v4;
	v3 =	vld [tilespmem:s23+$0x100]  }
0x10c: {  	v4 =	vld [tilespmem:s23+$0xFFFFFF00];
	_ =	sdelay $0x3  }
0x10d: {  	[tilespmem:s24+$0xE0] =	vst v3  }
0x10e: {  	[tilespmem:s24+$0xFFFFFF20] =	vst v4;
	v3 =	vld [tilespmem:s23+$0x110]  }
0x10f: {  	v4 =	vld [tilespmem:s23+$0xFFFFFF10];
	_ =	sdelay $0x3  }
0x110: {  	[tilespmem:s24+$0xF0] =	vst v3  }
0x111: {  	[tilespmem:s24+$0xFFFFFF30] =	vst v4;
	v3 =	vld [tilespmem:s23+$0x120]  }
0x112: {  	v4 =	vld [tilespmem:s23+$0xFFFFFF20];
	_ =	sdelay $0x3  }
0x113: {  	[tilespmem:s24+$0x100] =	vst v3  }
0x114: {  	[tilespmem:s24+$0xFFFFFF40] =	vst v4;
	v3 =	vld [tilespmem:s23+$0x122]  }
0x115: {  	v4 =	vld [tilespmem:s23+$0xFFFFFF22];
	_ =	sdelay $0x3  }
0x116: {  	[tilespmem:s24+$0x102] =	vst v3  }
0x117: {  	[tilespmem:s24+$0xFFFFFF42] =	vst v4;
	v3 =	vld [tilespmem:s23+$0x140]  }
0x118: {  	v4 =	vld [tilespmem:s23+$0xFFFFFF40];
	_ =	sdelay $0x3  }
0x119: {  	[tilespmem:s24+$0x118] =	vst v3  }
0x11a: {  	[tilespmem:s24+$0xFFFFFF58] =	vst v4;
	v3 =	vld [tilespmem:s23+$0x150]  }
0x11b: {  	v4 =	vld [tilespmem:s23+$0xFFFFFF50];
	_ =	sdelay $0x1  }
0x11c: {  	[tilespmem:s21+$0x128] =	vst v1  }
0x11d: {  	[tilespmem:s21+$0xFFFFFF68] =	vst v2;
	v1 =	vld [tilespmem:s22+$0x160]  }
0x11e: {  	v2 =	vld [tilespmem:s22+$0xFFFFFF60];
	[tilespmem:s24+$0x128] =	vst v3  }
0x11f: {  	[tilespmem:s24+$0xFFFFFF68] =	vst v4;
	v3 =	vld [tilespmem:s23+$0x160]  }
0x120: {  	v4 =	vld [tilespmem:s23+$0xFFFFFF60];
	_ =	sdelay $0x1  }
0x121: {  	[tilespmem:s21+$0x138] =	vst v1  }
0x122: {  	[tilespmem:s21+$0xFFFFFF78] =	vst v2;
	v1 =	vld [tilespmem:s22+$0x162]  }
0x123: {  	v2 =	vld [tilespmem:s22+$0xFFFFFF62];
	[tilespmem:s24+$0x138] =	vst v3  }
0x124: {  	[tilespmem:s24+$0xFFFFFF78] =	vst v4;
	v3 =	vld [tilespmem:s23+$0x162]  }
0x125: {  	v4 =	vld [tilespmem:s23+$0xFFFFFF62];
	_ =	sdelay $0x1  }
0x126: {  	[tilespmem:s21+$0x13A] =	vst v1  }
0x127: {  	[tilespmem:s21+$0xFFFFFF7A] =	vst v2;
	v1 =	vld [tilespmem:s22+$0x180]  }
0x128: {  	v2 =	vld [tilespmem:s22+$0xFFFFFF80];
	[tilespmem:s24+$0x13A] =	vst v3  }
0x129: {  	[tilespmem:s24+$0xFFFFFF7A] =	vst v4;
	v3 =	vld [tilespmem:s23+$0x180]  }
0x12a: {  	v4 =	vld [tilespmem:s23+$0xFFFFFF80];
	_ =	sdelay $0x1  }
0x12b: {  	[tilespmem:s21+$0x150] =	vst v1  }
0x12c: {  	[tilespmem:s21+$0xFFFFFF90] =	vst v2;
	v1 =	vld [tilespmem:s22+$0x190]  }
0x12d: {  	v2 =	vld [tilespmem:s22+$0xFFFFFF90];
	[tilespmem:s24+$0x150] =	vst v3  }
0x12e: {  	[tilespmem:s24+$0xFFFFFF90] =	vst v4;
	v3 =	vld [tilespmem:s23+$0x190]  }
0x12f: {  	v4 =	vld [tilespmem:s23+$0xFFFFFF90];
	_ =	sdelay $0x1  }
0x130: {  	[tilespmem:s21+$0x160] =	vst v1  }
0x131: {  	[tilespmem:s21+$0xFFFFFFA0] =	vst v2;
	v1 =	vld [tilespmem:s22+$0x1A0]  }
0x132: {  	v2 =	vld [tilespmem:s22+$0xFFFFFFA0];
	[tilespmem:s24+$0x160] =	vst v3  }
0x133: {  	[tilespmem:s24+$0xFFFFFFA0] =	vst v4;
	v3 =	vld [tilespmem:s23+$0x1A0]  }
0x134: {  	v4 =	vld [tilespmem:s23+$0xFFFFFFA0];
	_ =	sdelay $0x1  }
0x135: {  	[tilespmem:s21+$0x170] =	vst v1  }
0x136: {  	[tilespmem:s21+$0xFFFFFFB0] =	vst v2;
	v1 =	vld [tilespmem:s22+$0x1A2]  }
0x137: {  	v2 =	vld [tilespmem:s22+$0xFFFFFFA2];
	[tilespmem:s24+$0x170] =	vst v3  }
0x138: {  	[tilespmem:s24+$0xFFFFFFB0] =	vst v4;
	v3 =	vld [tilespmem:s23+$0x1A2]  }
0x139: {  	v4 =	vld [tilespmem:s23+$0xFFFFFFA2];
	_ =	sdelay $0x1  }
0x13a: {  	[tilespmem:s21+$0x172] =	vst v1  }
0x13b: {  	[tilespmem:s21+$0xFFFFFFB2] =	vst v2;
	v1 =	vld [tilespmem:s22+$0x1C0]  }
0x13c: {  	v2 =	vld [tilespmem:s22+$0xFFFFFFC0];
	[tilespmem:s24+$0x172] =	vst v3  }
0x13d: {  	[tilespmem:s24+$0xFFFFFFB2] =	vst v4;
	v3 =	vld [tilespmem:s23+$0x1C0]  }
0x13e: {  	v4 =	vld [tilespmem:s23+$0xFFFFFFC0];
	_ =	sdelay $0x1  }
0x13f: {  	[tilespmem:s21+$0x188] =	vst v1  }
0x140: {  	[tilespmem:s21+$0xFFFFFFC8] =	vst v2;
	v1 =	vld [tilespmem:s22+$0x1D0]  }
0x141: {  	v2 =	vld [tilespmem:s22+$0xFFFFFFD0];
	[tilespmem:s24+$0x188] =	vst v3  }
0x142: {  	[tilespmem:s24+$0xFFFFFFC8] =	vst v4;
	v3 =	vld [tilespmem:s23+$0x1D0]  }
0x143: {  	v4 =	vld [tilespmem:s23+$0xFFFFFFD0];
	_ =	sdelay $0x1  }
0x144: {  	[tilespmem:s21+$0x198] =	vst v1  }
0x145: {  	[tilespmem:s21+$0xFFFFFFD8] =	vst v2;
	v1 =	vld [tilespmem:s22+$0x1E0]  }
0x146: {  	v2 =	vld [tilespmem:s22+$0xFFFFFFE0];
	[tilespmem:s24+$0x198] =	vst v3  }
0x147: {  	[tilespmem:s24+$0xFFFFFFD8] =	vst v4;
	v3 =	vld [tilespmem:s23+$0x1E0]  }
0x148: {  	v4 =	vld [tilespmem:s23+$0xFFFFFFE0];
	_ =	sdelay $0x1  }
0x149: {  	[tilespmem:s21+$0x1A8] =	vst v1  }
0x14a: {  	[tilespmem:s21+$0xFFFFFFE8] =	vst v2;
	v1 =	vld [tilespmem:s22+$0x1E2]  }
0x14b: {  	v2 =	vld [tilespmem:s22+$0xFFFFFFE2];
	[tilespmem:s24+$0x1A8] =	vst v3  }
0x14c: {  	[tilespmem:s24+$0xFFFFFFE8] =	vst v4;
	v3 =	vld [tilespmem:s23+$0x1E2]  }
0x14d: {  	v4 =	vld [tilespmem:s23+$0xFFFFFFE2]  }
0x14e: {  	[tilespmem:s19+$0xFFFFFFEA] =	vst v0  }
0x14f: {  	s31 =	sadd.s32 s4, s20;
	[tilespmem:s21+$0x1AA] =	vst v1  }
0x150: {  	s19 =	smul.u32 $0x7, s31;
	[tilespmem:s21+$0xFFFFFFEA] =	vst v2  }
0x151: {  	[tilespmem:s24+$0x1AA] =	vst v3  }
0x152: {  	s19 =	sadd.s32 s5, s19;
	[tilespmem:s24+$0xFFFFFFEA] =	vst v4  }
0x153: {  	[hbm4b:s19+s2] =	stream.linear.scatter [tilespmem:s14], [sflag:$0x1], $0x7000, $0x38;
	[tilespmem:$0x1F7A8] =	vst v63  }
0x154: {  	_ =	swait.ge [sflag:s12], $0x7000  }
0x155: {  	[sflag:s12] =	ssyncset.done $0x0  }
0x156: {  	s25 =	simm.s32 $0x99A8;
	[sflag:s12] =	ssyncadd.s32 $0xFFFF9000  }
0x157: {  	v0 =	vld [tilespmem:s25+$0x0]  }
0x158: {  	v1 =	vld [tilespmem:s25+$0xFFFFFE00];
	_ =	sdelay $0x2  }
0x159: {  	s19 =	simm.s32 $0x18968  }
0x15a: {  	[tilespmem:s19+$0x0] =	vst v0  }
0x15b: {  	[tilespmem:s19+$0xFFFFFE40] =	vst v1;
	v0 =	vld [tilespmem:s25+$0x10]  }
0x15c: {  	v1 =	vld [tilespmem:s25+$0xFFFFFE10];
	_ =	sdelay $0x3  }
0x15d: {  	[tilespmem:s19+$0x10] =	vst v0  }
0x15e: {  	[tilespmem:s19+$0xFFFFFE50] =	vst v1;
	v0 =	vld [tilespmem:s25+$0x20]  }
0x15f: {  	v1 =	vld [tilespmem:s25+$0xFFFFFE20];
	_ =	sdelay $0x3  }
0x160: {  	[tilespmem:s19+$0x20] =	vst v0  }
0x161: {  	[tilespmem:s19+$0xFFFFFE60] =	vst v1;
	v0 =	vld [tilespmem:s25+$0x22]  }
0x162: {  	v1 =	vld [tilespmem:s25+$0xFFFFFE22];
	_ =	sdelay $0x3  }
0x163: {  	[tilespmem:s19+$0x22] =	vst v0  }
0x164: {  	[tilespmem:s19+$0xFFFFFE62] =	vst v1;
	v0 =	vld [tilespmem:s25+$0x40]  }
0x165: {  	v1 =	vld [tilespmem:s25+$0xFFFFFE40];
	_ =	sdelay $0x3  }
0x166: {  	[tilespmem:s19+$0x38] =	vst v0  }
0x167: {  	[tilespmem:s19+$0xFFFFFE78] =	vst v1;
	v0 =	vld [tilespmem:s25+$0x50]  }
0x168: {  	v1 =	vld [tilespmem:s25+$0xFFFFFE50];
	_ =	sdelay $0x3  }
0x169: {  	[tilespmem:s19+$0x48] =	vst v0  }
0x16a: {  	[tilespmem:s19+$0xFFFFFE88] =	vst v1;
	v0 =	vld [tilespmem:s25+$0x60]  }
0x16b: {  	v1 =	vld [tilespmem:s25+$0xFFFFFE60];
	_ =	sdelay $0x3  }
0x16c: {  	[tilespmem:s19+$0x58] =	vst v0  }
0x16d: {  	[tilespmem:s19+$0xFFFFFE98] =	vst v1;
	v0 =	vld [tilespmem:s25+$0x62]  }
0x16e: {  	v1 =	vld [tilespmem:s25+$0xFFFFFE62];
	_ =	sdelay $0x3  }
0x16f: {  	[tilespmem:s19+$0x5A] =	vst v0  }
0x170: {  	[tilespmem:s19+$0xFFFFFE9A] =	vst v1;
	v0 =	vld [tilespmem:s25+$0x80]  }
0x171: {  	v1 =	vld [tilespmem:s25+$0xFFFFFE80];
	_ =	sdelay $0x3  }
0x172: {  	[tilespmem:s19+$0x70] =	vst v0  }
0x173: {  	[tilespmem:s19+$0xFFFFFEB0] =	vst v1;
	v0 =	vld [tilespmem:s25+$0x90]  }
0x174: {  	v1 =	vld [tilespmem:s25+$0xFFFFFE90];
	_ =	sdelay $0x3  }
0x175: {  	[tilespmem:s19+$0x80] =	vst v0  }
0x176: {  	[tilespmem:s19+$0xFFFFFEC0] =	vst v1;
	v0 =	vld [tilespmem:s25+$0xA0]  }
0x177: {  	v1 =	vld [tilespmem:s25+$0xFFFFFEA0];
	_ =	sdelay $0x1  }
0x178: {  	s22 =	simm.s32 $0x9DA8  }
0x179: {  	v2 =	vld [tilespmem:s22+$0x0]  }
0x17a: {  	v3 =	vld [tilespmem:s22+$0xFFFFFE00];
	[tilespmem:s19+$0x90] =	vst v0  }
0x17b: {  	[tilespmem:s19+$0xFFFFFED0] =	vst v1;
	v0 =	vld [tilespmem:s25+$0xA2]  }
0x17c: {  	v1 =	vld [tilespmem:s25+$0xFFFFFEA2]  }
0x17d: {  	s21 =	simm.s32 $0x18CE8  }
0x17e: {  	[tilespmem:s21+$0x0] =	vst v2  }
0x17f: {  	[tilespmem:s21+$0xFFFFFE40] =	vst v3;
	v2 =	vld [tilespmem:s22+$0x10]  }
0x180: {  	v3 =	vld [tilespmem:s22+$0xFFFFFE10];
	[tilespmem:s19+$0x92] =	vst v0  }
0x181: {  	[tilespmem:s19+$0xFFFFFED2] =	vst v1;
	v0 =	vld [tilespmem:s25+$0xC0]  }
0x182: {  	v1 =	vld [tilespmem:s25+$0xFFFFFEC0];
	_ =	sdelay $0x1  }
0x183: {  	[tilespmem:s21+$0x10] =	vst v2  }
0x184: {  	[tilespmem:s21+$0xFFFFFE50] =	vst v3;
	v2 =	vld [tilespmem:s22+$0x20]  }
0x185: {  	v3 =	vld [tilespmem:s22+$0xFFFFFE20];
	[tilespmem:s19+$0xA8] =	vst v0  }
0x186: {  	[tilespmem:s19+$0xFFFFFEE8] =	vst v1;
	v0 =	vld [tilespmem:s25+$0xD0]  }
0x187: {  	v1 =	vld [tilespmem:s25+$0xFFFFFED0];
	_ =	sdelay $0x1  }
0x188: {  	[tilespmem:s21+$0x20] =	vst v2  }
0x189: {  	[tilespmem:s21+$0xFFFFFE60] =	vst v3;
	v2 =	vld [tilespmem:s22+$0x22]  }
0x18a: {  	v3 =	vld [tilespmem:s22+$0xFFFFFE22];
	[tilespmem:s19+$0xB8] =	vst v0  }
0x18b: {  	[tilespmem:s19+$0xFFFFFEF8] =	vst v1;
	v0 =	vld [tilespmem:s25+$0xE0]  }
0x18c: {  	v1 =	vld [tilespmem:s25+$0xFFFFFEE0];
	_ =	sdelay $0x1  }
0x18d: {  	[tilespmem:s21+$0x22] =	vst v2  }
0x18e: {  	[tilespmem:s21+$0xFFFFFE62] =	vst v3;
	v2 =	vld [tilespmem:s22+$0x40]  }
0x18f: {  	v3 =	vld [tilespmem:s22+$0xFFFFFE40];
	[tilespmem:s19+$0xC8] =	vst v0  }
0x190: {  	[tilespmem:s19+$0xFFFFFF08] =	vst v1;
	v0 =	vld [tilespmem:s25+$0xE2]  }
0x191: {  	v1 =	vld [tilespmem:s25+$0xFFFFFEE2];
	_ =	sdelay $0x1  }
0x192: {  	[tilespmem:s21+$0x38] =	vst v2  }
0x193: {  	[tilespmem:s21+$0xFFFFFE78] =	vst v3;
	v2 =	vld [tilespmem:s22+$0x50]  }
0x194: {  	v3 =	vld [tilespmem:s22+$0xFFFFFE50];
	[tilespmem:s19+$0xCA] =	vst v0  }
0x195: {  	[tilespmem:s19+$0xFFFFFF0A] =	vst v1;
	v0 =	vld [tilespmem:s25+$0x100]  }
0x196: {  	v1 =	vld [tilespmem:s25+$0xFFFFFF00];
	_ =	sdelay $0x1  }
0x197: {  	[tilespmem:s21+$0x48] =	vst v2  }
0x198: {  	[tilespmem:s21+$0xFFFFFE88] =	vst v3;
	v2 =	vld [tilespmem:s22+$0x60]  }
0x199: {  	v3 =	vld [tilespmem:s22+$0xFFFFFE60];
	[tilespmem:s19+$0xE0] =	vst v0  }
0x19a: {  	[tilespmem:s19+$0xFFFFFF20] =	vst v1;
	v0 =	vld [tilespmem:s25+$0x110]  }
0x19b: {  	v1 =	vld [tilespmem:s25+$0xFFFFFF10];
	_ =	sdelay $0x1  }
0x19c: {  	[tilespmem:s21+$0x58] =	vst v2  }
0x19d: {  	[tilespmem:s21+$0xFFFFFE98] =	vst v3;
	v2 =	vld [tilespmem:s22+$0x62]  }
0x19e: {  	v3 =	vld [tilespmem:s22+$0xFFFFFE62];
	[tilespmem:s19+$0xF0] =	vst v0  }
0x19f: {  	[tilespmem:s19+$0xFFFFFF30] =	vst v1;
	v0 =	vld [tilespmem:s25+$0x120]  }
0x1a0: {  	v1 =	vld [tilespmem:s25+$0xFFFFFF20];
	_ =	sdelay $0x1  }
0x1a1: {  	[tilespmem:s21+$0x5A] =	vst v2  }
0x1a2: {  	[tilespmem:s21+$0xFFFFFE9A] =	vst v3;
	v2 =	vld [tilespmem:s22+$0x80]  }
0x1a3: {  	v3 =	vld [tilespmem:s22+$0xFFFFFE80];
	[tilespmem:s19+$0x100] =	vst v0  }
0x1a4: {  	[tilespmem:s19+$0xFFFFFF40] =	vst v1;
	v0 =	vld [tilespmem:s25+$0x122]  }
0x1a5: {  	v1 =	vld [tilespmem:s25+$0xFFFFFF22];
	_ =	sdelay $0x1  }
0x1a6: {  	[tilespmem:s21+$0x70] =	vst v2  }
0x1a7: {  	[tilespmem:s21+$0xFFFFFEB0] =	vst v3;
	v2 =	vld [tilespmem:s22+$0x90]  }
0x1a8: {  	v3 =	vld [tilespmem:s22+$0xFFFFFE90];
	[tilespmem:s19+$0x102] =	vst v0  }
0x1a9: {  	[tilespmem:s19+$0xFFFFFF42] =	vst v1;
	v0 =	vld [tilespmem:s25+$0x140]  }
0x1aa: {  	v1 =	vld [tilespmem:s25+$0xFFFFFF40];
	_ =	sdelay $0x1  }
0x1ab: {  	[tilespmem:s21+$0x80] =	vst v2  }
0x1ac: {  	[tilespmem:s21+$0xFFFFFEC0] =	vst v3;
	v2 =	vld [tilespmem:s22+$0xA0]  }
0x1ad: {  	v3 =	vld [tilespmem:s22+$0xFFFFFEA0];
	[tilespmem:s19+$0x118] =	vst v0  }
0x1ae: {  	[tilespmem:s19+$0xFFFFFF58] =	vst v1;
	v0 =	vld [tilespmem:s25+$0x150]  }
0x1af: {  	s23 =	simm.s32 $0xA1A8;
	v1 =	vld [tilespmem:s25+$0xFFFFFF50]  }
0x1b0: {  	v4 =	vld [tilespmem:s23+$0x0]  }
0x1b1: {  	v5 =	vld [tilespmem:s23+$0xFFFFFE00];
	[tilespmem:s21+$0x90] =	vst v2  }
0x1b2: {  	[tilespmem:s21+$0xFFFFFED0] =	vst v3;
	v2 =	vld [tilespmem:s22+$0xA2]  }
0x1b3: {  	v3 =	vld [tilespmem:s22+$0xFFFFFEA2];
	[tilespmem:s19+$0x128] =	vst v0  }
0x1b4: {  	s24 =	simm.s32 $0x19068;
	[tilespmem:s19+$0xFFFFFF68] =	vst v1;
	v0 =	vld [tilespmem:s25+$0x160]  }
0x1b5: {  	[tilespmem:s24+$0x0] =	vst v4;
	v1 =	vld [tilespmem:s25+$0xFFFFFF60]  }
0x1b6: {  	[tilespmem:s24+$0xFFFFFE40] =	vst v5;
	v4 =	vld [tilespmem:s23+$0x10]  }
0x1b7: {  	v5 =	vld [tilespmem:s23+$0xFFFFFE10];
	[tilespmem:s21+$0x92] =	vst v2  }
0x1b8: {  	[tilespmem:s21+$0xFFFFFED2] =	vst v3;
	v2 =	vld [tilespmem:s22+$0xC0]  }
0x1b9: {  	v3 =	vld [tilespmem:s22+$0xFFFFFEC0];
	[tilespmem:s19+$0x138] =	vst v0  }
0x1ba: {  	[tilespmem:s19+$0xFFFFFF78] =	vst v1;
	v0 =	vld [tilespmem:s25+$0x162]  }
0x1bb: {  	[tilespmem:s24+$0x10] =	vst v4;
	v1 =	vld [tilespmem:s25+$0xFFFFFF62]  }
0x1bc: {  	[tilespmem:s24+$0xFFFFFE50] =	vst v5;
	v4 =	vld [tilespmem:s23+$0x20]  }
0x1bd: {  	v5 =	vld [tilespmem:s23+$0xFFFFFE20];
	[tilespmem:s21+$0xA8] =	vst v2  }
0x1be: {  	[tilespmem:s21+$0xFFFFFEE8] =	vst v3;
	v2 =	vld [tilespmem:s22+$0xD0]  }
0x1bf: {  	v3 =	vld [tilespmem:s22+$0xFFFFFED0];
	[tilespmem:s19+$0x13A] =	vst v0  }
0x1c0: {  	[tilespmem:s19+$0xFFFFFF7A] =	vst v1;
	v0 =	vld [tilespmem:s25+$0x180]  }
0x1c1: {  	[tilespmem:s24+$0x20] =	vst v4;
	v1 =	vld [tilespmem:s25+$0xFFFFFF80]  }
0x1c2: {  	[tilespmem:s24+$0xFFFFFE60] =	vst v5;
	v4 =	vld [tilespmem:s23+$0x22]  }
0x1c3: {  	v5 =	vld [tilespmem:s23+$0xFFFFFE22];
	[tilespmem:s21+$0xB8] =	vst v2  }
0x1c4: {  	[tilespmem:s21+$0xFFFFFEF8] =	vst v3;
	v2 =	vld [tilespmem:s22+$0xE0]  }
0x1c5: {  	v3 =	vld [tilespmem:s22+$0xFFFFFEE0];
	[tilespmem:s19+$0x150] =	vst v0  }
0x1c6: {  	[tilespmem:s19+$0xFFFFFF90] =	vst v1;
	v0 =	vld [tilespmem:s25+$0x190]  }
0x1c7: {  	[tilespmem:s24+$0x22] =	vst v4;
	v1 =	vld [tilespmem:s25+$0xFFFFFF90]  }
0x1c8: {  	[tilespmem:s24+$0xFFFFFE62] =	vst v5;
	v4 =	vld [tilespmem:s23+$0x40]  }
0x1c9: {  	v5 =	vld [tilespmem:s23+$0xFFFFFE40];
	[tilespmem:s21+$0xC8] =	vst v2  }
0x1ca: {  	[tilespmem:s21+$0xFFFFFF08] =	vst v3;
	v2 =	vld [tilespmem:s22+$0xE2]  }
0x1cb: {  	v3 =	vld [tilespmem:s22+$0xFFFFFEE2];
	[tilespmem:s19+$0x160] =	vst v0  }
0x1cc: {  	[tilespmem:s19+$0xFFFFFFA0] =	vst v1;
	v0 =	vld [tilespmem:s25+$0x1A0]  }
0x1cd: {  	[tilespmem:s24+$0x38] =	vst v4;
	v1 =	vld [tilespmem:s25+$0xFFFFFFA0]  }
0x1ce: {  	[tilespmem:s24+$0xFFFFFE78] =	vst v5;
	v4 =	vld [tilespmem:s23+$0x50]  }
0x1cf: {  	v5 =	vld [tilespmem:s23+$0xFFFFFE50];
	[tilespmem:s21+$0xCA] =	vst v2  }
0x1d0: {  	[tilespmem:s21+$0xFFFFFF0A] =	vst v3;
	v2 =	vld [tilespmem:s22+$0x100]  }
0x1d1: {  	v3 =	vld [tilespmem:s22+$0xFFFFFF00];
	[tilespmem:s19+$0x170] =	vst v0  }
0x1d2: {  	[tilespmem:s19+$0xFFFFFFB0] =	vst v1;
	v0 =	vld [tilespmem:s25+$0x1A2]  }
0x1d3: {  	[tilespmem:s24+$0x48] =	vst v4;
	v1 =	vld [tilespmem:s25+$0xFFFFFFA2]  }
0x1d4: {  	[tilespmem:s24+$0xFFFFFE88] =	vst v5;
	v4 =	vld [tilespmem:s23+$0x60]  }
0x1d5: {  	v5 =	vld [tilespmem:s23+$0xFFFFFE60];
	[tilespmem:s21+$0xE0] =	vst v2  }
0x1d6: {  	[tilespmem:s21+$0xFFFFFF20] =	vst v3;
	v2 =	vld [tilespmem:s22+$0x110]  }
0x1d7: {  	v3 =	vld [tilespmem:s22+$0xFFFFFF10];
	[tilespmem:s19+$0x172] =	vst v0  }
0x1d8: {  	[tilespmem:s19+$0xFFFFFFB2] =	vst v1;
	v0 =	vld [tilespmem:s25+$0x1C0]  }
0x1d9: {  	[tilespmem:s24+$0x58] =	vst v4;
	v1 =	vld [tilespmem:s25+$0xFFFFFFC0]  }
0x1da: {  	[tilespmem:s24+$0xFFFFFE98] =	vst v5;
	v4 =	vld [tilespmem:s23+$0x62]  }
0x1db: {  	v5 =	vld [tilespmem:s23+$0xFFFFFE62];
	[tilespmem:s21+$0xF0] =	vst v2  }
0x1dc: {  	[tilespmem:s21+$0xFFFFFF30] =	vst v3;
	v2 =	vld [tilespmem:s22+$0x120]  }
0x1dd: {  	v3 =	vld [tilespmem:s22+$0xFFFFFF20];
	[tilespmem:s19+$0x188] =	vst v0  }
0x1de: {  	[tilespmem:s19+$0xFFFFFFC8] =	vst v1;
	v0 =	vld [tilespmem:s25+$0x1D0]  }
0x1df: {  	[tilespmem:s24+$0x5A] =	vst v4;
	v1 =	vld [tilespmem:s25+$0xFFFFFFD0]  }
0x1e0: {  	[tilespmem:s24+$0xFFFFFE9A] =	vst v5;
	v4 =	vld [tilespmem:s23+$0x80]  }
0x1e1: {  	v5 =	vld [tilespmem:s23+$0xFFFFFE80];
	[tilespmem:s21+$0x100] =	vst v2  }
0x1e2: {  	[tilespmem:s21+$0xFFFFFF40] =	vst v3;
	v2 =	vld [tilespmem:s22+$0x122]  }
0x1e3: {  	v3 =	vld [tilespmem:s22+$0xFFFFFF22];
	[tilespmem:s19+$0x198] =	vst v0  }
0x1e4: {  	[tilespmem:s19+$0xFFFFFFD8] =	vst v1;
	v0 =	vld [tilespmem:s25+$0x1E0]  }
0x1e5: {  	[tilespmem:s24+$0x70] =	vst v4;
	v1 =	vld [tilespmem:s25+$0xFFFFFFE0]  }
0x1e6: {  	[tilespmem:s24+$0xFFFFFEB0] =	vst v5;
	v4 =	vld [tilespmem:s23+$0x90]  }
0x1e7: {  	v5 =	vld [tilespmem:s23+$0xFFFFFE90];
	[tilespmem:s21+$0x102] =	vst v2  }
0x1e8: {  	[tilespmem:s21+$0xFFFFFF42] =	vst v3;
	v2 =	vld [tilespmem:s22+$0x140]  }
0x1e9: {  	v6 =	vld [tilespmem:s22+$0xFFFFFF40];
	[tilespmem:s19+$0x1A8] =	vst v0  }
0x1ea: {  	[tilespmem:s19+$0xFFFFFFE8] =	vst v1;
	v7 =	vld [tilespmem:s25+$0x1E2]  }
0x1eb: {  	[tilespmem:s24+$0x80] =	vst v4;
	v0 =	vld [tilespmem:s25+$0xFFFFFFE2]  }
0x1ec: {  	[tilespmem:s24+$0xFFFFFEC0] =	vst v5;
	v3 =	vld [tilespmem:s23+$0xA0]  }
0x1ed: {  	v4 =	vld [tilespmem:s23+$0xFFFFFEA0];
	[tilespmem:s21+$0x118] =	vst v2  }
0x1ee: {  	[tilespmem:s21+$0xFFFFFF58] =	vst v6;
	v1 =	vld [tilespmem:s22+$0x150]  }
0x1ef: {  	s26 =	simm.s32 $0xA5A8;
	v2 =	vld [tilespmem:s22+$0xFFFFFF50];
	s25 =	simm.s32 $0x4;
	[tilespmem:s19+$0x1AA] =	vst v7  }
.LBB2_5:
0x1f0: {  	v5 =	vld [tilespmem:s26+$0x0];
	s25 =	sadd.s32 $0x2, s25;
	[tilespmem:s19+$0xFFFFFFEA] =	vst v0;
	s19 =	smov.u32 s21;
	s21 =	smov.u32 s24  }
0x1f1: {  	v0 =	vld [tilespmem:s26+$0xFFFFFE00];
	p1 =	slt.u32 s25, $0x3E;
	[tilespmem:s24+$0x90] =	vst v3  }
0x1f2: {  	[tilespmem:s24+$0xFFFFFED0] =	vst v4;
	v3 =	vld [tilespmem:s23+$0xA2]  }
0x1f3: {  	v4 =	vld [tilespmem:s23+$0xFFFFFEA2];
	[tilespmem:s19+$0x128] =	vst v1  }
0x1f4: {  	s24 =	sadd.s32 $0x380, s24;
	[tilespmem:s19+$0xFFFFFF68] =	vst v2;
	v1 =	vld [tilespmem:s22+$0x160]  }
0x1f5: {  	[tilespmem:s24+$0x0] =	vst v5;
	v2 =	vld [tilespmem:s22+$0xFFFFFF60]  }
0x1f6: {  	[tilespmem:s24+$0xFFFFFE40] =	vst v0;
	v0 =	vld [tilespmem:s26+$0x10]  }
0x1f7: {  	v5 =	vld [tilespmem:s26+$0xFFFFFE10];
	[tilespmem:s21+$0x92] =	vst v3  }
0x1f8: {  	[tilespmem:s21+$0xFFFFFED2] =	vst v4;
	v3 =	vld [tilespmem:s23+$0xC0]  }
0x1f9: {  	v4 =	vld [tilespmem:s23+$0xFFFFFEC0];
	[tilespmem:s19+$0x138] =	vst v1  }
0x1fa: {  	[tilespmem:s19+$0xFFFFFF78] =	vst v2;
	v1 =	vld [tilespmem:s22+$0x162]  }
0x1fb: {  	[tilespmem:s24+$0x10] =	vst v0;
	v0 =	vld [tilespmem:s22+$0xFFFFFF62]  }
0x1fc: {  	[tilespmem:s24+$0xFFFFFE50] =	vst v5;
	v2 =	vld [tilespmem:s26+$0x20]  }
0x1fd: {  	v5 =	vld [tilespmem:s26+$0xFFFFFE20];
	[tilespmem:s21+$0xA8] =	vst v3  }
0x1fe: {  	[tilespmem:s21+$0xFFFFFEE8] =	vst v4;
	v3 =	vld [tilespmem:s23+$0xD0]  }
0x1ff: {  	v4 =	vld [tilespmem:s23+$0xFFFFFED0];
	[tilespmem:s19+$0x13A] =	vst v1  }
0x200: {  	[tilespmem:s19+$0xFFFFFF7A] =	vst v0;
	v0 =	vld [tilespmem:s22+$0x180]  }
0x201: {  	[tilespmem:s24+$0x20] =	vst v2;
	v1 =	vld [tilespmem:s22+$0xFFFFFF80]  }
0x202: {  	[tilespmem:s24+$0xFFFFFE60] =	vst v5;
	v2 =	vld [tilespmem:s26+$0x22]  }
0x203: {  	v5 =	vld [tilespmem:s26+$0xFFFFFE22];
	[tilespmem:s21+$0xB8] =	vst v3  }
0x204: {  	[tilespmem:s21+$0xFFFFFEF8] =	vst v4;
	v3 =	vld [tilespmem:s23+$0xE0]  }
0x205: {  	v4 =	vld [tilespmem:s23+$0xFFFFFEE0];
	[tilespmem:s19+$0x150] =	vst v0  }
0x206: {  	[tilespmem:s19+$0xFFFFFF90] =	vst v1;
	v0 =	vld [tilespmem:s22+$0x190]  }
0x207: {  	[tilespmem:s24+$0x22] =	vst v2;
	v1 =	vld [tilespmem:s22+$0xFFFFFF90]  }
0x208: {  	[tilespmem:s24+$0xFFFFFE62] =	vst v5;
	v2 =	vld [tilespmem:s26+$0x40]  }
0x209: {  	v5 =	vld [tilespmem:s26+$0xFFFFFE40];
	[tilespmem:s21+$0xC8] =	vst v3  }
0x20a: {  	[tilespmem:s21+$0xFFFFFF08] =	vst v4;
	v3 =	vld [tilespmem:s23+$0xE2]  }
0x20b: {  	v4 =	vld [tilespmem:s23+$0xFFFFFEE2];
	[tilespmem:s19+$0x160] =	vst v0  }
0x20c: {  	[tilespmem:s19+$0xFFFFFFA0] =	vst v1;
	v0 =	vld [tilespmem:s22+$0x1A0]  }
0x20d: {  	[tilespmem:s24+$0x38] =	vst v2;
	v1 =	vld [tilespmem:s22+$0xFFFFFFA0]  }
0x20e: {  	[tilespmem:s24+$0xFFFFFE78] =	vst v5;
	v2 =	vld [tilespmem:s26+$0x50]  }
0x20f: {  	v5 =	vld [tilespmem:s26+$0xFFFFFE50];
	[tilespmem:s21+$0xCA] =	vst v3  }
0x210: {  	[tilespmem:s21+$0xFFFFFF0A] =	vst v4;
	v3 =	vld [tilespmem:s23+$0x100]  }
0x211: {  	v4 =	vld [tilespmem:s23+$0xFFFFFF00];
	[tilespmem:s19+$0x170] =	vst v0  }
0x212: {  	[tilespmem:s19+$0xFFFFFFB0] =	vst v1;
	v0 =	vld [tilespmem:s22+$0x1A2]  }
0x213: {  	[tilespmem:s24+$0x48] =	vst v2;
	v1 =	vld [tilespmem:s22+$0xFFFFFFA2]  }
0x214: {  	[tilespmem:s24+$0xFFFFFE88] =	vst v5;
	v2 =	vld [tilespmem:s26+$0x60]  }
0x215: {  	v5 =	vld [tilespmem:s26+$0xFFFFFE60];
	[tilespmem:s21+$0xE0] =	vst v3  }
0x216: {  	[tilespmem:s21+$0xFFFFFF20] =	vst v4;
	v3 =	vld [tilespmem:s23+$0x110]  }
0x217: {  	v4 =	vld [tilespmem:s23+$0xFFFFFF10];
	[tilespmem:s19+$0x172] =	vst v0  }
0x218: {  	[tilespmem:s19+$0xFFFFFFB2] =	vst v1;
	v0 =	vld [tilespmem:s22+$0x1C0]  }
0x219: {  	[tilespmem:s24+$0x58] =	vst v2;
	v1 =	vld [tilespmem:s22+$0xFFFFFFC0]  }
0x21a: {  	[tilespmem:s24+$0xFFFFFE98] =	vst v5;
	v2 =	vld [tilespmem:s26+$0x62]  }
0x21b: {  	v5 =	vld [tilespmem:s26+$0xFFFFFE62];
	[tilespmem:s21+$0xF0] =	vst v3  }
0x21c: {  	[tilespmem:s21+$0xFFFFFF30] =	vst v4;
	v3 =	vld [tilespmem:s23+$0x120]  }
0x21d: {  	v4 =	vld [tilespmem:s23+$0xFFFFFF20];
	[tilespmem:s19+$0x188] =	vst v0  }
0x21e: {  	[tilespmem:s19+$0xFFFFFFC8] =	vst v1;
	v0 =	vld [tilespmem:s22+$0x1D0]  }
0x21f: {  	[tilespmem:s24+$0x5A] =	vst v2;
	v1 =	vld [tilespmem:s22+$0xFFFFFFD0]  }
0x220: {  	[tilespmem:s24+$0xFFFFFE9A] =	vst v5;
	v2 =	vld [tilespmem:s26+$0x80]  }
0x221: {  	v5 =	vld [tilespmem:s26+$0xFFFFFE80];
	[tilespmem:s21+$0x100] =	vst v3  }
0x222: {  	[tilespmem:s21+$0xFFFFFF40] =	vst v4;
	v3 =	vld [tilespmem:s23+$0x122]  }
0x223: {  	v4 =	vld [tilespmem:s23+$0xFFFFFF22];
	[tilespmem:s19+$0x198] =	vst v0  }
0x224: {  	[tilespmem:s19+$0xFFFFFFD8] =	vst v1;
	v0 =	vld [tilespmem:s22+$0x1E0]  }
0x225: {  	[tilespmem:s24+$0x70] =	vst v2;
	v1 =	vld [tilespmem:s22+$0xFFFFFFE0]  }
0x226: {  	[tilespmem:s24+$0xFFFFFEB0] =	vst v5;
	v2 =	vld [tilespmem:s26+$0x90]  }
0x227: {  	v5 =	vld [tilespmem:s26+$0xFFFFFE90];
	[tilespmem:s21+$0x102] =	vst v3  }
0x228: {  	[tilespmem:s21+$0xFFFFFF42] =	vst v4;
	v6 =	vld [tilespmem:s23+$0x140]  }
0x229: {  	v7 =	vld [tilespmem:s23+$0xFFFFFF40];
	[tilespmem:s19+$0x1A8] =	vst v0  }
0x22a: {  	[tilespmem:s19+$0xFFFFFFE8] =	vst v1;
	v8 =	vld [tilespmem:s22+$0x1E2]  }
.Ltmp1:
0x22b: {  	[tilespmem:s24+$0x80] =	vst v2;
	v0 =	vld [tilespmem:s22+$0xFFFFFFE2];
	s22 =	smov.u32 s23;
	s23 =	smov.u32 s26;
	(pc) =	sbr.rel @p1 .LBB2_5-.Ltmp1, $4  }
0x22c: {  	[tilespmem:s24+$0xFFFFFEC0] =	vst v5;
	v3 =	vld [tilespmem:s26+$0xA0]  }
0x22d: {  	v4 =	vld [tilespmem:s26+$0xFFFFFEA0];
	[tilespmem:s21+$0x118] =	vst v6  }
0x22e: {  	[tilespmem:s21+$0xFFFFFF58] =	vst v7;
	v1 =	vld [tilespmem:s22+$0x150]  }
0x22f: {  	s26 =	sadd.s32 $0x400, s26;
	v2 =	vld [tilespmem:s22+$0xFFFFFF50];
	[tilespmem:s19+$0x1AA] =	vst v8  }
0x230: {  	_ = 	snop  }
0x231: {  	[tilespmem:s24+$0x90] =	vst v3  }
0x232: {  	[tilespmem:s24+$0xFFFFFED0] =	vst v4;
	v3 =	vld [tilespmem:s23+$0xA2]  }
0x233: {  	v4 =	vld [tilespmem:s23+$0xFFFFFEA2];
	_ =	sdelay $0x3  }
0x234: {  	[tilespmem:s24+$0x92] =	vst v3  }
0x235: {  	[tilespmem:s24+$0xFFFFFED2] =	vst v4;
	v3 =	vld [tilespmem:s23+$0xC0]  }
0x236: {  	v4 =	vld [tilespmem:s23+$0xFFFFFEC0];
	_ =	sdelay $0x3  }
0x237: {  	[tilespmem:s24+$0xA8] =	vst v3  }
0x238: {  	[tilespmem:s24+$0xFFFFFEE8] =	vst v4;
	v3 =	vld [tilespmem:s23+$0xD0]  }
0x239: {  	v4 =	vld [tilespmem:s23+$0xFFFFFED0];
	_ =	sdelay $0x3  }
0x23a: {  	[tilespmem:s24+$0xB8] =	vst v3  }
0x23b: {  	[tilespmem:s24+$0xFFFFFEF8] =	vst v4;
	v3 =	vld [tilespmem:s23+$0xE0]  }
0x23c: {  	v4 =	vld [tilespmem:s23+$0xFFFFFEE0];
	_ =	sdelay $0x3  }
0x23d: {  	[tilespmem:s24+$0xC8] =	vst v3  }
0x23e: {  	[tilespmem:s24+$0xFFFFFF08] =	vst v4;
	v3 =	vld [tilespmem:s23+$0xE2]  }
0x23f: {  	v4 =	vld [tilespmem:s23+$0xFFFFFEE2];
	_ =	sdelay $0x3  }
0x240: {  	[tilespmem:s24+$0xCA] =	vst v3  }
0x241: {  	[tilespmem:s24+$0xFFFFFF0A] =	vst v4;
	v3 =	vld [tilespmem:s23+$0x100]  }
0x242: {  	v4 =	vld [tilespmem:s23+$0xFFFFFF00];
	_ =	sdelay $0x3  }
0x243: {  	[tilespmem:s24+$0xE0] =	vst v3  }
0x244: {  	[tilespmem:s24+$0xFFFFFF20] =	vst v4;
	v3 =	vld [tilespmem:s23+$0x110]  }
0x245: {  	v4 =	vld [tilespmem:s23+$0xFFFFFF10];
	_ =	sdelay $0x3  }
0x246: {  	[tilespmem:s24+$0xF0] =	vst v3  }
0x247: {  	[tilespmem:s24+$0xFFFFFF30] =	vst v4;
	v3 =	vld [tilespmem:s23+$0x120]  }
0x248: {  	v4 =	vld [tilespmem:s23+$0xFFFFFF20];
	_ =	sdelay $0x3  }
0x249: {  	[tilespmem:s24+$0x100] =	vst v3  }
0x24a: {  	[tilespmem:s24+$0xFFFFFF40] =	vst v4;
	v3 =	vld [tilespmem:s23+$0x122]  }
0x24b: {  	v4 =	vld [tilespmem:s23+$0xFFFFFF22];
	_ =	sdelay $0x3  }
0x24c: {  	[tilespmem:s24+$0x102] =	vst v3  }
0x24d: {  	[tilespmem:s24+$0xFFFFFF42] =	vst v4;
	v3 =	vld [tilespmem:s23+$0x140]  }
0x24e: {  	v4 =	vld [tilespmem:s23+$0xFFFFFF40];
	_ =	sdelay $0x3  }
0x24f: {  	[tilespmem:s24+$0x118] =	vst v3  }
0x250: {  	[tilespmem:s24+$0xFFFFFF58] =	vst v4;
	v3 =	vld [tilespmem:s23+$0x150]  }
0x251: {  	v4 =	vld [tilespmem:s23+$0xFFFFFF50];
	_ =	sdelay $0x1  }
0x252: {  	[tilespmem:s21+$0x128] =	vst v1  }
0x253: {  	[tilespmem:s21+$0xFFFFFF68] =	vst v2;
	v1 =	vld [tilespmem:s22+$0x160]  }
0x254: {  	v2 =	vld [tilespmem:s22+$0xFFFFFF60];
	[tilespmem:s24+$0x128] =	vst v3  }
0x255: {  	[tilespmem:s24+$0xFFFFFF68] =	vst v4;
	v3 =	vld [tilespmem:s23+$0x160]  }
0x256: {  	v4 =	vld [tilespmem:s23+$0xFFFFFF60];
	_ =	sdelay $0x1  }
0x257: {  	[tilespmem:s21+$0x138] =	vst v1  }
0x258: {  	[tilespmem:s21+$0xFFFFFF78] =	vst v2;
	v1 =	vld [tilespmem:s22+$0x162]  }
0x259: {  	v2 =	vld [tilespmem:s22+$0xFFFFFF62];
	[tilespmem:s24+$0x138] =	vst v3  }
0x25a: {  	[tilespmem:s24+$0xFFFFFF78] =	vst v4;
	v3 =	vld [tilespmem:s23+$0x162]  }
0x25b: {  	v4 =	vld [tilespmem:s23+$0xFFFFFF62];
	_ =	sdelay $0x1  }
0x25c: {  	[tilespmem:s21+$0x13A] =	vst v1  }
0x25d: {  	[tilespmem:s21+$0xFFFFFF7A] =	vst v2;
	v1 =	vld [tilespmem:s22+$0x180]  }
0x25e: {  	v2 =	vld [tilespmem:s22+$0xFFFFFF80];
	[tilespmem:s24+$0x13A] =	vst v3  }
0x25f: {  	[tilespmem:s24+$0xFFFFFF7A] =	vst v4;
	v3 =	vld [tilespmem:s23+$0x180]  }
0x260: {  	v4 =	vld [tilespmem:s23+$0xFFFFFF80];
	_ =	sdelay $0x1  }
0x261: {  	[tilespmem:s21+$0x150] =	vst v1  }
0x262: {  	[tilespmem:s21+$0xFFFFFF90] =	vst v2;
	v1 =	vld [tilespmem:s22+$0x190]  }
0x263: {  	v2 =	vld [tilespmem:s22+$0xFFFFFF90];
	[tilespmem:s24+$0x150] =	vst v3  }
0x264: {  	[tilespmem:s24+$0xFFFFFF90] =	vst v4;
	v3 =	vld [tilespmem:s23+$0x190]  }
0x265: {  	v4 =	vld [tilespmem:s23+$0xFFFFFF90];
	_ =	sdelay $0x1  }
0x266: {  	[tilespmem:s21+$0x160] =	vst v1  }
0x267: {  	[tilespmem:s21+$0xFFFFFFA0] =	vst v2;
	v1 =	vld [tilespmem:s22+$0x1A0]  }
0x268: {  	v2 =	vld [tilespmem:s22+$0xFFFFFFA0];
	[tilespmem:s24+$0x160] =	vst v3  }
0x269: {  	[tilespmem:s24+$0xFFFFFFA0] =	vst v4;
	v3 =	vld [tilespmem:s23+$0x1A0]  }
0x26a: {  	v4 =	vld [tilespmem:s23+$0xFFFFFFA0];
	_ =	sdelay $0x1  }
0x26b: {  	[tilespmem:s21+$0x170] =	vst v1  }
0x26c: {  	[tilespmem:s21+$0xFFFFFFB0] =	vst v2;
	v1 =	vld [tilespmem:s22+$0x1A2]  }
0x26d: {  	v2 =	vld [tilespmem:s22+$0xFFFFFFA2];
	[tilespmem:s24+$0x170] =	vst v3  }
0x26e: {  	[tilespmem:s24+$0xFFFFFFB0] =	vst v4;
	v3 =	vld [tilespmem:s23+$0x1A2]  }
0x26f: {  	v4 =	vld [tilespmem:s23+$0xFFFFFFA2];
	_ =	sdelay $0x1  }
0x270: {  	[tilespmem:s21+$0x172] =	vst v1  }
0x271: {  	[tilespmem:s21+$0xFFFFFFB2] =	vst v2;
	v1 =	vld [tilespmem:s22+$0x1C0]  }
0x272: {  	v2 =	vld [tilespmem:s22+$0xFFFFFFC0];
	[tilespmem:s24+$0x172] =	vst v3  }
0x273: {  	[tilespmem:s24+$0xFFFFFFB2] =	vst v4;
	v3 =	vld [tilespmem:s23+$0x1C0]  }
0x274: {  	v4 =	vld [tilespmem:s23+$0xFFFFFFC0];
	_ =	sdelay $0x1  }
0x275: {  	[tilespmem:s21+$0x188] =	vst v1  }
0x276: {  	[tilespmem:s21+$0xFFFFFFC8] =	vst v2;
	v1 =	vld [tilespmem:s22+$0x1D0]  }
0x277: {  	v2 =	vld [tilespmem:s22+$0xFFFFFFD0];
	[tilespmem:s24+$0x188] =	vst v3  }
0x278: {  	[tilespmem:s24+$0xFFFFFFC8] =	vst v4;
	v3 =	vld [tilespmem:s23+$0x1D0]  }
0x279: {  	v4 =	vld [tilespmem:s23+$0xFFFFFFD0];
	_ =	sdelay $0x1  }
0x27a: {  	[tilespmem:s21+$0x198] =	vst v1  }
0x27b: {  	[tilespmem:s21+$0xFFFFFFD8] =	vst v2;
	v1 =	vld [tilespmem:s22+$0x1E0]  }
0x27c: {  	v2 =	vld [tilespmem:s22+$0xFFFFFFE0];
	[tilespmem:s24+$0x198] =	vst v3  }
0x27d: {  	[tilespmem:s24+$0xFFFFFFD8] =	vst v4;
	v3 =	vld [tilespmem:s23+$0x1E0]  }
0x27e: {  	v4 =	vld [tilespmem:s23+$0xFFFFFFE0];
	_ =	sdelay $0x1  }
0x27f: {  	[tilespmem:s21+$0x1A8] =	vst v1  }
0x280: {  	[tilespmem:s21+$0xFFFFFFE8] =	vst v2;
	v1 =	vld [tilespmem:s22+$0x1E2]  }
0x281: {  	v2 =	vld [tilespmem:s22+$0xFFFFFFE2];
	[tilespmem:s24+$0x1A8] =	vst v3  }
0x282: {  	[tilespmem:s24+$0xFFFFFFE8] =	vst v4;
	v3 =	vld [tilespmem:s23+$0x1E2]  }
0x283: {  	v4 =	vld [tilespmem:s23+$0xFFFFFFE2]  }
0x284: {  	[tilespmem:s19+$0xFFFFFFEA] =	vst v0;
	s30 =	sadd.s32 s20, s4  }
0x285: {  	s19 =	smul.u32 $0x7, s30;
	[tilespmem:s21+$0x1AA] =	vst v1  }
0x286: {  	[tilespmem:s21+$0xFFFFFFEA] =	vst v2  }
0x287: {  	p1 =	seq.s32 s17, $0xF;
	s19 =	sadd.s32 s5, s19;
	[tilespmem:s24+$0x1AA] =	vst v3  }
0x288: {  	s20 =	sadd.s32 @!p1 s20, s7;
	s31 =	sadd.s32 $0xE00, s19;
	[tilespmem:s24+$0xFFFFFFEA] =	vst v4  }
0x289: {  	[hbm4b:s31+s2] =	stream.linear.scatter [tilespmem:s15], [sflag:$0x1], $0x7000, $0x38;
	[tilespmem:$0x1F7A8] =	vst v63  }
0x28a: {  	s20 =	sshrl.u32 @!p1 s20, $0x3;
	_ =	swait.ge [sflag:s12], $0x7000  }
0x28b: {  	s20 =	sadd.s32 @!p1 s1, s20;
	[sflag:s12] =	ssyncset.done $0x0  }
0x28c: {  	s22 =	simm.s32 @!p1 $0xFA8;
	s21 =	simm.s32 @!p1 $0x0;
	[sflag:s12] =	ssyncadd.s32 $0xFFFF9000  }
0x28d: {  	[tilespmem:s22], [sflag:$0x1] =	stream.linear.gather @!p1 [hbm4b:s20+s21], $0x400, $0x38;
	[tilespmem:$0x1F7A8] =	vst v63  }
0x28e: {  	s20 =	simm.s32 @!p1 $0x1  }
0x28f: {  	_ =	swait.ge @!p1 [sflag:s20], $0x400  }
0x290: {  	[sflag:s20] =	ssyncset.done @!p1 $0x0  }
0x291: {  	s25 =	simm.s32 $0x19A8;
	[sflag:s20] =	ssyncadd.s32 @!p1 $0xFFFFFC00  }
0x292: {  	v0 =	vld [tilespmem:s25+$0x0]  }
0x293: {  	v1 =	vld [tilespmem:s25+$0xFFFFFE00];
	_ =	sdelay $0x2  }
0x294: {  	s20 =	simm.s32 $0x11968  }
0x295: {  	[tilespmem:s20+$0x0] =	vst v0  }
0x296: {  	[tilespmem:s20+$0xFFFFFE40] =	vst v1;
	v0 =	vld [tilespmem:s25+$0x10]  }
0x297: {  	v1 =	vld [tilespmem:s25+$0xFFFFFE10];
	_ =	sdelay $0x3  }
0x298: {  	[tilespmem:s20+$0x10] =	vst v0  }
0x299: {  	[tilespmem:s20+$0xFFFFFE50] =	vst v1;
	v0 =	vld [tilespmem:s25+$0x20]  }
0x29a: {  	v1 =	vld [tilespmem:s25+$0xFFFFFE20];
	_ =	sdelay $0x3  }
0x29b: {  	[tilespmem:s20+$0x20] =	vst v0  }
0x29c: {  	[tilespmem:s20+$0xFFFFFE60] =	vst v1;
	v0 =	vld [tilespmem:s25+$0x22]  }
0x29d: {  	v1 =	vld [tilespmem:s25+$0xFFFFFE22];
	_ =	sdelay $0x3  }
0x29e: {  	[tilespmem:s20+$0x22] =	vst v0  }
0x29f: {  	[tilespmem:s20+$0xFFFFFE62] =	vst v1;
	v0 =	vld [tilespmem:s25+$0x40]  }
0x2a0: {  	v1 =	vld [tilespmem:s25+$0xFFFFFE40];
	_ =	sdelay $0x3  }
0x2a1: {  	[tilespmem:s20+$0x38] =	vst v0  }
0x2a2: {  	[tilespmem:s20+$0xFFFFFE78] =	vst v1;
	v0 =	vld [tilespmem:s25+$0x50]  }
0x2a3: {  	v1 =	vld [tilespmem:s25+$0xFFFFFE50];
	_ =	sdelay $0x3  }
0x2a4: {  	[tilespmem:s20+$0x48] =	vst v0  }
0x2a5: {  	[tilespmem:s20+$0xFFFFFE88] =	vst v1;
	v0 =	vld [tilespmem:s25+$0x60]  }
0x2a6: {  	v1 =	vld [tilespmem:s25+$0xFFFFFE60];
	_ =	sdelay $0x3  }
0x2a7: {  	[tilespmem:s20+$0x58] =	vst v0  }
0x2a8: {  	[tilespmem:s20+$0xFFFFFE98] =	vst v1;
	v0 =	vld [tilespmem:s25+$0x62]  }
0x2a9: {  	v1 =	vld [tilespmem:s25+$0xFFFFFE62];
	_ =	sdelay $0x3  }
0x2aa: {  	[tilespmem:s20+$0x5A] =	vst v0  }
0x2ab: {  	[tilespmem:s20+$0xFFFFFE9A] =	vst v1;
	v0 =	vld [tilespmem:s25+$0x80]  }
0x2ac: {  	v1 =	vld [tilespmem:s25+$0xFFFFFE80];
	_ =	sdelay $0x3  }
0x2ad: {  	[tilespmem:s20+$0x70] =	vst v0  }
0x2ae: {  	[tilespmem:s20+$0xFFFFFEB0] =	vst v1;
	v0 =	vld [tilespmem:s25+$0x90]  }
0x2af: {  	v1 =	vld [tilespmem:s25+$0xFFFFFE90];
	_ =	sdelay $0x3  }
0x2b0: {  	[tilespmem:s20+$0x80] =	vst v0  }
0x2b1: {  	[tilespmem:s20+$0xFFFFFEC0] =	vst v1;
	v0 =	vld [tilespmem:s25+$0xA0]  }
0x2b2: {  	v1 =	vld [tilespmem:s25+$0xFFFFFEA0];
	_ =	sdelay $0x1  }
0x2b3: {  	s22 =	simm.s32 $0x1DA8  }
0x2b4: {  	v2 =	vld [tilespmem:s22+$0x0]  }
0x2b5: {  	v3 =	vld [tilespmem:s22+$0xFFFFFE00];
	[tilespmem:s20+$0x90] =	vst v0  }
0x2b6: {  	[tilespmem:s20+$0xFFFFFED0] =	vst v1;
	v0 =	vld [tilespmem:s25+$0xA2]  }
0x2b7: {  	v1 =	vld [tilespmem:s25+$0xFFFFFEA2]  }
0x2b8: {  	s21 =	simm.s32 $0x11CE8  }
0x2b9: {  	[tilespmem:s21+$0x0] =	vst v2  }
0x2ba: {  	[tilespmem:s21+$0xFFFFFE40] =	vst v3;
	v2 =	vld [tilespmem:s22+$0x10]  }
0x2bb: {  	v3 =	vld [tilespmem:s22+$0xFFFFFE10];
	[tilespmem:s20+$0x92] =	vst v0  }
0x2bc: {  	[tilespmem:s20+$0xFFFFFED2] =	vst v1;
	v0 =	vld [tilespmem:s25+$0xC0]  }
0x2bd: {  	v1 =	vld [tilespmem:s25+$0xFFFFFEC0];
	_ =	sdelay $0x1  }
0x2be: {  	[tilespmem:s21+$0x10] =	vst v2  }
0x2bf: {  	[tilespmem:s21+$0xFFFFFE50] =	vst v3;
	v2 =	vld [tilespmem:s22+$0x20]  }
0x2c0: {  	v3 =	vld [tilespmem:s22+$0xFFFFFE20];
	[tilespmem:s20+$0xA8] =	vst v0  }
0x2c1: {  	[tilespmem:s20+$0xFFFFFEE8] =	vst v1;
	v0 =	vld [tilespmem:s25+$0xD0]  }
0x2c2: {  	v1 =	vld [tilespmem:s25+$0xFFFFFED0];
	_ =	sdelay $0x1  }
0x2c3: {  	[tilespmem:s21+$0x20] =	vst v2  }
0x2c4: {  	[tilespmem:s21+$0xFFFFFE60] =	vst v3;
	v2 =	vld [tilespmem:s22+$0x22]  }
0x2c5: {  	v3 =	vld [tilespmem:s22+$0xFFFFFE22];
	[tilespmem:s20+$0xB8] =	vst v0  }
0x2c6: {  	[tilespmem:s20+$0xFFFFFEF8] =	vst v1;
	v0 =	vld [tilespmem:s25+$0xE0]  }
0x2c7: {  	v1 =	vld [tilespmem:s25+$0xFFFFFEE0];
	_ =	sdelay $0x1  }
0x2c8: {  	[tilespmem:s21+$0x22] =	vst v2  }
0x2c9: {  	[tilespmem:s21+$0xFFFFFE62] =	vst v3;
	v2 =	vld [tilespmem:s22+$0x40]  }
0x2ca: {  	v3 =	vld [tilespmem:s22+$0xFFFFFE40];
	[tilespmem:s20+$0xC8] =	vst v0  }
0x2cb: {  	[tilespmem:s20+$0xFFFFFF08] =	vst v1;
	v0 =	vld [tilespmem:s25+$0xE2]  }
0x2cc: {  	v1 =	vld [tilespmem:s25+$0xFFFFFEE2];
	_ =	sdelay $0x1  }
0x2cd: {  	[tilespmem:s21+$0x38] =	vst v2  }
0x2ce: {  	[tilespmem:s21+$0xFFFFFE78] =	vst v3;
	v2 =	vld [tilespmem:s22+$0x50]  }
0x2cf: {  	v3 =	vld [tilespmem:s22+$0xFFFFFE50];
	[tilespmem:s20+$0xCA] =	vst v0  }
0x2d0: {  	[tilespmem:s20+$0xFFFFFF0A] =	vst v1;
	v0 =	vld [tilespmem:s25+$0x100]  }
0x2d1: {  	v1 =	vld [tilespmem:s25+$0xFFFFFF00];
	_ =	sdelay $0x1  }
0x2d2: {  	[tilespmem:s21+$0x48] =	vst v2  }
0x2d3: {  	[tilespmem:s21+$0xFFFFFE88] =	vst v3;
	v2 =	vld [tilespmem:s22+$0x60]  }
0x2d4: {  	v3 =	vld [tilespmem:s22+$0xFFFFFE60];
	[tilespmem:s20+$0xE0] =	vst v0  }
0x2d5: {  	[tilespmem:s20+$0xFFFFFF20] =	vst v1;
	v0 =	vld [tilespmem:s25+$0x110]  }
0x2d6: {  	v1 =	vld [tilespmem:s25+$0xFFFFFF10];
	_ =	sdelay $0x1  }
0x2d7: {  	[tilespmem:s21+$0x58] =	vst v2  }
0x2d8: {  	[tilespmem:s21+$0xFFFFFE98] =	vst v3;
	v2 =	vld [tilespmem:s22+$0x62]  }
0x2d9: {  	v3 =	vld [tilespmem:s22+$0xFFFFFE62];
	[tilespmem:s20+$0xF0] =	vst v0  }
0x2da: {  	[tilespmem:s20+$0xFFFFFF30] =	vst v1;
	v0 =	vld [tilespmem:s25+$0x120]  }
0x2db: {  	v1 =	vld [tilespmem:s25+$0xFFFFFF20];
	_ =	sdelay $0x1  }
0x2dc: {  	[tilespmem:s21+$0x5A] =	vst v2  }
0x2dd: {  	[tilespmem:s21+$0xFFFFFE9A] =	vst v3;
	v2 =	vld [tilespmem:s22+$0x80]  }
0x2de: {  	v3 =	vld [tilespmem:s22+$0xFFFFFE80];
	[tilespmem:s20+$0x100] =	vst v0  }
0x2df: {  	[tilespmem:s20+$0xFFFFFF40] =	vst v1;
	v0 =	vld [tilespmem:s25+$0x122]  }
0x2e0: {  	v1 =	vld [tilespmem:s25+$0xFFFFFF22];
	_ =	sdelay $0x1  }
0x2e1: {  	[tilespmem:s21+$0x70] =	vst v2  }
0x2e2: {  	[tilespmem:s21+$0xFFFFFEB0] =	vst v3;
	v2 =	vld [tilespmem:s22+$0x90]  }
0x2e3: {  	v3 =	vld [tilespmem:s22+$0xFFFFFE90];
	[tilespmem:s20+$0x102] =	vst v0  }
0x2e4: {  	[tilespmem:s20+$0xFFFFFF42] =	vst v1;
	v0 =	vld [tilespmem:s25+$0x140]  }
0x2e5: {  	v1 =	vld [tilespmem:s25+$0xFFFFFF40];
	_ =	sdelay $0x1  }
0x2e6: {  	[tilespmem:s21+$0x80] =	vst v2  }
0x2e7: {  	[tilespmem:s21+$0xFFFFFEC0] =	vst v3;
	v2 =	vld [tilespmem:s22+$0xA0]  }
0x2e8: {  	v3 =	vld [tilespmem:s22+$0xFFFFFEA0];
	[tilespmem:s20+$0x118] =	vst v0  }
0x2e9: {  	[tilespmem:s20+$0xFFFFFF58] =	vst v1;
	v0 =	vld [tilespmem:s25+$0x150]  }
0x2ea: {  	s23 =	simm.s32 $0x21A8;
	v1 =	vld [tilespmem:s25+$0xFFFFFF50]  }
0x2eb: {  	v4 =	vld [tilespmem:s23+$0x0]  }
0x2ec: {  	v5 =	vld [tilespmem:s23+$0xFFFFFE00];
	[tilespmem:s21+$0x90] =	vst v2  }
0x2ed: {  	[tilespmem:s21+$0xFFFFFED0] =	vst v3;
	v2 =	vld [tilespmem:s22+$0xA2]  }
0x2ee: {  	v3 =	vld [tilespmem:s22+$0xFFFFFEA2];
	[tilespmem:s20+$0x128] =	vst v0  }
0x2ef: {  	s24 =	simm.s32 $0x12068;
	[tilespmem:s20+$0xFFFFFF68] =	vst v1;
	v0 =	vld [tilespmem:s25+$0x160]  }
0x2f0: {  	[tilespmem:s24+$0x0] =	vst v4;
	v1 =	vld [tilespmem:s25+$0xFFFFFF60]  }
0x2f1: {  	[tilespmem:s24+$0xFFFFFE40] =	vst v5;
	v4 =	vld [tilespmem:s23+$0x10]  }
0x2f2: {  	v5 =	vld [tilespmem:s23+$0xFFFFFE10];
	[tilespmem:s21+$0x92] =	vst v2  }
0x2f3: {  	[tilespmem:s21+$0xFFFFFED2] =	vst v3;
	v2 =	vld [tilespmem:s22+$0xC0]  }
0x2f4: {  	v3 =	vld [tilespmem:s22+$0xFFFFFEC0];
	[tilespmem:s20+$0x138] =	vst v0  }
0x2f5: {  	[tilespmem:s20+$0xFFFFFF78] =	vst v1;
	v0 =	vld [tilespmem:s25+$0x162]  }
0x2f6: {  	[tilespmem:s24+$0x10] =	vst v4;
	v1 =	vld [tilespmem:s25+$0xFFFFFF62]  }
0x2f7: {  	[tilespmem:s24+$0xFFFFFE50] =	vst v5;
	v4 =	vld [tilespmem:s23+$0x20]  }
0x2f8: {  	v5 =	vld [tilespmem:s23+$0xFFFFFE20];
	[tilespmem:s21+$0xA8] =	vst v2  }
0x2f9: {  	[tilespmem:s21+$0xFFFFFEE8] =	vst v3;
	v2 =	vld [tilespmem:s22+$0xD0]  }
0x2fa: {  	v3 =	vld [tilespmem:s22+$0xFFFFFED0];
	[tilespmem:s20+$0x13A] =	vst v0  }
0x2fb: {  	[tilespmem:s20+$0xFFFFFF7A] =	vst v1;
	v0 =	vld [tilespmem:s25+$0x180]  }
0x2fc: {  	[tilespmem:s24+$0x20] =	vst v4;
	v1 =	vld [tilespmem:s25+$0xFFFFFF80]  }
0x2fd: {  	[tilespmem:s24+$0xFFFFFE60] =	vst v5;
	v4 =	vld [tilespmem:s23+$0x22]  }
0x2fe: {  	v5 =	vld [tilespmem:s23+$0xFFFFFE22];
	[tilespmem:s21+$0xB8] =	vst v2  }
0x2ff: {  	[tilespmem:s21+$0xFFFFFEF8] =	vst v3;
	v2 =	vld [tilespmem:s22+$0xE0]  }
0x300: {  	v3 =	vld [tilespmem:s22+$0xFFFFFEE0];
	[tilespmem:s20+$0x150] =	vst v0  }
0x301: {  	[tilespmem:s20+$0xFFFFFF90] =	vst v1;
	v0 =	vld [tilespmem:s25+$0x190]  }
0x302: {  	[tilespmem:s24+$0x22] =	vst v4;
	v1 =	vld [tilespmem:s25+$0xFFFFFF90]  }
0x303: {  	[tilespmem:s24+$0xFFFFFE62] =	vst v5;
	v4 =	vld [tilespmem:s23+$0x40]  }
0x304: {  	v5 =	vld [tilespmem:s23+$0xFFFFFE40];
	[tilespmem:s21+$0xC8] =	vst v2  }
0x305: {  	[tilespmem:s21+$0xFFFFFF08] =	vst v3;
	v2 =	vld [tilespmem:s22+$0xE2]  }
0x306: {  	v3 =	vld [tilespmem:s22+$0xFFFFFEE2];
	[tilespmem:s20+$0x160] =	vst v0  }
0x307: {  	[tilespmem:s20+$0xFFFFFFA0] =	vst v1;
	v0 =	vld [tilespmem:s25+$0x1A0]  }
0x308: {  	[tilespmem:s24+$0x38] =	vst v4;
	v1 =	vld [tilespmem:s25+$0xFFFFFFA0]  }
0x309: {  	[tilespmem:s24+$0xFFFFFE78] =	vst v5;
	v4 =	vld [tilespmem:s23+$0x50]  }
0x30a: {  	v5 =	vld [tilespmem:s23+$0xFFFFFE50];
	[tilespmem:s21+$0xCA] =	vst v2  }
0x30b: {  	[tilespmem:s21+$0xFFFFFF0A] =	vst v3;
	v2 =	vld [tilespmem:s22+$0x100]  }
0x30c: {  	v3 =	vld [tilespmem:s22+$0xFFFFFF00];
	[tilespmem:s20+$0x170] =	vst v0  }
0x30d: {  	[tilespmem:s20+$0xFFFFFFB0] =	vst v1;
	v0 =	vld [tilespmem:s25+$0x1A2]  }
0x30e: {  	[tilespmem:s24+$0x48] =	vst v4;
	v1 =	vld [tilespmem:s25+$0xFFFFFFA2]  }
0x30f: {  	[tilespmem:s24+$0xFFFFFE88] =	vst v5;
	v4 =	vld [tilespmem:s23+$0x60]  }
0x310: {  	v5 =	vld [tilespmem:s23+$0xFFFFFE60];
	[tilespmem:s21+$0xE0] =	vst v2  }
0x311: {  	[tilespmem:s21+$0xFFFFFF20] =	vst v3;
	v2 =	vld [tilespmem:s22+$0x110]  }
0x312: {  	v3 =	vld [tilespmem:s22+$0xFFFFFF10];
	[tilespmem:s20+$0x172] =	vst v0  }
0x313: {  	[tilespmem:s20+$0xFFFFFFB2] =	vst v1;
	v0 =	vld [tilespmem:s25+$0x1C0]  }
0x314: {  	[tilespmem:s24+$0x58] =	vst v4;
	v1 =	vld [tilespmem:s25+$0xFFFFFFC0]  }
0x315: {  	[tilespmem:s24+$0xFFFFFE98] =	vst v5;
	v4 =	vld [tilespmem:s23+$0x62]  }
0x316: {  	v5 =	vld [tilespmem:s23+$0xFFFFFE62];
	[tilespmem:s21+$0xF0] =	vst v2  }
0x317: {  	[tilespmem:s21+$0xFFFFFF30] =	vst v3;
	v2 =	vld [tilespmem:s22+$0x120]  }
0x318: {  	v3 =	vld [tilespmem:s22+$0xFFFFFF20];
	[tilespmem:s20+$0x188] =	vst v0  }
0x319: {  	[tilespmem:s20+$0xFFFFFFC8] =	vst v1;
	v0 =	vld [tilespmem:s25+$0x1D0]  }
0x31a: {  	[tilespmem:s24+$0x5A] =	vst v4;
	v1 =	vld [tilespmem:s25+$0xFFFFFFD0]  }
0x31b: {  	[tilespmem:s24+$0xFFFFFE9A] =	vst v5;
	v4 =	vld [tilespmem:s23+$0x80]  }
0x31c: {  	v5 =	vld [tilespmem:s23+$0xFFFFFE80];
	[tilespmem:s21+$0x100] =	vst v2  }
0x31d: {  	[tilespmem:s21+$0xFFFFFF40] =	vst v3;
	v2 =	vld [tilespmem:s22+$0x122]  }
0x31e: {  	v3 =	vld [tilespmem:s22+$0xFFFFFF22];
	[tilespmem:s20+$0x198] =	vst v0  }
0x31f: {  	[tilespmem:s20+$0xFFFFFFD8] =	vst v1;
	v0 =	vld [tilespmem:s25+$0x1E0]  }
0x320: {  	[tilespmem:s24+$0x70] =	vst v4;
	v1 =	vld [tilespmem:s25+$0xFFFFFFE0]  }
0x321: {  	[tilespmem:s24+$0xFFFFFEB0] =	vst v5;
	v4 =	vld [tilespmem:s23+$0x90]  }
0x322: {  	v5 =	vld [tilespmem:s23+$0xFFFFFE90];
	[tilespmem:s21+$0x102] =	vst v2  }
0x323: {  	[tilespmem:s21+$0xFFFFFF42] =	vst v3;
	v2 =	vld [tilespmem:s22+$0x140]  }
0x324: {  	v6 =	vld [tilespmem:s22+$0xFFFFFF40];
	[tilespmem:s20+$0x1A8] =	vst v0  }
0x325: {  	[tilespmem:s20+$0xFFFFFFE8] =	vst v1;
	v7 =	vld [tilespmem:s25+$0x1E2]  }
0x326: {  	[tilespmem:s24+$0x80] =	vst v4;
	v0 =	vld [tilespmem:s25+$0xFFFFFFE2]  }
0x327: {  	[tilespmem:s24+$0xFFFFFEC0] =	vst v5;
	v3 =	vld [tilespmem:s23+$0xA0]  }
0x328: {  	v4 =	vld [tilespmem:s23+$0xFFFFFEA0];
	[tilespmem:s21+$0x118] =	vst v2  }
0x329: {  	[tilespmem:s21+$0xFFFFFF58] =	vst v6;
	v1 =	vld [tilespmem:s22+$0x150]  }
0x32a: {  	s26 =	simm.s32 $0x25A8;
	v2 =	vld [tilespmem:s22+$0xFFFFFF50];
	s25 =	simm.s32 $0x4;
	[tilespmem:s20+$0x1AA] =	vst v7  }
.LBB2_7:
0x32b: {  	v5 =	vld [tilespmem:s26+$0x0];
	s25 =	sadd.s32 $0x2, s25;
	[tilespmem:s20+$0xFFFFFFEA] =	vst v0;
	s20 =	smov.u32 s21;
	s21 =	smov.u32 s24  }
0x32c: {  	v0 =	vld [tilespmem:s26+$0xFFFFFE00];
	p1 =	slt.u32 s25, $0x3E;
	[tilespmem:s24+$0x90] =	vst v3  }
0x32d: {  	[tilespmem:s24+$0xFFFFFED0] =	vst v4;
	v3 =	vld [tilespmem:s23+$0xA2]  }
0x32e: {  	v4 =	vld [tilespmem:s23+$0xFFFFFEA2];
	[tilespmem:s20+$0x128] =	vst v1  }
0x32f: {  	s24 =	sadd.s32 $0x380, s24;
	[tilespmem:s20+$0xFFFFFF68] =	vst v2;
	v1 =	vld [tilespmem:s22+$0x160]  }
0x330: {  	[tilespmem:s24+$0x0] =	vst v5;
	v2 =	vld [tilespmem:s22+$0xFFFFFF60]  }
0x331: {  	[tilespmem:s24+$0xFFFFFE40] =	vst v0;
	v0 =	vld [tilespmem:s26+$0x10]  }
0x332: {  	v5 =	vld [tilespmem:s26+$0xFFFFFE10];
	[tilespmem:s21+$0x92] =	vst v3  }
0x333: {  	[tilespmem:s21+$0xFFFFFED2] =	vst v4;
	v3 =	vld [tilespmem:s23+$0xC0]  }
0x334: {  	v4 =	vld [tilespmem:s23+$0xFFFFFEC0];
	[tilespmem:s20+$0x138] =	vst v1  }
0x335: {  	[tilespmem:s20+$0xFFFFFF78] =	vst v2;
	v1 =	vld [tilespmem:s22+$0x162]  }
0x336: {  	[tilespmem:s24+$0x10] =	vst v0;
	v0 =	vld [tilespmem:s22+$0xFFFFFF62]  }
0x337: {  	[tilespmem:s24+$0xFFFFFE50] =	vst v5;
	v2 =	vld [tilespmem:s26+$0x20]  }
0x338: {  	v5 =	vld [tilespmem:s26+$0xFFFFFE20];
	[tilespmem:s21+$0xA8] =	vst v3  }
0x339: {  	[tilespmem:s21+$0xFFFFFEE8] =	vst v4;
	v3 =	vld [tilespmem:s23+$0xD0]  }
0x33a: {  	v4 =	vld [tilespmem:s23+$0xFFFFFED0];
	[tilespmem:s20+$0x13A] =	vst v1  }
0x33b: {  	[tilespmem:s20+$0xFFFFFF7A] =	vst v0;
	v0 =	vld [tilespmem:s22+$0x180]  }
0x33c: {  	[tilespmem:s24+$0x20] =	vst v2;
	v1 =	vld [tilespmem:s22+$0xFFFFFF80]  }
0x33d: {  	[tilespmem:s24+$0xFFFFFE60] =	vst v5;
	v2 =	vld [tilespmem:s26+$0x22]  }
0x33e: {  	v5 =	vld [tilespmem:s26+$0xFFFFFE22];
	[tilespmem:s21+$0xB8] =	vst v3  }
0x33f: {  	[tilespmem:s21+$0xFFFFFEF8] =	vst v4;
	v3 =	vld [tilespmem:s23+$0xE0]  }
0x340: {  	v4 =	vld [tilespmem:s23+$0xFFFFFEE0];
	[tilespmem:s20+$0x150] =	vst v0  }
0x341: {  	[tilespmem:s20+$0xFFFFFF90] =	vst v1;
	v0 =	vld [tilespmem:s22+$0x190]  }
0x342: {  	[tilespmem:s24+$0x22] =	vst v2;
	v1 =	vld [tilespmem:s22+$0xFFFFFF90]  }
0x343: {  	[tilespmem:s24+$0xFFFFFE62] =	vst v5;
	v2 =	vld [tilespmem:s26+$0x40]  }
0x344: {  	v5 =	vld [tilespmem:s26+$0xFFFFFE40];
	[tilespmem:s21+$0xC8] =	vst v3  }
0x345: {  	[tilespmem:s21+$0xFFFFFF08] =	vst v4;
	v3 =	vld [tilespmem:s23+$0xE2]  }
0x346: {  	v4 =	vld [tilespmem:s23+$0xFFFFFEE2];
	[tilespmem:s20+$0x160] =	vst v0  }
0x347: {  	[tilespmem:s20+$0xFFFFFFA0] =	vst v1;
	v0 =	vld [tilespmem:s22+$0x1A0]  }
0x348: {  	[tilespmem:s24+$0x38] =	vst v2;
	v1 =	vld [tilespmem:s22+$0xFFFFFFA0]  }
0x349: {  	[tilespmem:s24+$0xFFFFFE78] =	vst v5;
	v2 =	vld [tilespmem:s26+$0x50]  }
0x34a: {  	v5 =	vld [tilespmem:s26+$0xFFFFFE50];
	[tilespmem:s21+$0xCA] =	vst v3  }
0x34b: {  	[tilespmem:s21+$0xFFFFFF0A] =	vst v4;
	v3 =	vld [tilespmem:s23+$0x100]  }
0x34c: {  	v4 =	vld [tilespmem:s23+$0xFFFFFF00];
	[tilespmem:s20+$0x170] =	vst v0  }
0x34d: {  	[tilespmem:s20+$0xFFFFFFB0] =	vst v1;
	v0 =	vld [tilespmem:s22+$0x1A2]  }
0x34e: {  	[tilespmem:s24+$0x48] =	vst v2;
	v1 =	vld [tilespmem:s22+$0xFFFFFFA2]  }
0x34f: {  	[tilespmem:s24+$0xFFFFFE88] =	vst v5;
	v2 =	vld [tilespmem:s26+$0x60]  }
0x350: {  	v5 =	vld [tilespmem:s26+$0xFFFFFE60];
	[tilespmem:s21+$0xE0] =	vst v3  }
0x351: {  	[tilespmem:s21+$0xFFFFFF20] =	vst v4;
	v3 =	vld [tilespmem:s23+$0x110]  }
0x352: {  	v4 =	vld [tilespmem:s23+$0xFFFFFF10];
	[tilespmem:s20+$0x172] =	vst v0  }
0x353: {  	[tilespmem:s20+$0xFFFFFFB2] =	vst v1;
	v0 =	vld [tilespmem:s22+$0x1C0]  }
0x354: {  	[tilespmem:s24+$0x58] =	vst v2;
	v1 =	vld [tilespmem:s22+$0xFFFFFFC0]  }
0x355: {  	[tilespmem:s24+$0xFFFFFE98] =	vst v5;
	v2 =	vld [tilespmem:s26+$0x62]  }
0x356: {  	v5 =	vld [tilespmem:s26+$0xFFFFFE62];
	[tilespmem:s21+$0xF0] =	vst v3  }
0x357: {  	[tilespmem:s21+$0xFFFFFF30] =	vst v4;
	v3 =	vld [tilespmem:s23+$0x120]  }
0x358: {  	v4 =	vld [tilespmem:s23+$0xFFFFFF20];
	[tilespmem:s20+$0x188] =	vst v0  }
0x359: {  	[tilespmem:s20+$0xFFFFFFC8] =	vst v1;
	v0 =	vld [tilespmem:s22+$0x1D0]  }
0x35a: {  	[tilespmem:s24+$0x5A] =	vst v2;
	v1 =	vld [tilespmem:s22+$0xFFFFFFD0]  }
0x35b: {  	[tilespmem:s24+$0xFFFFFE9A] =	vst v5;
	v2 =	vld [tilespmem:s26+$0x80]  }
0x35c: {  	v5 =	vld [tilespmem:s26+$0xFFFFFE80];
	[tilespmem:s21+$0x100] =	vst v3  }
0x35d: {  	[tilespmem:s21+$0xFFFFFF40] =	vst v4;
	v3 =	vld [tilespmem:s23+$0x122]  }
0x35e: {  	v4 =	vld [tilespmem:s23+$0xFFFFFF22];
	[tilespmem:s20+$0x198] =	vst v0  }
0x35f: {  	[tilespmem:s20+$0xFFFFFFD8] =	vst v1;
	v0 =	vld [tilespmem:s22+$0x1E0]  }
0x360: {  	[tilespmem:s24+$0x70] =	vst v2;
	v1 =	vld [tilespmem:s22+$0xFFFFFFE0]  }
0x361: {  	[tilespmem:s24+$0xFFFFFEB0] =	vst v5;
	v2 =	vld [tilespmem:s26+$0x90]  }
0x362: {  	v5 =	vld [tilespmem:s26+$0xFFFFFE90];
	[tilespmem:s21+$0x102] =	vst v3  }
0x363: {  	[tilespmem:s21+$0xFFFFFF42] =	vst v4;
	v6 =	vld [tilespmem:s23+$0x140]  }
0x364: {  	v7 =	vld [tilespmem:s23+$0xFFFFFF40];
	[tilespmem:s20+$0x1A8] =	vst v0  }
0x365: {  	[tilespmem:s20+$0xFFFFFFE8] =	vst v1;
	v8 =	vld [tilespmem:s22+$0x1E2]  }
.Ltmp2:
0x366: {  	[tilespmem:s24+$0x80] =	vst v2;
	v0 =	vld [tilespmem:s22+$0xFFFFFFE2];
	s22 =	smov.u32 s23;
	s23 =	smov.u32 s26;
	(pc) =	sbr.rel @p1 .LBB2_7-.Ltmp2, $4  }
0x367: {  	[tilespmem:s24+$0xFFFFFEC0] =	vst v5;
	v3 =	vld [tilespmem:s26+$0xA0]  }
0x368: {  	v4 =	vld [tilespmem:s26+$0xFFFFFEA0];
	[tilespmem:s21+$0x118] =	vst v6  }
0x369: {  	[tilespmem:s21+$0xFFFFFF58] =	vst v7;
	v1 =	vld [tilespmem:s22+$0x150]  }
0x36a: {  	s26 =	sadd.s32 $0x400, s26;
	v2 =	vld [tilespmem:s22+$0xFFFFFF50];
	[tilespmem:s20+$0x1AA] =	vst v8  }
0x36b: {  	_ = 	snop  }
0x36c: {  	[tilespmem:s24+$0x90] =	vst v3  }
0x36d: {  	[tilespmem:s24+$0xFFFFFED0] =	vst v4;
	v3 =	vld [tilespmem:s23+$0xA2]  }
0x36e: {  	v4 =	vld [tilespmem:s23+$0xFFFFFEA2];
	_ =	sdelay $0x3  }
0x36f: {  	[tilespmem:s24+$0x92] =	vst v3  }
0x370: {  	[tilespmem:s24+$0xFFFFFED2] =	vst v4;
	v3 =	vld [tilespmem:s23+$0xC0]  }
0x371: {  	v4 =	vld [tilespmem:s23+$0xFFFFFEC0];
	_ =	sdelay $0x3  }
0x372: {  	[tilespmem:s24+$0xA8] =	vst v3  }
0x373: {  	[tilespmem:s24+$0xFFFFFEE8] =	vst v4;
	v3 =	vld [tilespmem:s23+$0xD0]  }
0x374: {  	v4 =	vld [tilespmem:s23+$0xFFFFFED0];
	_ =	sdelay $0x3  }
0x375: {  	[tilespmem:s24+$0xB8] =	vst v3  }
0x376: {  	[tilespmem:s24+$0xFFFFFEF8] =	vst v4;
	v3 =	vld [tilespmem:s23+$0xE0]  }
0x377: {  	v4 =	vld [tilespmem:s23+$0xFFFFFEE0];
	_ =	sdelay $0x3  }
0x378: {  	[tilespmem:s24+$0xC8] =	vst v3  }
0x379: {  	[tilespmem:s24+$0xFFFFFF08] =	vst v4;
	v3 =	vld [tilespmem:s23+$0xE2]  }
0x37a: {  	v4 =	vld [tilespmem:s23+$0xFFFFFEE2];
	_ =	sdelay $0x3  }
0x37b: {  	[tilespmem:s24+$0xCA] =	vst v3  }
0x37c: {  	[tilespmem:s24+$0xFFFFFF0A] =	vst v4;
	v3 =	vld [tilespmem:s23+$0x100]  }
0x37d: {  	v4 =	vld [tilespmem:s23+$0xFFFFFF00];
	_ =	sdelay $0x3  }
0x37e: {  	[tilespmem:s24+$0xE0] =	vst v3  }
0x37f: {  	[tilespmem:s24+$0xFFFFFF20] =	vst v4;
	v3 =	vld [tilespmem:s23+$0x110]  }
0x380: {  	v4 =	vld [tilespmem:s23+$0xFFFFFF10];
	_ =	sdelay $0x3  }
0x381: {  	[tilespmem:s24+$0xF0] =	vst v3  }
0x382: {  	[tilespmem:s24+$0xFFFFFF30] =	vst v4;
	v3 =	vld [tilespmem:s23+$0x120]  }
0x383: {  	v4 =	vld [tilespmem:s23+$0xFFFFFF20];
	_ =	sdelay $0x3  }
0x384: {  	[tilespmem:s24+$0x100] =	vst v3  }
0x385: {  	[tilespmem:s24+$0xFFFFFF40] =	vst v4;
	v3 =	vld [tilespmem:s23+$0x122]  }
0x386: {  	v4 =	vld [tilespmem:s23+$0xFFFFFF22];
	_ =	sdelay $0x3  }
0x387: {  	[tilespmem:s24+$0x102] =	vst v3  }
0x388: {  	[tilespmem:s24+$0xFFFFFF42] =	vst v4;
	v3 =	vld [tilespmem:s23+$0x140]  }
0x389: {  	v4 =	vld [tilespmem:s23+$0xFFFFFF40];
	_ =	sdelay $0x3  }
0x38a: {  	[tilespmem:s24+$0x118] =	vst v3  }
0x38b: {  	[tilespmem:s24+$0xFFFFFF58] =	vst v4;
	v3 =	vld [tilespmem:s23+$0x150]  }
0x38c: {  	v4 =	vld [tilespmem:s23+$0xFFFFFF50];
	_ =	sdelay $0x1  }
0x38d: {  	[tilespmem:s21+$0x128] =	vst v1  }
0x38e: {  	[tilespmem:s21+$0xFFFFFF68] =	vst v2;
	v1 =	vld [tilespmem:s22+$0x160]  }
0x38f: {  	v2 =	vld [tilespmem:s22+$0xFFFFFF60];
	[tilespmem:s24+$0x128] =	vst v3  }
0x390: {  	[tilespmem:s24+$0xFFFFFF68] =	vst v4;
	v3 =	vld [tilespmem:s23+$0x160]  }
0x391: {  	v4 =	vld [tilespmem:s23+$0xFFFFFF60];
	_ =	sdelay $0x1  }
0x392: {  	[tilespmem:s21+$0x138] =	vst v1  }
0x393: {  	[tilespmem:s21+$0xFFFFFF78] =	vst v2;
	v1 =	vld [tilespmem:s22+$0x162]  }
0x394: {  	v2 =	vld [tilespmem:s22+$0xFFFFFF62];
	[tilespmem:s24+$0x138] =	vst v3  }
0x395: {  	[tilespmem:s24+$0xFFFFFF78] =	vst v4;
	v3 =	vld [tilespmem:s23+$0x162]  }
0x396: {  	v4 =	vld [tilespmem:s23+$0xFFFFFF62];
	_ =	sdelay $0x1  }
0x397: {  	[tilespmem:s21+$0x13A] =	vst v1  }
0x398: {  	[tilespmem:s21+$0xFFFFFF7A] =	vst v2;
	v1 =	vld [tilespmem:s22+$0x180]  }
0x399: {  	v2 =	vld [tilespmem:s22+$0xFFFFFF80];
	[tilespmem:s24+$0x13A] =	vst v3  }
0x39a: {  	[tilespmem:s24+$0xFFFFFF7A] =	vst v4;
	v3 =	vld [tilespmem:s23+$0x180]  }
0x39b: {  	v4 =	vld [tilespmem:s23+$0xFFFFFF80];
	_ =	sdelay $0x1  }
0x39c: {  	[tilespmem:s21+$0x150] =	vst v1  }
0x39d: {  	[tilespmem:s21+$0xFFFFFF90] =	vst v2;
	v1 =	vld [tilespmem:s22+$0x190]  }
0x39e: {  	v2 =	vld [tilespmem:s22+$0xFFFFFF90];
	[tilespmem:s24+$0x150] =	vst v3  }
0x39f: {  	[tilespmem:s24+$0xFFFFFF90] =	vst v4;
	v3 =	vld [tilespmem:s23+$0x190]  }
0x3a0: {  	v4 =	vld [tilespmem:s23+$0xFFFFFF90];
	_ =	sdelay $0x1  }
0x3a1: {  	[tilespmem:s21+$0x160] =	vst v1  }
0x3a2: {  	[tilespmem:s21+$0xFFFFFFA0] =	vst v2;
	v1 =	vld [tilespmem:s22+$0x1A0]  }
0x3a3: {  	v2 =	vld [tilespmem:s22+$0xFFFFFFA0];
	[tilespmem:s24+$0x160] =	vst v3  }
0x3a4: {  	[tilespmem:s24+$0xFFFFFFA0] =	vst v4;
	v3 =	vld [tilespmem:s23+$0x1A0]  }
0x3a5: {  	v4 =	vld [tilespmem:s23+$0xFFFFFFA0];
	_ =	sdelay $0x1  }
0x3a6: {  	[tilespmem:s21+$0x170] =	vst v1  }
0x3a7: {  	[tilespmem:s21+$0xFFFFFFB0] =	vst v2;
	v1 =	vld [tilespmem:s22+$0x1A2]  }
0x3a8: {  	v2 =	vld [tilespmem:s22+$0xFFFFFFA2];
	[tilespmem:s24+$0x170] =	vst v3  }
0x3a9: {  	[tilespmem:s24+$0xFFFFFFB0] =	vst v4;
	v3 =	vld [tilespmem:s23+$0x1A2]  }
0x3aa: {  	v4 =	vld [tilespmem:s23+$0xFFFFFFA2];
	_ =	sdelay $0x1  }
0x3ab: {  	[tilespmem:s21+$0x172] =	vst v1  }
0x3ac: {  	[tilespmem:s21+$0xFFFFFFB2] =	vst v2;
	v1 =	vld [tilespmem:s22+$0x1C0]  }
0x3ad: {  	v2 =	vld [tilespmem:s22+$0xFFFFFFC0];
	[tilespmem:s24+$0x172] =	vst v3  }
0x3ae: {  	[tilespmem:s24+$0xFFFFFFB2] =	vst v4;
	v3 =	vld [tilespmem:s23+$0x1C0]  }
0x3af: {  	v4 =	vld [tilespmem:s23+$0xFFFFFFC0];
	_ =	sdelay $0x1  }
0x3b0: {  	[tilespmem:s21+$0x188] =	vst v1  }
0x3b1: {  	[tilespmem:s21+$0xFFFFFFC8] =	vst v2;
	v1 =	vld [tilespmem:s22+$0x1D0]  }
0x3b2: {  	v2 =	vld [tilespmem:s22+$0xFFFFFFD0];
	[tilespmem:s24+$0x188] =	vst v3  }
0x3b3: {  	[tilespmem:s24+$0xFFFFFFC8] =	vst v4;
	v3 =	vld [tilespmem:s23+$0x1D0]  }
0x3b4: {  	v4 =	vld [tilespmem:s23+$0xFFFFFFD0];
	_ =	sdelay $0x1  }
0x3b5: {  	[tilespmem:s21+$0x198] =	vst v1  }
0x3b6: {  	[tilespmem:s21+$0xFFFFFFD8] =	vst v2;
	v1 =	vld [tilespmem:s22+$0x1E0]  }
0x3b7: {  	v2 =	vld [tilespmem:s22+$0xFFFFFFE0];
	[tilespmem:s24+$0x198] =	vst v3  }
0x3b8: {  	[tilespmem:s24+$0xFFFFFFD8] =	vst v4;
	v3 =	vld [tilespmem:s23+$0x1E0]  }
0x3b9: {  	v4 =	vld [tilespmem:s23+$0xFFFFFFE0];
	_ =	sdelay $0x1  }
0x3ba: {  	[tilespmem:s21+$0x1A8] =	vst v1  }
0x3bb: {  	[tilespmem:s21+$0xFFFFFFE8] =	vst v2;
	v1 =	vld [tilespmem:s22+$0x1E2]  }
0x3bc: {  	v2 =	vld [tilespmem:s22+$0xFFFFFFE2];
	[tilespmem:s24+$0x1A8] =	vst v3  }
0x3bd: {  	[tilespmem:s24+$0xFFFFFFE8] =	vst v4;
	v3 =	vld [tilespmem:s23+$0x1E2]  }
0x3be: {  	v4 =	vld [tilespmem:s23+$0xFFFFFFE2]  }
0x3bf: {  	[tilespmem:s20+$0xFFFFFFEA] =	vst v0  }
0x3c0: {  	[tilespmem:s21+$0x1AA] =	vst v1  }
0x3c1: {  	s18 =	smul.u32 $0x7, s18;
	[tilespmem:s21+$0xFFFFFFEA] =	vst v2  }
0x3c2: {  	[tilespmem:s24+$0x1AA] =	vst v3  }
0x3c3: {  	s18 =	sadd.s32 s5, s18;
	[tilespmem:s24+$0xFFFFFFEA] =	vst v4  }
0x3c4: {  	[hbm4b:s18+s2] =	stream.linear.scatter [tilespmem:s14], [sflag:$0x1], $0x7000, $0x38;
	[tilespmem:$0x1F7A8] =	vst v63  }
0x3c5: {  	_ =	swait.ge [sflag:s12], $0x7000  }
0x3c6: {  	[sflag:s12] =	ssyncset.done $0x0  }
0x3c7: {  	s31 =	simm.s32 $0x99A8;
	[sflag:s12] =	ssyncadd.s32 $0xFFFF9000  }
0x3c8: {  	v0 =	vld [tilespmem:s31+$0x0]  }
0x3c9: {  	v1 =	vld [tilespmem:s31+$0xFFFFFE00];
	_ =	sdelay $0x2  }
0x3ca: {  	s18 =	simm.s32 $0x18968  }
0x3cb: {  	[tilespmem:s18+$0x0] =	vst v0  }
0x3cc: {  	[tilespmem:s18+$0xFFFFFE40] =	vst v1;
	v0 =	vld [tilespmem:s31+$0x10]  }
0x3cd: {  	v1 =	vld [tilespmem:s31+$0xFFFFFE10];
	_ =	sdelay $0x3  }
0x3ce: {  	[tilespmem:s18+$0x10] =	vst v0  }
0x3cf: {  	[tilespmem:s18+$0xFFFFFE50] =	vst v1;
	v0 =	vld [tilespmem:s31+$0x20]  }
0x3d0: {  	v1 =	vld [tilespmem:s31+$0xFFFFFE20];
	_ =	sdelay $0x3  }
0x3d1: {  	[tilespmem:s18+$0x20] =	vst v0  }
0x3d2: {  	[tilespmem:s18+$0xFFFFFE60] =	vst v1;
	v0 =	vld [tilespmem:s31+$0x22]  }
0x3d3: {  	v1 =	vld [tilespmem:s31+$0xFFFFFE22];
	_ =	sdelay $0x3  }
0x3d4: {  	[tilespmem:s18+$0x22] =	vst v0  }
0x3d5: {  	[tilespmem:s18+$0xFFFFFE62] =	vst v1;
	v0 =	vld [tilespmem:s31+$0x40]  }
0x3d6: {  	v1 =	vld [tilespmem:s31+$0xFFFFFE40];
	_ =	sdelay $0x3  }
0x3d7: {  	[tilespmem:s18+$0x38] =	vst v0  }
0x3d8: {  	[tilespmem:s18+$0xFFFFFE78] =	vst v1;
	v0 =	vld [tilespmem:s31+$0x50]  }
0x3d9: {  	v1 =	vld [tilespmem:s31+$0xFFFFFE50];
	_ =	sdelay $0x3  }
0x3da: {  	[tilespmem:s18+$0x48] =	vst v0  }
0x3db: {  	[tilespmem:s18+$0xFFFFFE88] =	vst v1;
	v0 =	vld [tilespmem:s31+$0x60]  }
0x3dc: {  	v1 =	vld [tilespmem:s31+$0xFFFFFE60];
	_ =	sdelay $0x3  }
0x3dd: {  	[tilespmem:s18+$0x58] =	vst v0  }
0x3de: {  	[tilespmem:s18+$0xFFFFFE98] =	vst v1;
	v0 =	vld [tilespmem:s31+$0x62]  }
0x3df: {  	v1 =	vld [tilespmem:s31+$0xFFFFFE62];
	_ =	sdelay $0x3  }
0x3e0: {  	[tilespmem:s18+$0x5A] =	vst v0  }
0x3e1: {  	[tilespmem:s18+$0xFFFFFE9A] =	vst v1;
	v0 =	vld [tilespmem:s31+$0x80]  }
0x3e2: {  	v1 =	vld [tilespmem:s31+$0xFFFFFE80];
	_ =	sdelay $0x3  }
0x3e3: {  	[tilespmem:s18+$0x70] =	vst v0  }
0x3e4: {  	[tilespmem:s18+$0xFFFFFEB0] =	vst v1;
	v0 =	vld [tilespmem:s31+$0x90]  }
0x3e5: {  	v1 =	vld [tilespmem:s31+$0xFFFFFE90];
	_ =	sdelay $0x3  }
0x3e6: {  	[tilespmem:s18+$0x80] =	vst v0  }
0x3e7: {  	[tilespmem:s18+$0xFFFFFEC0] =	vst v1;
	v0 =	vld [tilespmem:s31+$0xA0]  }
0x3e8: {  	v1 =	vld [tilespmem:s31+$0xFFFFFEA0];
	_ =	sdelay $0x1  }
0x3e9: {  	s21 =	simm.s32 $0x9DA8  }
0x3ea: {  	v2 =	vld [tilespmem:s21+$0x0]  }
0x3eb: {  	v3 =	vld [tilespmem:s21+$0xFFFFFE00];
	[tilespmem:s18+$0x90] =	vst v0  }
0x3ec: {  	[tilespmem:s18+$0xFFFFFED0] =	vst v1;
	v0 =	vld [tilespmem:s31+$0xA2]  }
0x3ed: {  	v1 =	vld [tilespmem:s31+$0xFFFFFEA2]  }
0x3ee: {  	s20 =	simm.s32 $0x18CE8  }
0x3ef: {  	[tilespmem:s20+$0x0] =	vst v2  }
0x3f0: {  	[tilespmem:s20+$0xFFFFFE40] =	vst v3;
	v2 =	vld [tilespmem:s21+$0x10]  }
0x3f1: {  	v3 =	vld [tilespmem:s21+$0xFFFFFE10];
	[tilespmem:s18+$0x92] =	vst v0  }
0x3f2: {  	[tilespmem:s18+$0xFFFFFED2] =	vst v1;
	v0 =	vld [tilespmem:s31+$0xC0]  }
0x3f3: {  	v1 =	vld [tilespmem:s31+$0xFFFFFEC0];
	_ =	sdelay $0x1  }
0x3f4: {  	[tilespmem:s20+$0x10] =	vst v2  }
0x3f5: {  	[tilespmem:s20+$0xFFFFFE50] =	vst v3;
	v2 =	vld [tilespmem:s21+$0x20]  }
0x3f6: {  	v3 =	vld [tilespmem:s21+$0xFFFFFE20];
	[tilespmem:s18+$0xA8] =	vst v0  }
0x3f7: {  	[tilespmem:s18+$0xFFFFFEE8] =	vst v1;
	v0 =	vld [tilespmem:s31+$0xD0]  }
0x3f8: {  	v1 =	vld [tilespmem:s31+$0xFFFFFED0];
	_ =	sdelay $0x1  }
0x3f9: {  	[tilespmem:s20+$0x20] =	vst v2  }
0x3fa: {  	[tilespmem:s20+$0xFFFFFE60] =	vst v3;
	v2 =	vld [tilespmem:s21+$0x22]  }
0x3fb: {  	v3 =	vld [tilespmem:s21+$0xFFFFFE22];
	[tilespmem:s18+$0xB8] =	vst v0  }
0x3fc: {  	[tilespmem:s18+$0xFFFFFEF8] =	vst v1;
	v0 =	vld [tilespmem:s31+$0xE0]  }
0x3fd: {  	v1 =	vld [tilespmem:s31+$0xFFFFFEE0];
	_ =	sdelay $0x1  }
0x3fe: {  	[tilespmem:s20+$0x22] =	vst v2  }
0x3ff: {  	[tilespmem:s20+$0xFFFFFE62] =	vst v3;
	v2 =	vld [tilespmem:s21+$0x40]  }
0x400: {  	v3 =	vld [tilespmem:s21+$0xFFFFFE40];
	[tilespmem:s18+$0xC8] =	vst v0  }
0x401: {  	[tilespmem:s18+$0xFFFFFF08] =	vst v1;
	v0 =	vld [tilespmem:s31+$0xE2]  }
0x402: {  	v1 =	vld [tilespmem:s31+$0xFFFFFEE2];
	_ =	sdelay $0x1  }
0x403: {  	[tilespmem:s20+$0x38] =	vst v2  }
0x404: {  	[tilespmem:s20+$0xFFFFFE78] =	vst v3;
	v2 =	vld [tilespmem:s21+$0x50]  }
0x405: {  	v3 =	vld [tilespmem:s21+$0xFFFFFE50];
	[tilespmem:s18+$0xCA] =	vst v0  }
0x406: {  	[tilespmem:s18+$0xFFFFFF0A] =	vst v1;
	v0 =	vld [tilespmem:s31+$0x100]  }
0x407: {  	v1 =	vld [tilespmem:s31+$0xFFFFFF00];
	_ =	sdelay $0x1  }
0x408: {  	[tilespmem:s20+$0x48] =	vst v2  }
0x409: {  	[tilespmem:s20+$0xFFFFFE88] =	vst v3;
	v2 =	vld [tilespmem:s21+$0x60]  }
0x40a: {  	v3 =	vld [tilespmem:s21+$0xFFFFFE60];
	[tilespmem:s18+$0xE0] =	vst v0  }
0x40b: {  	[tilespmem:s18+$0xFFFFFF20] =	vst v1;
	v0 =	vld [tilespmem:s31+$0x110]  }
0x40c: {  	v1 =	vld [tilespmem:s31+$0xFFFFFF10];
	_ =	sdelay $0x1  }
0x40d: {  	[tilespmem:s20+$0x58] =	vst v2  }
0x40e: {  	[tilespmem:s20+$0xFFFFFE98] =	vst v3;
	v2 =	vld [tilespmem:s21+$0x62]  }
0x40f: {  	v3 =	vld [tilespmem:s21+$0xFFFFFE62];
	[tilespmem:s18+$0xF0] =	vst v0  }
0x410: {  	[tilespmem:s18+$0xFFFFFF30] =	vst v1;
	v0 =	vld [tilespmem:s31+$0x120]  }
0x411: {  	v1 =	vld [tilespmem:s31+$0xFFFFFF20];
	_ =	sdelay $0x1  }
0x412: {  	[tilespmem:s20+$0x5A] =	vst v2  }
0x413: {  	[tilespmem:s20+$0xFFFFFE9A] =	vst v3;
	v2 =	vld [tilespmem:s21+$0x80]  }
0x414: {  	v3 =	vld [tilespmem:s21+$0xFFFFFE80];
	[tilespmem:s18+$0x100] =	vst v0  }
0x415: {  	[tilespmem:s18+$0xFFFFFF40] =	vst v1;
	v0 =	vld [tilespmem:s31+$0x122]  }
0x416: {  	v1 =	vld [tilespmem:s31+$0xFFFFFF22];
	_ =	sdelay $0x1  }
0x417: {  	[tilespmem:s20+$0x70] =	vst v2  }
0x418: {  	[tilespmem:s20+$0xFFFFFEB0] =	vst v3;
	v2 =	vld [tilespmem:s21+$0x90]  }
0x419: {  	v3 =	vld [tilespmem:s21+$0xFFFFFE90];
	[tilespmem:s18+$0x102] =	vst v0  }
0x41a: {  	[tilespmem:s18+$0xFFFFFF42] =	vst v1;
	v0 =	vld [tilespmem:s31+$0x140]  }
0x41b: {  	v1 =	vld [tilespmem:s31+$0xFFFFFF40];
	_ =	sdelay $0x1  }
0x41c: {  	[tilespmem:s20+$0x80] =	vst v2  }
0x41d: {  	[tilespmem:s20+$0xFFFFFEC0] =	vst v3;
	v2 =	vld [tilespmem:s21+$0xA0]  }
0x41e: {  	v3 =	vld [tilespmem:s21+$0xFFFFFEA0];
	[tilespmem:s18+$0x118] =	vst v0  }
0x41f: {  	[tilespmem:s18+$0xFFFFFF58] =	vst v1;
	v0 =	vld [tilespmem:s31+$0x150]  }
0x420: {  	s22 =	simm.s32 $0xA1A8;
	v1 =	vld [tilespmem:s31+$0xFFFFFF50]  }
0x421: {  	v4 =	vld [tilespmem:s22+$0x0]  }
0x422: {  	v5 =	vld [tilespmem:s22+$0xFFFFFE00];
	[tilespmem:s20+$0x90] =	vst v2  }
0x423: {  	[tilespmem:s20+$0xFFFFFED0] =	vst v3;
	v2 =	vld [tilespmem:s21+$0xA2]  }
0x424: {  	v3 =	vld [tilespmem:s21+$0xFFFFFEA2];
	[tilespmem:s18+$0x128] =	vst v0  }
0x425: {  	s23 =	simm.s32 $0x19068;
	[tilespmem:s18+$0xFFFFFF68] =	vst v1;
	v0 =	vld [tilespmem:s31+$0x160]  }
0x426: {  	[tilespmem:s23+$0x0] =	vst v4;
	v1 =	vld [tilespmem:s31+$0xFFFFFF60]  }
0x427: {  	[tilespmem:s23+$0xFFFFFE40] =	vst v5;
	v4 =	vld [tilespmem:s22+$0x10]  }
0x428: {  	v5 =	vld [tilespmem:s22+$0xFFFFFE10];
	[tilespmem:s20+$0x92] =	vst v2  }
0x429: {  	[tilespmem:s20+$0xFFFFFED2] =	vst v3;
	v2 =	vld [tilespmem:s21+$0xC0]  }
0x42a: {  	v3 =	vld [tilespmem:s21+$0xFFFFFEC0];
	[tilespmem:s18+$0x138] =	vst v0  }
0x42b: {  	[tilespmem:s18+$0xFFFFFF78] =	vst v1;
	v0 =	vld [tilespmem:s31+$0x162]  }
0x42c: {  	[tilespmem:s23+$0x10] =	vst v4;
	v1 =	vld [tilespmem:s31+$0xFFFFFF62]  }
0x42d: {  	[tilespmem:s23+$0xFFFFFE50] =	vst v5;
	v4 =	vld [tilespmem:s22+$0x20]  }
0x42e: {  	v5 =	vld [tilespmem:s22+$0xFFFFFE20];
	[tilespmem:s20+$0xA8] =	vst v2  }
0x42f: {  	[tilespmem:s20+$0xFFFFFEE8] =	vst v3;
	v2 =	vld [tilespmem:s21+$0xD0]  }
0x430: {  	v3 =	vld [tilespmem:s21+$0xFFFFFED0];
	[tilespmem:s18+$0x13A] =	vst v0  }
0x431: {  	[tilespmem:s18+$0xFFFFFF7A] =	vst v1;
	v0 =	vld [tilespmem:s31+$0x180]  }
0x432: {  	[tilespmem:s23+$0x20] =	vst v4;
	v1 =	vld [tilespmem:s31+$0xFFFFFF80]  }
0x433: {  	[tilespmem:s23+$0xFFFFFE60] =	vst v5;
	v4 =	vld [tilespmem:s22+$0x22]  }
0x434: {  	v5 =	vld [tilespmem:s22+$0xFFFFFE22];
	[tilespmem:s20+$0xB8] =	vst v2  }
0x435: {  	[tilespmem:s20+$0xFFFFFEF8] =	vst v3;
	v2 =	vld [tilespmem:s21+$0xE0]  }
0x436: {  	v3 =	vld [tilespmem:s21+$0xFFFFFEE0];
	[tilespmem:s18+$0x150] =	vst v0  }
0x437: {  	[tilespmem:s18+$0xFFFFFF90] =	vst v1;
	v0 =	vld [tilespmem:s31+$0x190]  }
0x438: {  	[tilespmem:s23+$0x22] =	vst v4;
	v1 =	vld [tilespmem:s31+$0xFFFFFF90]  }
0x439: {  	[tilespmem:s23+$0xFFFFFE62] =	vst v5;
	v4 =	vld [tilespmem:s22+$0x40]  }
0x43a: {  	v5 =	vld [tilespmem:s22+$0xFFFFFE40];
	[tilespmem:s20+$0xC8] =	vst v2  }
0x43b: {  	[tilespmem:s20+$0xFFFFFF08] =	vst v3;
	v2 =	vld [tilespmem:s21+$0xE2]  }
0x43c: {  	v3 =	vld [tilespmem:s21+$0xFFFFFEE2];
	[tilespmem:s18+$0x160] =	vst v0  }
0x43d: {  	[tilespmem:s18+$0xFFFFFFA0] =	vst v1;
	v0 =	vld [tilespmem:s31+$0x1A0]  }
0x43e: {  	[tilespmem:s23+$0x38] =	vst v4;
	v1 =	vld [tilespmem:s31+$0xFFFFFFA0]  }
0x43f: {  	[tilespmem:s23+$0xFFFFFE78] =	vst v5;
	v4 =	vld [tilespmem:s22+$0x50]  }
0x440: {  	v5 =	vld [tilespmem:s22+$0xFFFFFE50];
	[tilespmem:s20+$0xCA] =	vst v2  }
0x441: {  	[tilespmem:s20+$0xFFFFFF0A] =	vst v3;
	v2 =	vld [tilespmem:s21+$0x100]  }
0x442: {  	v3 =	vld [tilespmem:s21+$0xFFFFFF00];
	[tilespmem:s18+$0x170] =	vst v0  }
0x443: {  	[tilespmem:s18+$0xFFFFFFB0] =	vst v1;
	v0 =	vld [tilespmem:s31+$0x1A2]  }
0x444: {  	[tilespmem:s23+$0x48] =	vst v4;
	v1 =	vld [tilespmem:s31+$0xFFFFFFA2]  }
0x445: {  	[tilespmem:s23+$0xFFFFFE88] =	vst v5;
	v4 =	vld [tilespmem:s22+$0x60]  }
0x446: {  	v5 =	vld [tilespmem:s22+$0xFFFFFE60];
	[tilespmem:s20+$0xE0] =	vst v2  }
0x447: {  	[tilespmem:s20+$0xFFFFFF20] =	vst v3;
	v2 =	vld [tilespmem:s21+$0x110]  }
0x448: {  	v3 =	vld [tilespmem:s21+$0xFFFFFF10];
	[tilespmem:s18+$0x172] =	vst v0  }
0x449: {  	[tilespmem:s18+$0xFFFFFFB2] =	vst v1;
	v0 =	vld [tilespmem:s31+$0x1C0]  }
0x44a: {  	[tilespmem:s23+$0x58] =	vst v4;
	v1 =	vld [tilespmem:s31+$0xFFFFFFC0]  }
0x44b: {  	[tilespmem:s23+$0xFFFFFE98] =	vst v5;
	v4 =	vld [tilespmem:s22+$0x62]  }
0x44c: {  	v5 =	vld [tilespmem:s22+$0xFFFFFE62];
	[tilespmem:s20+$0xF0] =	vst v2  }
0x44d: {  	[tilespmem:s20+$0xFFFFFF30] =	vst v3;
	v2 =	vld [tilespmem:s21+$0x120]  }
0x44e: {  	v3 =	vld [tilespmem:s21+$0xFFFFFF20];
	[tilespmem:s18+$0x188] =	vst v0  }
0x44f: {  	[tilespmem:s18+$0xFFFFFFC8] =	vst v1;
	v0 =	vld [tilespmem:s31+$0x1D0]  }
0x450: {  	[tilespmem:s23+$0x5A] =	vst v4;
	v1 =	vld [tilespmem:s31+$0xFFFFFFD0]  }
0x451: {  	[tilespmem:s23+$0xFFFFFE9A] =	vst v5;
	v4 =	vld [tilespmem:s22+$0x80]  }
0x452: {  	v5 =	vld [tilespmem:s22+$0xFFFFFE80];
	[tilespmem:s20+$0x100] =	vst v2  }
0x453: {  	[tilespmem:s20+$0xFFFFFF40] =	vst v3;
	v2 =	vld [tilespmem:s21+$0x122]  }
0x454: {  	v3 =	vld [tilespmem:s21+$0xFFFFFF22];
	[tilespmem:s18+$0x198] =	vst v0  }
0x455: {  	[tilespmem:s18+$0xFFFFFFD8] =	vst v1;
	v0 =	vld [tilespmem:s31+$0x1E0]  }
0x456: {  	[tilespmem:s23+$0x70] =	vst v4;
	v1 =	vld [tilespmem:s31+$0xFFFFFFE0]  }
0x457: {  	[tilespmem:s23+$0xFFFFFEB0] =	vst v5;
	v4 =	vld [tilespmem:s22+$0x90]  }
0x458: {  	v5 =	vld [tilespmem:s22+$0xFFFFFE90];
	[tilespmem:s20+$0x102] =	vst v2  }
0x459: {  	[tilespmem:s20+$0xFFFFFF42] =	vst v3;
	v2 =	vld [tilespmem:s21+$0x140]  }
0x45a: {  	v6 =	vld [tilespmem:s21+$0xFFFFFF40];
	[tilespmem:s18+$0x1A8] =	vst v0  }
0x45b: {  	[tilespmem:s18+$0xFFFFFFE8] =	vst v1;
	v7 =	vld [tilespmem:s31+$0x1E2]  }
0x45c: {  	[tilespmem:s23+$0x80] =	vst v4;
	v0 =	vld [tilespmem:s31+$0xFFFFFFE2]  }
0x45d: {  	[tilespmem:s23+$0xFFFFFEC0] =	vst v5;
	v3 =	vld [tilespmem:s22+$0xA0]  }
0x45e: {  	v4 =	vld [tilespmem:s22+$0xFFFFFEA0];
	[tilespmem:s20+$0x118] =	vst v2  }
0x45f: {  	[tilespmem:s20+$0xFFFFFF58] =	vst v6;
	v1 =	vld [tilespmem:s21+$0x150]  }
0x460: {  	s25 =	simm.s32 $0xA5A8;
	s24 =	simm.s32 $0x4;
	v2 =	vld [tilespmem:s21+$0xFFFFFF50];
	[tilespmem:s18+$0x1AA] =	vst v7  }
.LBB2_9:
0x461: {  	v5 =	vld [tilespmem:s25+$0x0];
	s24 =	sadd.s32 $0x2, s24;
	[tilespmem:s18+$0xFFFFFFEA] =	vst v0;
	s18 =	smov.u32 s20;
	s20 =	smov.u32 s23  }
0x462: {  	v0 =	vld [tilespmem:s25+$0xFFFFFE00];
	p1 =	slt.u32 s24, $0x3E;
	[tilespmem:s23+$0x90] =	vst v3  }
0x463: {  	[tilespmem:s23+$0xFFFFFED0] =	vst v4;
	v3 =	vld [tilespmem:s22+$0xA2]  }
0x464: {  	v4 =	vld [tilespmem:s22+$0xFFFFFEA2];
	[tilespmem:s18+$0x128] =	vst v1  }
0x465: {  	s23 =	sadd.s32 $0x380, s23;
	[tilespmem:s18+$0xFFFFFF68] =	vst v2;
	v1 =	vld [tilespmem:s21+$0x160]  }
0x466: {  	[tilespmem:s23+$0x0] =	vst v5;
	v2 =	vld [tilespmem:s21+$0xFFFFFF60]  }
0x467: {  	[tilespmem:s23+$0xFFFFFE40] =	vst v0;
	v0 =	vld [tilespmem:s25+$0x10]  }
0x468: {  	v5 =	vld [tilespmem:s25+$0xFFFFFE10];
	[tilespmem:s20+$0x92] =	vst v3  }
0x469: {  	[tilespmem:s20+$0xFFFFFED2] =	vst v4;
	v3 =	vld [tilespmem:s22+$0xC0]  }
0x46a: {  	v4 =	vld [tilespmem:s22+$0xFFFFFEC0];
	[tilespmem:s18+$0x138] =	vst v1  }
0x46b: {  	[tilespmem:s18+$0xFFFFFF78] =	vst v2;
	v1 =	vld [tilespmem:s21+$0x162]  }
0x46c: {  	[tilespmem:s23+$0x10] =	vst v0;
	v0 =	vld [tilespmem:s21+$0xFFFFFF62]  }
0x46d: {  	[tilespmem:s23+$0xFFFFFE50] =	vst v5;
	v2 =	vld [tilespmem:s25+$0x20]  }
0x46e: {  	v5 =	vld [tilespmem:s25+$0xFFFFFE20];
	[tilespmem:s20+$0xA8] =	vst v3  }
0x46f: {  	[tilespmem:s20+$0xFFFFFEE8] =	vst v4;
	v3 =	vld [tilespmem:s22+$0xD0]  }
0x470: {  	v4 =	vld [tilespmem:s22+$0xFFFFFED0];
	[tilespmem:s18+$0x13A] =	vst v1  }
0x471: {  	[tilespmem:s18+$0xFFFFFF7A] =	vst v0;
	v0 =	vld [tilespmem:s21+$0x180]  }
0x472: {  	[tilespmem:s23+$0x20] =	vst v2;
	v1 =	vld [tilespmem:s21+$0xFFFFFF80]  }
0x473: {  	[tilespmem:s23+$0xFFFFFE60] =	vst v5;
	v2 =	vld [tilespmem:s25+$0x22]  }
0x474: {  	v5 =	vld [tilespmem:s25+$0xFFFFFE22];
	[tilespmem:s20+$0xB8] =	vst v3  }
0x475: {  	[tilespmem:s20+$0xFFFFFEF8] =	vst v4;
	v3 =	vld [tilespmem:s22+$0xE0]  }
0x476: {  	v4 =	vld [tilespmem:s22+$0xFFFFFEE0];
	[tilespmem:s18+$0x150] =	vst v0  }
0x477: {  	[tilespmem:s18+$0xFFFFFF90] =	vst v1;
	v0 =	vld [tilespmem:s21+$0x190]  }
0x478: {  	[tilespmem:s23+$0x22] =	vst v2;
	v1 =	vld [tilespmem:s21+$0xFFFFFF90]  }
0x479: {  	[tilespmem:s23+$0xFFFFFE62] =	vst v5;
	v2 =	vld [tilespmem:s25+$0x40]  }
0x47a: {  	v5 =	vld [tilespmem:s25+$0xFFFFFE40];
	[tilespmem:s20+$0xC8] =	vst v3  }
0x47b: {  	[tilespmem:s20+$0xFFFFFF08] =	vst v4;
	v3 =	vld [tilespmem:s22+$0xE2]  }
0x47c: {  	v4 =	vld [tilespmem:s22+$0xFFFFFEE2];
	[tilespmem:s18+$0x160] =	vst v0  }
0x47d: {  	[tilespmem:s18+$0xFFFFFFA0] =	vst v1;
	v0 =	vld [tilespmem:s21+$0x1A0]  }
0x47e: {  	[tilespmem:s23+$0x38] =	vst v2;
	v1 =	vld [tilespmem:s21+$0xFFFFFFA0]  }
0x47f: {  	[tilespmem:s23+$0xFFFFFE78] =	vst v5;
	v2 =	vld [tilespmem:s25+$0x50]  }
0x480: {  	v5 =	vld [tilespmem:s25+$0xFFFFFE50];
	[tilespmem:s20+$0xCA] =	vst v3  }
0x481: {  	[tilespmem:s20+$0xFFFFFF0A] =	vst v4;
	v3 =	vld [tilespmem:s22+$0x100]  }
0x482: {  	v4 =	vld [tilespmem:s22+$0xFFFFFF00];
	[tilespmem:s18+$0x170] =	vst v0  }
0x483: {  	[tilespmem:s18+$0xFFFFFFB0] =	vst v1;
	v0 =	vld [tilespmem:s21+$0x1A2]  }
0x484: {  	[tilespmem:s23+$0x48] =	vst v2;
	v1 =	vld [tilespmem:s21+$0xFFFFFFA2]  }
0x485: {  	[tilespmem:s23+$0xFFFFFE88] =	vst v5;
	v2 =	vld [tilespmem:s25+$0x60]  }
0x486: {  	v5 =	vld [tilespmem:s25+$0xFFFFFE60];
	[tilespmem:s20+$0xE0] =	vst v3  }
0x487: {  	[tilespmem:s20+$0xFFFFFF20] =	vst v4;
	v3 =	vld [tilespmem:s22+$0x110]  }
0x488: {  	v4 =	vld [tilespmem:s22+$0xFFFFFF10];
	[tilespmem:s18+$0x172] =	vst v0  }
0x489: {  	[tilespmem:s18+$0xFFFFFFB2] =	vst v1;
	v0 =	vld [tilespmem:s21+$0x1C0]  }
0x48a: {  	[tilespmem:s23+$0x58] =	vst v2;
	v1 =	vld [tilespmem:s21+$0xFFFFFFC0]  }
0x48b: {  	[tilespmem:s23+$0xFFFFFE98] =	vst v5;
	v2 =	vld [tilespmem:s25+$0x62]  }
0x48c: {  	v5 =	vld [tilespmem:s25+$0xFFFFFE62];
	[tilespmem:s20+$0xF0] =	vst v3  }
0x48d: {  	[tilespmem:s20+$0xFFFFFF30] =	vst v4;
	v3 =	vld [tilespmem:s22+$0x120]  }
0x48e: {  	v4 =	vld [tilespmem:s22+$0xFFFFFF20];
	[tilespmem:s18+$0x188] =	vst v0  }
0x48f: {  	[tilespmem:s18+$0xFFFFFFC8] =	vst v1;
	v0 =	vld [tilespmem:s21+$0x1D0]  }
0x490: {  	[tilespmem:s23+$0x5A] =	vst v2;
	v1 =	vld [tilespmem:s21+$0xFFFFFFD0]  }
0x491: {  	[tilespmem:s23+$0xFFFFFE9A] =	vst v5;
	v2 =	vld [tilespmem:s25+$0x80]  }
0x492: {  	v5 =	vld [tilespmem:s25+$0xFFFFFE80];
	[tilespmem:s20+$0x100] =	vst v3  }
0x493: {  	[tilespmem:s20+$0xFFFFFF40] =	vst v4;
	v3 =	vld [tilespmem:s22+$0x122]  }
0x494: {  	v4 =	vld [tilespmem:s22+$0xFFFFFF22];
	[tilespmem:s18+$0x198] =	vst v0  }
0x495: {  	[tilespmem:s18+$0xFFFFFFD8] =	vst v1;
	v0 =	vld [tilespmem:s21+$0x1E0]  }
0x496: {  	[tilespmem:s23+$0x70] =	vst v2;
	v1 =	vld [tilespmem:s21+$0xFFFFFFE0]  }
0x497: {  	[tilespmem:s23+$0xFFFFFEB0] =	vst v5;
	v2 =	vld [tilespmem:s25+$0x90]  }
0x498: {  	v5 =	vld [tilespmem:s25+$0xFFFFFE90];
	[tilespmem:s20+$0x102] =	vst v3  }
0x499: {  	[tilespmem:s20+$0xFFFFFF42] =	vst v4;
	v6 =	vld [tilespmem:s22+$0x140]  }
0x49a: {  	v7 =	vld [tilespmem:s22+$0xFFFFFF40];
	[tilespmem:s18+$0x1A8] =	vst v0  }
0x49b: {  	[tilespmem:s18+$0xFFFFFFE8] =	vst v1;
	v8 =	vld [tilespmem:s21+$0x1E2]  }
.Ltmp3:
0x49c: {  	[tilespmem:s23+$0x80] =	vst v2;
	v0 =	vld [tilespmem:s21+$0xFFFFFFE2];
	s21 =	smov.u32 s22;
	s22 =	smov.u32 s25;
	(pc) =	sbr.rel @p1 .LBB2_9-.Ltmp3, $4  }
0x49d: {  	[tilespmem:s23+$0xFFFFFEC0] =	vst v5;
	v3 =	vld [tilespmem:s25+$0xA0]  }
0x49e: {  	v4 =	vld [tilespmem:s25+$0xFFFFFEA0];
	[tilespmem:s20+$0x118] =	vst v6  }
0x49f: {  	[tilespmem:s20+$0xFFFFFF58] =	vst v7;
	v1 =	vld [tilespmem:s21+$0x150]  }
0x4a0: {  	s25 =	sadd.s32 $0x400, s25;
	v2 =	vld [tilespmem:s21+$0xFFFFFF50];
	[tilespmem:s18+$0x1AA] =	vst v8  }
0x4a1: {  	_ = 	snop  }
0x4a2: {  	[tilespmem:s23+$0x90] =	vst v3  }
0x4a3: {  	[tilespmem:s23+$0xFFFFFED0] =	vst v4;
	v3 =	vld [tilespmem:s22+$0xA2]  }
0x4a4: {  	v4 =	vld [tilespmem:s22+$0xFFFFFEA2];
	_ =	sdelay $0x3  }
0x4a5: {  	[tilespmem:s23+$0x92] =	vst v3  }
0x4a6: {  	[tilespmem:s23+$0xFFFFFED2] =	vst v4;
	v3 =	vld [tilespmem:s22+$0xC0]  }
0x4a7: {  	v4 =	vld [tilespmem:s22+$0xFFFFFEC0];
	_ =	sdelay $0x3  }
0x4a8: {  	[tilespmem:s23+$0xA8] =	vst v3  }
0x4a9: {  	[tilespmem:s23+$0xFFFFFEE8] =	vst v4;
	v3 =	vld [tilespmem:s22+$0xD0]  }
0x4aa: {  	v4 =	vld [tilespmem:s22+$0xFFFFFED0];
	_ =	sdelay $0x3  }
0x4ab: {  	[tilespmem:s23+$0xB8] =	vst v3  }
0x4ac: {  	[tilespmem:s23+$0xFFFFFEF8] =	vst v4;
	v3 =	vld [tilespmem:s22+$0xE0]  }
0x4ad: {  	v4 =	vld [tilespmem:s22+$0xFFFFFEE0];
	_ =	sdelay $0x3  }
0x4ae: {  	[tilespmem:s23+$0xC8] =	vst v3  }
0x4af: {  	[tilespmem:s23+$0xFFFFFF08] =	vst v4;
	v3 =	vld [tilespmem:s22+$0xE2]  }
0x4b0: {  	v4 =	vld [tilespmem:s22+$0xFFFFFEE2];
	_ =	sdelay $0x3  }
0x4b1: {  	[tilespmem:s23+$0xCA] =	vst v3  }
0x4b2: {  	[tilespmem:s23+$0xFFFFFF0A] =	vst v4;
	v3 =	vld [tilespmem:s22+$0x100]  }
0x4b3: {  	v4 =	vld [tilespmem:s22+$0xFFFFFF00];
	_ =	sdelay $0x3  }
0x4b4: {  	[tilespmem:s23+$0xE0] =	vst v3  }
0x4b5: {  	[tilespmem:s23+$0xFFFFFF20] =	vst v4;
	v3 =	vld [tilespmem:s22+$0x110]  }
0x4b6: {  	v4 =	vld [tilespmem:s22+$0xFFFFFF10];
	_ =	sdelay $0x3  }
0x4b7: {  	[tilespmem:s23+$0xF0] =	vst v3  }
0x4b8: {  	[tilespmem:s23+$0xFFFFFF30] =	vst v4;
	v3 =	vld [tilespmem:s22+$0x120]  }
0x4b9: {  	v4 =	vld [tilespmem:s22+$0xFFFFFF20];
	_ =	sdelay $0x3  }
0x4ba: {  	[tilespmem:s23+$0x100] =	vst v3  }
0x4bb: {  	[tilespmem:s23+$0xFFFFFF40] =	vst v4;
	v3 =	vld [tilespmem:s22+$0x122]  }
0x4bc: {  	v4 =	vld [tilespmem:s22+$0xFFFFFF22];
	_ =	sdelay $0x3  }
0x4bd: {  	[tilespmem:s23+$0x102] =	vst v3  }
0x4be: {  	[tilespmem:s23+$0xFFFFFF42] =	vst v4;
	v3 =	vld [tilespmem:s22+$0x140]  }
0x4bf: {  	v4 =	vld [tilespmem:s22+$0xFFFFFF40];
	_ =	sdelay $0x3  }
0x4c0: {  	[tilespmem:s23+$0x118] =	vst v3  }
0x4c1: {  	[tilespmem:s23+$0xFFFFFF58] =	vst v4;
	v3 =	vld [tilespmem:s22+$0x150]  }
0x4c2: {  	v4 =	vld [tilespmem:s22+$0xFFFFFF50];
	_ =	sdelay $0x1  }
0x4c3: {  	[tilespmem:s20+$0x128] =	vst v1  }
0x4c4: {  	[tilespmem:s20+$0xFFFFFF68] =	vst v2;
	v1 =	vld [tilespmem:s21+$0x160]  }
0x4c5: {  	v2 =	vld [tilespmem:s21+$0xFFFFFF60];
	[tilespmem:s23+$0x128] =	vst v3  }
0x4c6: {  	[tilespmem:s23+$0xFFFFFF68] =	vst v4;
	v3 =	vld [tilespmem:s22+$0x160]  }
0x4c7: {  	v4 =	vld [tilespmem:s22+$0xFFFFFF60];
	_ =	sdelay $0x1  }
0x4c8: {  	[tilespmem:s20+$0x138] =	vst v1  }
0x4c9: {  	[tilespmem:s20+$0xFFFFFF78] =	vst v2;
	v1 =	vld [tilespmem:s21+$0x162]  }
0x4ca: {  	v2 =	vld [tilespmem:s21+$0xFFFFFF62];
	[tilespmem:s23+$0x138] =	vst v3  }
0x4cb: {  	[tilespmem:s23+$0xFFFFFF78] =	vst v4;
	v3 =	vld [tilespmem:s22+$0x162]  }
0x4cc: {  	v4 =	vld [tilespmem:s22+$0xFFFFFF62];
	_ =	sdelay $0x1  }
0x4cd: {  	[tilespmem:s20+$0x13A] =	vst v1  }
0x4ce: {  	[tilespmem:s20+$0xFFFFFF7A] =	vst v2;
	v1 =	vld [tilespmem:s21+$0x180]  }
0x4cf: {  	v2 =	vld [tilespmem:s21+$0xFFFFFF80];
	[tilespmem:s23+$0x13A] =	vst v3  }
0x4d0: {  	[tilespmem:s23+$0xFFFFFF7A] =	vst v4;
	v3 =	vld [tilespmem:s22+$0x180]  }
0x4d1: {  	v4 =	vld [tilespmem:s22+$0xFFFFFF80];
	_ =	sdelay $0x1  }
0x4d2: {  	[tilespmem:s20+$0x150] =	vst v1  }
0x4d3: {  	[tilespmem:s20+$0xFFFFFF90] =	vst v2;
	v1 =	vld [tilespmem:s21+$0x190]  }
0x4d4: {  	v2 =	vld [tilespmem:s21+$0xFFFFFF90];
	[tilespmem:s23+$0x150] =	vst v3  }
0x4d5: {  	[tilespmem:s23+$0xFFFFFF90] =	vst v4;
	v3 =	vld [tilespmem:s22+$0x190]  }
0x4d6: {  	v4 =	vld [tilespmem:s22+$0xFFFFFF90];
	_ =	sdelay $0x1  }
0x4d7: {  	[tilespmem:s20+$0x160] =	vst v1  }
0x4d8: {  	[tilespmem:s20+$0xFFFFFFA0] =	vst v2;
	v1 =	vld [tilespmem:s21+$0x1A0]  }
0x4d9: {  	v2 =	vld [tilespmem:s21+$0xFFFFFFA0];
	[tilespmem:s23+$0x160] =	vst v3  }
0x4da: {  	[tilespmem:s23+$0xFFFFFFA0] =	vst v4;
	v3 =	vld [tilespmem:s22+$0x1A0]  }
0x4db: {  	v4 =	vld [tilespmem:s22+$0xFFFFFFA0];
	_ =	sdelay $0x1  }
0x4dc: {  	[tilespmem:s20+$0x170] =	vst v1  }
0x4dd: {  	[tilespmem:s20+$0xFFFFFFB0] =	vst v2;
	v1 =	vld [tilespmem:s21+$0x1A2]  }
0x4de: {  	v2 =	vld [tilespmem:s21+$0xFFFFFFA2];
	[tilespmem:s23+$0x170] =	vst v3  }
0x4df: {  	[tilespmem:s23+$0xFFFFFFB0] =	vst v4;
	v3 =	vld [tilespmem:s22+$0x1A2]  }
0x4e0: {  	v4 =	vld [tilespmem:s22+$0xFFFFFFA2];
	_ =	sdelay $0x1  }
0x4e1: {  	[tilespmem:s20+$0x172] =	vst v1  }
0x4e2: {  	[tilespmem:s20+$0xFFFFFFB2] =	vst v2;
	v1 =	vld [tilespmem:s21+$0x1C0]  }
0x4e3: {  	v2 =	vld [tilespmem:s21+$0xFFFFFFC0];
	[tilespmem:s23+$0x172] =	vst v3  }
0x4e4: {  	[tilespmem:s23+$0xFFFFFFB2] =	vst v4;
	v3 =	vld [tilespmem:s22+$0x1C0]  }
0x4e5: {  	v4 =	vld [tilespmem:s22+$0xFFFFFFC0];
	_ =	sdelay $0x1  }
0x4e6: {  	[tilespmem:s20+$0x188] =	vst v1  }
0x4e7: {  	[tilespmem:s20+$0xFFFFFFC8] =	vst v2;
	v1 =	vld [tilespmem:s21+$0x1D0]  }
0x4e8: {  	v2 =	vld [tilespmem:s21+$0xFFFFFFD0];
	[tilespmem:s23+$0x188] =	vst v3  }
0x4e9: {  	[tilespmem:s23+$0xFFFFFFC8] =	vst v4;
	v3 =	vld [tilespmem:s22+$0x1D0]  }
0x4ea: {  	v4 =	vld [tilespmem:s22+$0xFFFFFFD0];
	_ =	sdelay $0x1  }
0x4eb: {  	[tilespmem:s20+$0x198] =	vst v1  }
0x4ec: {  	[tilespmem:s20+$0xFFFFFFD8] =	vst v2;
	v1 =	vld [tilespmem:s21+$0x1E0]  }
0x4ed: {  	v2 =	vld [tilespmem:s21+$0xFFFFFFE0];
	[tilespmem:s23+$0x198] =	vst v3  }
0x4ee: {  	[tilespmem:s23+$0xFFFFFFD8] =	vst v4;
	v3 =	vld [tilespmem:s22+$0x1E0]  }
0x4ef: {  	v4 =	vld [tilespmem:s22+$0xFFFFFFE0];
	_ =	sdelay $0x1  }
0x4f0: {  	[tilespmem:s20+$0x1A8] =	vst v1  }
0x4f1: {  	[tilespmem:s20+$0xFFFFFFE8] =	vst v2;
	v1 =	vld [tilespmem:s21+$0x1E2]  }
0x4f2: {  	v2 =	vld [tilespmem:s21+$0xFFFFFFE2];
	[tilespmem:s23+$0x1A8] =	vst v3  }
0x4f3: {  	[tilespmem:s23+$0xFFFFFFE8] =	vst v4;
	v3 =	vld [tilespmem:s22+$0x1E2]  }
0x4f4: {  	v4 =	vld [tilespmem:s22+$0xFFFFFFE2]  }
0x4f5: {  	[tilespmem:s18+$0xFFFFFFEA] =	vst v0  }
0x4f6: {  	[tilespmem:s20+$0x1AA] =	vst v1  }
0x4f7: {  	s17 =	sadd.s32 $0x1, s17;
	[tilespmem:s20+$0xFFFFFFEA] =	vst v2  }
0x4f8: {  	p1 =	sne.s32 s17, $0x10;
	[tilespmem:s23+$0x1AA] =	vst v3  }
.Ltmp4:
0x4f9: {  	s31 =	sadd.s32 $0x2A00, s19;
	[tilespmem:s23+$0xFFFFFFEA] =	vst v4;
	(pc) =	sbr.rel @p1 .LBB2_2-.Ltmp4, $4  }
0x4fa: {  	[hbm4b:s31+s2] =	stream.linear.scatter [tilespmem:s15], [sflag:$0x1], $0x7000, $0x38;
	[tilespmem:$0x1F7A8] =	vst v63  }
0x4fb: {  	_ =	swait.ge [sflag:s12], $0x7000  }
0x4fc: {  	[sflag:s12] =	ssyncset.done $0x0  }
0x4fd: {  	[sflag:s12] =	ssyncadd.s32 $0xFFFF9000  }
0x4fe: {  	s16 =	sadd.s32 $0x1, s16  }
0x4ff: {  	p1 =	sne.s32 s16, s8  }
.Ltmp5:
0x500: {  	_ = 	snop;
	(pc) =	sbr.rel @p1 .LBB2_1-.Ltmp5, $1  }
0x501: {  	_ =	sdelay $0x3  }
0x502: {  	_ =	sfence.sel $0x180000  }
0x503: {  	[bflag:$0x0] =	sbarrier.arrive $0xFFFF  }
0x504: {  	_ =	strace $0x90000047  }
0x505: {  	s0 =	sadd.s32 @!p0 $0x100000, s0;
	[bflag:$0x2] =	sbarrier.arrive $0xFFFF  }
0x506: {  	[sflag:s0] =	ssyncadd.tile.s32 @!p0 $0x1;
	_ =	shalt  }
.Lfunc_end2:
_tile_overlayer_lowered:
.L_overlay_start_2:
0x507: {  	(tag) =	ssettag $0x2  }
0x508: {  	s0 =	rddreg [dreg:$0x0];
	s2 =	stileid.u32  }
0x509: {  	s1 =	rddreg [dreg:$0x1];
	p0 =	sne.s32 s2, $0x0  }
0x50a: {  	s3 =	rddreg [dreg:$0x2];
	[bflag:$0x3] =	sbarrier.arrive $0xFFFF;
	s2 =	simm.s32 @!p0 $0x1C01  }
0x50b: {  	[timem:s3], [sflag:s2] =	dma.local @!p0 [hbm:s0], s1  }
0x50c: {  	s0 =	simm.s32 @!p0 $0x1  }
0x50d: {  	_ =	swait.ge @!p0 [sflag:s0], s1  }
0x50e: {  	s1 =	ssub.s32 @!p0 $0x0, s1;
	[sflag:s0] =	ssyncset.done @!p0 $0x0  }
0x50f: {  	[sflag:s0] =	ssyncadd.s32 @!p0 s1  }
0x510: {  	[bflag:$0x3] =	sbarrier.arrive $0xFFFF  }
0x511: {  	_ =	shalt  }

// kernel: sparse-core-data-format-call.cloned.1.call-start
scs
called_computation_lowered:
.L_overlay_start_0:
0x0: {  	s2 =	sld [smem:$0x3FD9]  }
0x1: {  	s3 =	sld [smem:$0x3FFE];
	_ =	sdelay $0x1  }
0x2: {  	s1 =	srdreg.scid  }
0x3: {  	s0 =	sand.u32 $0x1, s1  }
0x4: {  	s18 =	sshll.u32 s0, $0xA;
	s2 =	sadd.s32 s3, s2  }
0x5: {  	s2 =	sadd.s32 s2, s18  }
0x6: {  	[smem:$0x3FC6] =	sst s2  }
0x7: {  	_ = 	snop  }
0x8: {  	s2 =	sld [smem:$0x3FD0];
	(tm) =	ssettm $0x1  }
0x9: {  	s19 =	sld [smem:$0x3FFB];
	_ =	sdelay $0x3  }
0xa: {  	_ =	strace s19  }
0xb: {  	s3 =	sld [smem:$0x3FFC];
	_ =	sdelay $0x3  }
0xc: {  	_ =	strace s3  }
0xd: {  	s3 =	sld [smem:$0x3FFD];
	_ =	sdelay $0x3  }
0xe: {  	_ =	strace s3  }
0xf: {  	_ =	strace $0x8FFFFFFF  }
0x10: {  	s20 =	sld [smem:$0x3FDB];
	_ =	sdelay $0x1  }
0x11: {  	s4 =	simm.s32 $_scs_section_size  }
0x12: {  	s5 =	simm.s32 $_size__tile_overlayer_lowered;
	s6 =	simm.s32 $_tile_overlayer_lowered  }
0x13: {  	s23 =	simm.s32 $0x1BFF;
	s22 =	sshll.u32 s6, $0x1;
	s3 =	sadd.s32 s4, s20  }
0x14: {  	s7 =	simm.s32 $0x0;
	s21 =	sshll.u32 s5, $0x1;
	s5 =	sadd.s32 s22, s3  }
0x15: {  	[timem:s7], [sflag:s23] =	dma.local [hbm:s5], s21  }
0x16: {  	_ =	swait.ge [sflag:s23], s21  }
0x17: {  	s4 =	ssub.s32 $0x0, s21;
	[sflag:s23] =	ssyncset.done $0x0  }
0x18: {  	[sflag:s23] =	ssyncadd.s32 s4;
	_ =	sdelay $0x1  }
0x19: {  	s24 =	simm.s32 $0x1B8B  }
0x1a: {  	_ =	swait.ge [sflag:s24], $0x1  }
0x1b: {  	[sflag:s24] =	ssyncset.done $0x0  }
0x1c: {  	s26 =	simm.s32 $0x1B8E;
	s25 =	sld [smem:$0x3FFE];
	[sflag:s24] =	ssyncadd.s32 $0xFFFFFFFF  }
0x1d: {  	s27 =	simm.s32 $execute0_lowered;
	[smem:$0x3FD2] =	sst s26  }
0x1e: {  	s5 =	sshll.u32 s27, $0x1;
	_ =	strace $0x80000049;
	[dreg:$0x1] =	wrdreg $0xFFFFFFFF  }
0x1f: {  	s28 =	simm.s32 $_size_execute0_lowered;
	s3 =	sadd.s32 s3, s5;
	[dreg:$0x0] =	wrdreg $0x0  }
0x20: {  	s5 =	sshll.u32 s28, $0x1;
	[dreg:$0x2] =	wrdreg s3  }
0x21: {  	[dreg:$0x3] =	wrdreg s5  }
0x22: {  	[dreg:$0x4] =	wrdreg $0xC0  }
0x23: {  	_ =	task [dreg:s7], $0x5FFFF  }
0x24: {  	[dreg:$0x1] =	wrdreg $0xFFFFFFFF  }
0x25: {  	[dreg:$0x0] =	wrdreg $0x60  }
0x26: {  	[dreg:$0x2] =	wrdreg s25  }
0x27: {  	[dreg:$0x3] =	wrdreg s2  }
0x28: {  	[dreg:$0x4] =	wrdreg $0x9  }
0x29: {  	_ =	task.clear_ibuf [dreg:s7], $0x5FFFF;
	_ =	strace $0x90000049  }
0x2a: {  	s29 =	simm.s32 $0x9;
	_ =	strace $0x8000004B  }
0x2b: {  	_ =	swait.ge [sflag:s29], $0x1  }
0x2c: {  	[sflag:s29] =	ssyncadd.s32 $0xFFFFFFFF  }
0x2d: {  	_ =	strace $0x9000004B  }
0x2e: {  	_ =	sfence  }
0x2f: {  	s30 =	sld [smem:$0x0];
	_ =	sdelay $0x2  }
0x30: {  	s31 =	sshll.u32 s1, $0xD;
	s1 =	sshrl.u32 s1, $0x2  }
0x31: {  	s3 =	sand.u32 $0x4000, s31;
	s1 =	sadd.s32 s1, s30  }
0x32: {  	s0 =	sor.u32 s3, s0;
	s1 =	sshll.u32 s1, $0x11  }
0x33: {  	s0 =	sor.u32 s1, s0  }
0x34: {  	s0 =	sadd.s32 $0x8F2B, s0  }
0x35: {  	[sflag:s0] =	ssyncadd.remote.s32 $0x1  }
0x36: {  	_ =	sfence.sel $0xFFFF  }
0x37: {  	[dreg:$0x0] =	wrdreg $0xFFFFFFFF;
	(pc) =	sbr.abs _section_cstart, $3  }
0x38: {  	[dreg:$0x1] =	wrdreg $0xFFFFFFFF  }
0x39: {  	_ =	task.clear_ibuf [dreg:s7], $0x2FFFF;
	_ =	strace $0x9FFFFFFF  }
0x3a: {  	(tm) =	ssettm $0x7FFFFFFF  }
0x3b: {  	_ =	shalt  }
tec
execute0_lowered:
.L_overlay_start_1:
0x0: {  	(tag) =	ssettag $0x1  }
0x1: {  	s0 =	srdreg.scid;
	s7 =	rddreg [dreg:$0x0]  }
0x2: {  	s2 =	rddreg [dreg:$0x1];
	s8 =	simm.s32 $0x1;
	s9 =	simm.s32 $0x2  }
0x3: {  	s15 =	simm.s32 $0x0;
	s16 =	simm.s32 $0x0;
	s1 =	sshll.u32 s0, $0x4  }
0x4: {  	s10 =	simm.s32 $0x0;
	s0 =	stileid.u32;
	s1 =	sand.u32 $0x10, s1  }
0x5: {  	s11 =	simm.s32 $0x0;
	s12 =	simm.s32 $0x0;
	s1 =	sor.u32 s0, s1  }
0x6: {  	s14 =	simm.s32 $0x0;
	s4 =	sadd.s32 $0x702800, s7;
	s3 =	sshll.u32 s1, $0x1  }
0x7: {  	s7 =	sadd.s32 $0x703800, s7;
	s1 =	rddreg [dreg:$0x2];
	s6 =	ssub.s32 $0x1000, s3  }
.Ltmp0:
0x8: {  	_ =	strace $0x8000004A;
	s5 =	sand.u32 $0x3E, s6;
	(pc) =	sbr.rel .LBB1_1-.Ltmp0, $4  }
0x9: {  	s13 =	smov.u32 s3;
	p0 =	sne.s32 s5, $0x0;
	s5 =	simm.s32 $0x1  }
0xa: {  	s6 =	sshrl.u32 s6, $0x6;
	s8 =	simm.s32 @!p0 $0x0;
	[sflag:s5] =	ssyncpa.u1 $0x0  }
0xb: {  	p0 =	por $0x0, $0x0;
	s8 =	sadd.s32 s8, s6;
	[sflag:s9] =	ssyncpa.u1 $0x0  }
0xc: {  	s9 =	simm.s32 $0x100000;
	s6 =	sshll.u32 s8, $0x1;
	s8 =	sshllo.u32 s8, $0x1  }
.LBB1_7:
0xd: {  	p1 =	slt.u32 s14, $0x2  }
0xe: {  	s18 =	smov.u32 s16;
	p2 =	sgt.s32 @!p1 s16, $0xFFE;
	s17 =	sshra.s32 @!p1 s16, $0x1F  }
0xf: {  	p3 =	sgt.s32 @!p1 s15, $0x80;
	s19 =	sshra.s32 @!p1 s15, $0x1F;
	p2 =	por !p2, p1  }
0x10: {  	s16 =	sand.u32 @!p1 s17, s16;
	p3 =	por !p3, p1;
	s17 =	smov.u32 s15  }
0x11: {  	s15 =	sand.u32 @!p1 s19, s15;
	s18 =	simm.s32 @p2 $0xFFE;
	s17 =	simm.s32 @p3 $0x80  }
0x12: {  	s19 =	smov.u32 s13;
	s16 =	ssub.s32 @!p1 s18, s16;
	s15 =	ssub.s32 @!p1 s17, s15  }
0x13: {  	s17 =	sadd.s32 @!p1 $0xFFFFF002, s16;
	s16 =	ssub.s32 @!p1 $0x1000, s16;
	s18 =	sadd.s32 @!p1 $0xFFFFFF80, s15  }
0x14: {  	p2 =	sgt.s32 @!p1 s17, $0x1;
	s16 =	smul.u32 @!p1 $0x32, s16;
	p3 =	sgt.s32 @!p1 s18, $0x7F  }
0x15: {  	s15 =	ssub.s32 @!p1 $0x100, s15;
	p2 =	por !p2, p1;
	p3 =	por !p3, p1  }
0x16: {  	s17 =	sadd.s32 $0x80, s12;
	s16 =	simm.s32 @!p2 $0x0;
	s15 =	simm.s32 @!p3 $0x0  }
0x17: {  	p2 =	sgt.s32 s17, $0xFF;
	s15 =	smul.u32 @!p1 s15, s16;
	s16 =	sadd.s32 $0x40, s13  }
0x18: {  	s19 =	smov.u32 @p2 s16  }
0x19: {  	s17 =	simm.s32 @p2 $0x0;
	p2 =	sgt.s32 s19, $0xFFF  }
0x1a: {  	s19 =	smov.u32 @p2 s3;
	p2 =	sne.s32 s14, s8  }
.Ltmp1:
0x1b: {  	p0 =	por !p0, !p0;
	s18 =	simm.s32 @!p1 $0x2;
	(pc) =	sbr.rel @!p2 .LBB1_8-.Ltmp1, $4  }
0x1c: {  	s16 =	smov.u32 s11;
	s11 =	smov.u32 s13;
	s15 =	sand.u32 @!p1 $0x3FFFFFFE, s15  }
0x1d: {  	_ =	swait.ge @!p1 [sflag:s18], s15;
	s20 =	ssub.s32 @!p1 $0x0, s15;
	s15 =	smov.u32 s10  }
0x1e: {  	s14 =	sadd.s32 $0x1, s14;
	s10 =	smov.u32 s12;
	[sflag:s18] =	ssyncset.done @!p1 $0x0  }
0x1f: {  	s12 =	smov.u32 s17;
	s13 =	smov.u32 s19;
	[sflag:s18] =	ssyncadd.s32 @!p1 s20  }
.LBB1_1:
0x20: {  	p1 =	sge.u32 s14, s6  }
0x21: {  	s17 =	sxor.u32 @!p1 $0xFFFFFFFF, s14;
	s18 =	sshll.u32 @!p1 s13, $0xC  }
0x22: {  	s19 =	sshll.u32 @!p1 s12, $0x4;
	s21 =	simm.s32 @!p1 $0x40;
	s22 =	simm.s32 @!p1 $0x80  }
0x23: {  	s17 =	sshll.u32 @!p1 s17, $0xE;
	s19 =	sand.u32 @!p1 $0xFF0, s19;
	s20 =	sadd.s32 @!p1 s4, s18  }
0x24: {  	s18 =	sadd.s32 @!p1 s18, s7;
	s17 =	sand.u32 @!p1 $0x4000, s17;
	s20 =	sadd.s32 @!p1 s19, s20  }
0x25: {  	[tilespmem:s17], [sflag:$0x1] =	stream.strided.gather @!p1 [hbm4b:s20+s21], $0x2000, s22, s21, $0x38;
	[tilespmem:$0x10100] =	vst v63  }
0x26: {  	s31 =	sadd.s32 $0xFFFFFFFF, s14;
	s18 =	sadd.s32 @!p1 s19, s18;
	s17 =	sor.u32 @!p1 $0x2000, s17  }
0x27: {  	[tilespmem:s17], [sflag:$0x1] =	stream.strided.gather @!p1 [hbm4b:s18+s21], $0x2000, s22, s21, $0x38;
	[tilespmem:$0x10100] =	vst v63  }
0x28: {  	p1 =	sge.u32 s31, s6  }
.Ltmp2:
0x29: {  	_ = 	snop;
	(pc) =	sbr.rel @p1 .LBB1_7-.Ltmp2, $1  }
0x2a: {  	_ =	sdelay $0x3  }
0x2b: {  	s17 =	simm.s32 $0x1;
	s19 =	sand.u32 $0x1, s14  }
0x2c: {  	_ =	swait.ge [sflag:s5], $0x4000;
	s17 =	simm.s32 @!p0 $0x0;
	s19 =	smul.u32 $0x10200, s19  }
0x2d: {  	p2 =	por $0x1, $0x1;
	[sflag:s5] =	ssyncset.done $0x0;
	s18 =	smul.u32 $0x10200, s17  }
0x2e: {  	s20 =	sshll.u32 s17, $0x10;
	[sflag:s5] =	ssyncadd.s32 $0xFFFFC000;
	s30 =	sshrl.u32 s19, $0x2  }
0x2f: {  	s31 =	sshrl.u32 s20, $0x2;
	s20 =	simm.s32 $0x0;
	s18 =	sshrl.u32 s18, $0x2  }
0x30: {  	s17 =	sor.u32 $0x8000, s30;
	s19 =	sadd.s32 $0x20, s31;
	s18 =	sor.u32 $0x8000, s18  }
.LBB1_3:
0x31: {  	s21 =	sshll.u32 s20, $0xD  }
0x32: {  	s21 =	sand.u32 $0x3FFFE000, s21  }
0x33: {  	s23 =	sadd.s32 s21, s19  }
0x34: {  	s31 =	smul.u32 $0x204, s20;
	v3 =	vld [tilespmem:s23+$0x10]  }
0x35: {  	v1 =	vld [tilespmem:s23+$0xFFFFFFF0]  }
0x36: {  	s20 =	sshra.s32 s31, $0x2;
	v0 =	vld [tilespmem:s23+$0x0]  }
0x37: {  	s20 =	sadd.s32 s20, s18;
	v2 =	vld [tilespmem:s23+$0xFFFFFFE0]  }
0x38: {  	s21 =	sadd.s32 $0x0, s20  }
0x39: {  	p1 =	por p2, p2;
	s22 =	simm.s32 $0x4;
	s23 =	sadd.s32 $0x40, s23;
	[tilespmem:s21+$0x3060 ss:$0x102] =	vst.msk $0xffff, v3  }
.LBB1_4:
0x3a: {  	v3 =	vld [tilespmem:s23+$0x10];
	p2 =	sne.s32 s22, $0x1FC;
	[tilespmem:s21+$0x1020 ss:$0x102] =	vst.msk $0xffff, v1;
	s24 =	smov.u32 s22;
	s22 =	sadd.s32 $0x4, s22  }
.Ltmp3:
0x3b: {  	v1 =	vld [tilespmem:s23+$0xFFFFFFF0];
	[tilespmem:s21+$0x2040 ss:$0x102] =	vst.msk $0xffff, v0;
	(pc) =	sbr.rel @p2 .LBB1_4-.Ltmp3, $4  }
0x3c: {  	v0 =	vld [tilespmem:s23+$0x0];
	[tilespmem:s21+$0x0 ss:$0x102] =	vst.msk $0xffff, v2  }
0x3d: {  	s21 =	sshra.s32 s24, $0x2;
	v2 =	vld [tilespmem:s23+$0xFFFFFFE0]  }
0x3e: {  	s21 =	sadd.s32 s21, s20  }
0x3f: {  	s23 =	sadd.s32 $0x40, s23;
	[tilespmem:s21+$0x3060 ss:$0x102] =	vst.msk $0xffff, v3  }
.Ltmp4:
0x40: {  	(pc) =	sbr.rel @p1 .LBB1_3-.Ltmp4, $4  }
0x41: {  	_ = 	snop  }
0x42: {  	[tilespmem:s21+$0x1020 ss:$0x102] =	vst.msk $0xffff, v1  }
0x43: {  	[tilespmem:s21+$0x2040 ss:$0x102] =	vst.msk $0xffff, v0  }
0x44: {  	s20 =	simm.s32 $0x1;
	p2 =	por $0x0, $0x0;
	[tilespmem:s21+$0x0 ss:$0x102] =	vst.msk $0xffff, v2  }
0x45: {  	p1 =	sgt.s32 s11, $0xFFE  }
0x46: {  	s18 =	smov.u32 s11;
	s19 =	sshra.s32 s11, $0x1F;
	s20 =	sshll.u32 s11, $0x8  }
0x47: {  	s21 =	sshll.u32 s10, $0x3;
	s22 =	sshra.s32 s10, $0x1F;
	s23 =	sand.u32 $0x78, s10  }
0x48: {  	s30 =	sshll.u32 s11, $0x7;
	s18 =	simm.s32 @!p1 $0xFFE;
	s19 =	sand.u32 s19, s11  }
0x49: {  	s20 =	sand.u32 $0xFF800, s20;
	p1 =	sgt.s32 s10, $0x80;
	s22 =	sand.u32 s22, s10  }
0x4a: {  	s18 =	ssub.s32 s18, s19;
	s27 =	sadd.s32 s20, s21;
	s21 =	smov.u32 s10  }
0x4b: {  	s28 =	sadd.s32 $0xFFFFF002, s18;
	s18 =	ssub.s32 $0x1000, s18;
	s21 =	simm.s32 @!p1 $0x80  }
0x4c: {  	s19 =	sand.u32 $0xFFC00, s27;
	s18 =	smul.u32 $0x32, s18;
	s29 =	ssub.s32 s21, s22  }
0x4d: {  	p1 =	sgt.s32 s28, $0x1;
	s21 =	sand.u32 $0x380, s30;
	s22 =	sadd.s32 $0xFFFFFF80, s29  }
0x4e: {  	s20 =	ssub.s32 $0x100, s29;
	s18 =	simm.s32 @p1 $0x0;
	p1 =	sgt.s32 s22, $0x7F  }
.Ltmp5:
0x4f: {  	s21 =	sor.u32 s21, s23;
	s20 =	simm.s32 @p1 $0x0;
	(pc) =	sbr.rel .LBB1_7-.Ltmp5, $4  }
0x50: {  	s31 =	sand.u32 $0x7, s10;
	s19 =	sor.u32 s19, s21;
	s18 =	smul.u32 s20, s18  }
0x51: {  	s19 =	sshrl.u32 s19, $0x3;
	s20 =	sshll.u32 s31, $0x12  }
0x52: {  	s19 =	sadd.s32 s2, s19;
	s20 =	sor.u32 $0x100, s20;
	s18 =	sand.u32 $0x3FFFFFFE, s18  }
0x53: {  	[hbm4b:s19+s20] =	stream.strided.scatter [tilespmem:s17], [sflag:$0x2], s18, s9, s20, $0x20;
	[tilespmem:$0x10100] =	vst v63  }
.LBB1_8:
0x54: {  	_ =	sfence.sel $0x180000  }
0x55: {  	s2 =	simm.s32 $0x1;
	[bflag:$0x0] =	sbarrier.arrive $0xFFFF  }
0x56: {  	s31 =	simm.s32 $0x2;
	[sflag:s2] =	ssyncpa.u1 $0x1  }
0x57: {  	[sflag:s31] =	ssyncpa.u1 $0x1  }
0x58: {  	p0 =	sne.s32 s0, $0x0;
	_ =	strace $0x9000004A  }
0x59: {  	s0 =	sadd.s32 @!p0 $0x100000, s1;
	[bflag:$0x2] =	sbarrier.arrive $0xFFFF  }
0x5a: {  	[sflag:s0] =	ssyncadd.tile.s32 @!p0 $0x1;
	_ =	shalt  }
.Lfunc_end1:
_tile_overlayer_lowered:
.L_overlay_start_2:
0x5b: {  	(tag) =	ssettag $0x2  }
0x5c: {  	s0 =	rddreg [dreg:$0x0];
	s2 =	stileid.u32  }
0x5d: {  	s1 =	rddreg [dreg:$0x1];
	p0 =	sne.s32 s2, $0x0  }
0x5e: {  	s3 =	rddreg [dreg:$0x2];
	[bflag:$0x3] =	sbarrier.arrive $0xFFFF;
	s2 =	simm.s32 @!p0 $0x1C01  }
0x5f: {  	[timem:s3], [sflag:s2] =	dma.local @!p0 [hbm:s0], s1  }
0x60: {  	s0 =	simm.s32 @!p0 $0x1  }
0x61: {  	_ =	swait.ge @!p0 [sflag:s0], s1  }
0x62: {  	s1 =	ssub.s32 @!p0 $0x0, s1;
	[sflag:s0] =	ssyncset.done @!p0 $0x0  }
0x63: {  	[sflag:s0] =	ssyncadd.s32 @!p0 s1  }
0x64: {  	[bflag:$0x3] =	sbarrier.arrive $0xFFFF  }
0x65: {  	_ =	shalt  }

</sc_bundles>
